<compile_context>
chip_gen: v7x
topology: tpu7x:2x2x1
jax: 0.10.2.dev20260603
libtpu: 0.0.44.dev20260713+nightly
codegen_flags: <defaults>
</compile_context>

<pallas_src>
import functools

import jax
import jax.numpy as jnp
from jax import lax
from jax.experimental import pallas as pl
from jax.experimental.pallas import tpu as pltpu
from jax.experimental.pallas import tpu_sc as plsc

NUM_VARS = 512
HIDDEN = 16
TOPK = 8
TEMP = 1.0

_NC = 2
_NS = 16
_LANES = 16
_ROWS_PER_W = NUM_VARS // (_NC * _NS)


def _sim_kernel(ve_ref, wq_ref, bq_ref, wk_ref, bk_ref, sim_ref):
    ve = ve_ref[...]
    q = lax.dot_general(ve, wq_ref[...], (((1,), (1,)), ((), ())),
                        preferred_element_type=jnp.float32) + bq_ref[...]
    k = lax.dot_general(ve, wk_ref[...], (((1,), (1,)), ((), ())),
                        preferred_element_type=jnp.float32) + bk_ref[...]
    sim = lax.dot_general(q, k, (((1,), (1,)), ((), ())),
                          preferred_element_type=jnp.float32)
    n = sim.shape[0]
    row = lax.broadcasted_iota(jnp.int32, (n, n), 0)
    col = lax.broadcasted_iota(jnp.int32, (n, n), 1)
    sim_ref[...] = jnp.where(row == col, jnp.float32(-1e9), sim)


def _sc_routing_body(sim_hbm, s_hbm, sim_tile, s_tile):
    wid = lax.axis_index("s") * _NC + lax.axis_index("c")
    base = wid * _ROWS_PER_W
    pltpu.sync_copy(sim_hbm.at[pl.ds(base, _ROWS_PER_W)], sim_tile)

    lane = lax.iota(jnp.int32, _LANES)
    mask8 = lane < TOPK

    def one_row(r):
        nodes = []
        for j in range(NUM_VARS // _LANES):
            kj = sim_tile[r, pl.ds(j * _LANES, _LANES)]
            vj = lane + (j * _LANES)
            nodes.append(plsc.sort_key_val(kj, vj, descending=True))
        while len(nodes) > 1:
            nxt = []
            for i in range(0, len(nodes), 2):
                ak, av = nodes[i]
                bk, bv = nodes[i + 1]
                mk = jnp.where(mask8, ak, lax.rev(bk, (0,)))
                mv = jnp.where(mask8, av, lax.rev(bv, (0,)))
                nxt.append(plsc.sort_key_val(mk, mv, descending=True))
            nodes = nxt
        kf, vf = nodes[0]

        m0 = jnp.max(kf)
        e = jnp.where(mask8, jnp.exp((kf - m0) * jnp.float32(1.0 / TEMP)),
                      jnp.float32(0.0))
        denom = jnp.broadcast_to(jnp.sum(e), (_LANES,))
        w = e / denom

        zero = jnp.zeros((_LANES,), jnp.float32)
        for j in range(NUM_VARS // _LANES):
            s_tile[r, pl.ds(j * _LANES, _LANES)] = zero
        plsc.store_scatter(s_tile, [jnp.full((_LANES,), r, jnp.int32), vf],
                           w, mask=mask8)

    def row_body(r2, _):
        one_row(r2 * 2)
        one_row(r2 * 2 + 1)
        return ()

    lax.fori_loop(0, _ROWS_PER_W // 2, row_body, ())
    pltpu.sync_copy(s_tile, s_hbm.at[pl.ds(base, _ROWS_PER_W)])


_sc_routing = functools.partial(
    pl.kernel,
    out_type=jax.ShapeDtypeStruct((NUM_VARS, NUM_VARS), jnp.float32),
    mesh=plsc.VectorSubcoreMesh(core_axis_name="c", subcore_axis_name="s"),
    compiler_params=pltpu.CompilerParams(needs_layout_passes=False),
    scratch_types=[
        pltpu.VMEM((_ROWS_PER_W, NUM_VARS), jnp.float32),
        pltpu.VMEM((_ROWS_PER_W, NUM_VARS), jnp.float32),
    ],
)(_sc_routing_body)


def _combine_kernel(x_ref, s_ref, o_ref):
    o_ref[...] = lax.dot_general(
        x_ref[...], s_ref[...], (((1,), (1,)), ((), ())),
        preferred_element_type=jnp.float32)


@jax.jit
def kernel(x, var_embed, Wq, bq, Wk, bk):
    Bsz, L, N = x.shape
    ve = var_embed.reshape(N, HIDDEN)

    sim = pl.pallas_call(
        _sim_kernel,
        out_shape=jax.ShapeDtypeStruct((N, N), jnp.float32),
    )(ve, Wq, bq.reshape(1, HIDDEN), Wk, bk.reshape(1, HIDDEN))

    s = _sc_routing(sim)

    xs = x.reshape(Bsz * L, N)
    BL = 4096
    grid = (Bsz * L) // BL
    out = pl.pallas_call(
        _combine_kernel,
        grid=(grid,),
        in_specs=[
            pl.BlockSpec((BL, N), lambda i: (i, 0)),
            pl.BlockSpec((N, N), lambda i: (0, 0)),
        ],
        out_specs=pl.BlockSpec((BL, N), lambda i: (i, 0)),
        out_shape=jax.ShapeDtypeStruct((Bsz * L, N), jnp.float32),
    )(xs, s)
    return out.reshape(Bsz, L, N)

# --- scband reference (transcript-rebuilt; emitter-appended) ---
"""Pipeline reference for scband-sparse-variable-router-46179488367247 (READ-ONLY COPY).

The authoritative reference and input builder live on the scoring server;
editing this copy changes nothing except your own understanding.
"""

import jax, jax.numpy as jnp
import numpy as np

NUM_VARS = 512
HIDDEN = 16
TOPK = 8
TEMP = 1.0
B = 2
L = 4096


def setup_inputs(seed: int = 0) -> dict:
    key = jax.random.key(seed)
    ks = jax.random.split(key, 6)
    x = jax.random.normal(ks[0], (B, L, NUM_VARS), dtype=jnp.float32)
    # xavier-uniform-ish scales
    ve_scale = (6.0 / (NUM_VARS + HIDDEN)) ** 0.5
    var_embed = jax.random.uniform(ks[1], (1, NUM_VARS, HIDDEN), dtype=jnp.float32, minval=-ve_scale, maxval=ve_scale)
    w_scale = (6.0 / (HIDDEN + HIDDEN)) ** 0.5
    Wq = jax.random.uniform(ks[2], (HIDDEN, HIDDEN), dtype=jnp.float32, minval=-w_scale, maxval=w_scale)
    bq = jnp.zeros((HIDDEN,), dtype=jnp.float32)
    Wk = jax.random.uniform(ks[3], (HIDDEN, HIDDEN), dtype=jnp.float32, minval=-w_scale, maxval=w_scale)
    bk = jnp.zeros((HIDDEN,), dtype=jnp.float32)
    return {"x": x, "var_embed": var_embed, "Wq": Wq, "bq": bq, "Wk": Wk, "bk": bk}


def reference(x, var_embed, Wq, bq, Wk, bk):
    # eval-mode forward (no gumbel noise)
    Bsz, Ls, N = x.shape
    H = var_embed.shape[-1]
    var_emb = jnp.broadcast_to(var_embed, (Bsz, N, H))
    Q = var_emb @ Wq.T + bq
    K = var_emb @ Wk.T + bk
    sim = jnp.einsum('bnh,bmh->bnm', Q, K)  # [B, N, N]
    eye = jnp.eye(N, dtype=bool)
    sim = jnp.where(eye[None, :, :], jnp.float32(-1e9), sim)
    topk_vals, topk_idx = jax.lax.top_k(sim, TOPK)  # [B, N, K]
    sparse_w = jax.nn.softmax(topk_vals / TEMP, axis=-1)
    x_perm = jnp.transpose(x, (0, 2, 1))  # [B, N, L]
    # neighbors[b, n, k, :] = x_perm[b, topk_idx[b, n, k], :]
    neighbors = jax.vmap(lambda xp, idx: xp[idx])(x_perm, topk_idx)  # [B, N, K, L]
    weighted = neighbors * sparse_w[..., None]
    aggregated = jnp.sum(weighted, axis=2)  # [B, N, L]
    return jnp.transpose(aggregated, (0, 2, 1))  # [B, L, N]

if __name__ == "__main__":
    import jax
    _d = setup_inputs()
    print(jax.jit(kernel)(*tuple(_d.values())))

</pallas_src>

<mosaic_0001>
#map = affine_map<(d0, d1) -> (0, 0)>
module attributes {stable_mosaic.version = 14 : i64} {
  func.func @_sc_routing_body(%arg0: i32, %arg1: i32, %arg2: memref<512x512xf32, #tpu.memory_space<hbm>>, %arg3: memref<512x512xf32, #tpu.memory_space<hbm>>, %arg4: memref<16x512xf32, #tpu.memory_space<vmem>>, %arg5: memref<16x512xf32, #tpu.memory_space<vmem>>) attributes {dimension_semantics = [#tpu.dimension_semantics<core_parallel>, #tpu.dimension_semantics<subcore_parallel>], iteration_bounds = array<i64: 2, 16>, scalar_prefetch = 0 : i64, scratch_operands = 2 : i64, tpu.core_type = #tpu.core_type<sc_vector_subcore>, window_params = [{transform_indices = #map}, {transform_indices = #map}]} {
    %mul3A = arith.constant 2 : i32
    %mul3A_0 = arith.muli %arg1, %mul3A : i32
    %add3A = arith.addi %mul3A_0, %arg0 : i32
    %mul3A_1 = arith.constant 16 : i32
    %mul3A_2 = arith.muli %add3A, %mul3A_1 : i32
    "tpu.region"() ({
      %run_scoped3A = tpu.sem_alloc : memref<!tpu.dma_semaphore, #tpu.memory_space<semaphore_mem>>
      %dma_start3A = arith.constant 0 : i32
      %dma_start3A_9 = tpu.memref_slice %arg2[%mul3A_2, %dma_start3A] : memref<512x512xf32, #tpu.memory_space<hbm>> -> memref<16x512xf32, #tpu.memory_space<hbm>>
      %dma_start3A_10 = arith.constant 0 : i32
      %dma_start3A_11 = tpu.memref_slice %arg2[%mul3A_2, %dma_start3A_10] : memref<512x512xf32, #tpu.memory_space<hbm>> -> memref<16x512xf32, #tpu.memory_space<hbm>>
      tpu.enqueue_dma source(%dma_start3A_11 : memref<16x512xf32, #tpu.memory_space<hbm>>) target(%arg4 : memref<16x512xf32, #tpu.memory_space<vmem>>) target_semaphore(%run_scoped3A : memref<!tpu.dma_semaphore, #tpu.memory_space<semaphore_mem>>)
      %dma_wait3A = arith.constant 0 : i32
      %dma_wait3A_12 = tpu.memref_slice %arg2[%mul3A_2, %dma_wait3A] : memref<512x512xf32, #tpu.memory_space<hbm>> -> memref<16x512xf32, #tpu.memory_space<hbm>>
      %dma_wait3A_13 = arith.constant 0 : i32
      %dma_wait3A_14 = tpu.memref_slice %arg2[%mul3A_2, %dma_wait3A_13] : memref<512x512xf32, #tpu.memory_space<hbm>> -> memref<16x512xf32, #tpu.memory_space<hbm>>
      tpu.wait_dma2 semaphore(%run_scoped3A : memref<!tpu.dma_semaphore, #tpu.memory_space<semaphore_mem>>) src(%dma_wait3A_14 : memref<16x512xf32, #tpu.memory_space<hbm>>) dst(%arg4 : memref<16x512xf32, #tpu.memory_space<vmem>>)
      tpu.yield
    }) : () -> ()
    %iota3A = tpu.iota {dimensions = array<i32: 0>} : vector<16xi32>
    %lt3A = arith.constant 8 : i32
    %lt3A_3 = vector.broadcast %lt3A : i32 to vector<16xi32>
    %lt3A_4 = arith.cmpi slt, %iota3A, %lt3A_3 : vector<16xi32>
    %scan3A = arith.constant 0 : i32
    %scan3A_5 = arith.constant 8 : i32
    %scan3A_6 = arith.addi %scan3A, %scan3A_5 : i32
    %scan3A_7 = arith.constant 1 : i32
    scf.for %scan3A_9 = %scan3A to %scan3A_6 step %scan3A_7  : i32 {
      %mul3A_10 = arith.constant 2 : i32
      %mul3A_11 = arith.muli %scan3A_9, %mul3A_10 : i32
      %get3A = arith.index_cast %mul3A_11 : i32 to index
      %get3A_12 = arith.constant 0 : index
      %get3A_13 = tpu.vector_load %arg4[%get3A, %get3A_12] {strides = array<i32>} : memref<16x512xf32, #tpu.memory_space<vmem>>, vector<16xf32>,
      %add3A_14 = arith.constant 0 : i32
      %add3A_15 = vector.broadcast %add3A_14 : i32 to vector<16xi32>
      %add3A_16 = arith.addi %iota3A, %add3A_15 : vector<16xi32>
      %masked_sort3A = arith.constant dense<true> : vector<16xi1>
      %masked_sort3A_17, %masked_sort3A_18, %masked_sort3A_19 = tpu.sort %get3A_13, %add3A_16 masked %masked_sort3A {descending = true} : (vector<16xf32>, vector<16xi32>, vector<16xi1>) -> (vector<16xi1>, vector<16xf32>, vector<16xi32>)
      %get3A_20 = arith.index_cast %mul3A_11 : i32 to index
      %get3A_21 = arith.constant 16 : index
      %get3A_22 = tpu.vector_load %arg4[%get3A_20, %get3A_21] {strides = array<i32>} : memref<16x512xf32, #tpu.memory_space<vmem>>, vector<16xf32>,
      %add3A_23 = arith.constant 16 : i32
      %add3A_24 = vector.broadcast %add3A_23 : i32 to vector<16xi32>
      %add3A_25 = arith.addi %iota3A, %add3A_24 : vector<16xi32>
      %masked_sort3A_26 = arith.constant dense<true> : vector<16xi1>
      %masked_sort3A_27, %masked_sort3A_28, %masked_sort3A_29 = tpu.sort %get3A_22, %add3A_25 masked %masked_sort3A_26 {descending = true} : (vector<16xf32>, vector<16xi32>, vector<16xi1>) -> (vector<16xi1>, vector<16xf32>, vector<16xi32>)
      %get3A_30 = arith.index_cast %mul3A_11 : i32 to index
      %get3A_31 = arith.constant 32 : index
      %get3A_32 = tpu.vector_load %arg4[%get3A_30, %get3A_31] {strides = array<i32>} : memref<16x512xf32, #tpu.memory_space<vmem>>, vector<16xf32>,
      %add3A_33 = arith.constant 32 : i32
      %add3A_34 = vector.broadcast %add3A_33 : i32 to vector<16xi32>
      %add3A_35 = arith.addi %iota3A, %add3A_34 : vector<16xi32>
      %masked_sort3A_36 = arith.constant dense<true> : vector<16xi1>
      %masked_sort3A_37, %masked_sort3A_38, %masked_sort3A_39 = tpu.sort %get3A_32, %add3A_35 masked %masked_sort3A_36 {descending = true} : (vector<16xf32>, vector<16xi32>, vector<16xi1>) -> (vector<16xi1>, vector<16xf32>, vector<16xi32>)
      %get3A_40 = arith.index_cast %mul3A_11 : i32 to index
      %get3A_41 = arith.constant 48 : index
      %get3A_42 = tpu.vector_load %arg4[%get3A_40, %get3A_41] {strides = array<i32>} : memref<16x512xf32, #tpu.memory_space<vmem>>, vector<16xf32>,
      %add3A_43 = arith.constant 48 : i32
      %add3A_44 = vector.broadcast %add3A_43 : i32 to vector<16xi32>
      %add3A_45 = arith.addi %iota3A, %add3A_44 : vector<16xi32>
      %masked_sort3A_46 = arith.constant dense<true> : vector<16xi1>
      %masked_sort3A_47, %masked_sort3A_48, %masked_sort3A_49 = tpu.sort %get3A_42, %add3A_45 masked %masked_sort3A_46 {descending = true} : (vector<16xf32>, vector<16xi32>, vector<16xi1>) -> (vector<16xi1>, vector<16xf32>, vector<16xi32>)
      %get3A_50 = arith.index_cast %mul3A_11 : i32 to index
      %get3A_51 = arith.constant 64 : index
      %get3A_52 = tpu.vector_load %arg4[%get3A_50, %get3A_51] {strides = array<i32>} : memref<16x512xf32, #tpu.memory_space<vmem>>, vector<16xf32>,
      %add3A_53 = arith.constant 64 : i32
      %add3A_54 = vector.broadcast %add3A_53 : i32 to vector<16xi32>
      %add3A_55 = arith.addi %iota3A, %add3A_54 : vector<16xi32>
      %masked_sort3A_56 = arith.constant dense<true> : vector<16xi1>
      %masked_sort3A_57, %masked_sort3A_58, %masked_sort3A_59 = tpu.sort %get3A_52, %add3A_55 masked %masked_sort3A_56 {descending = true} : (vector<16xf32>, vector<16xi32>, vector<16xi1>) -> (vector<16xi1>, vector<16xf32>, vector<16xi32>)
      %get3A_60 = arith.index_cast %mul3A_11 : i32 to index
      %get3A_61 = arith.constant 80 : index
      %get3A_62 = tpu.vector_load %arg4[%get3A_60, %get3A_61] {strides = array<i32>} : memref<16x512xf32, #tpu.memory_space<vmem>>, vector<16xf32>,
      %add3A_63 = arith.constant 80 : i32
      %add3A_64 = vector.broadcast %add3A_63 : i32 to vector<16xi32>
      %add3A_65 = arith.addi %iota3A, %add3A_64 : vector<16xi32>
      %masked_sort3A_66 = arith.constant dense<true> : vector<16xi1>
      %masked_sort3A_67, %masked_sort3A_68, %masked_sort3A_69 = tpu.sort %get3A_62, %add3A_65 masked %masked_sort3A_66 {descending = true} : (vector<16xf32>, vector<16xi32>, vector<16xi1>) -> (vector<16xi1>, vector<16xf32>, vector<16xi32>)
      %get3A_70 = arith.index_cast %mul3A_11 : i32 to index
      %get3A_71 = arith.constant 96 : index
      %get3A_72 = tpu.vector_load %arg4[%get3A_70, %get3A_71] {strides = array<i32>} : memref<16x512xf32, #tpu.memory_space<vmem>>, vector<16xf32>,
      %add3A_73 = arith.constant 96 : i32
      %add3A_74 = vector.broadcast %add3A_73 : i32 to vector<16xi32>
      %add3A_75 = arith.addi %iota3A, %add3A_74 : vector<16xi32>
      %masked_sort3A_76 = arith.constant dense<true> : vector<16xi1>
      %masked_sort3A_77, %masked_sort3A_78, %masked_sort3A_79 = tpu.sort %get3A_72, %add3A_75 masked %masked_sort3A_76 {descending = true} : (vector<16xf32>, vector<16xi32>, vector<16xi1>) -> (vector<16xi1>, vector<16xf32>, vector<16xi32>)
      %get3A_80 = arith.index_cast %mul3A_11 : i32 to index
      %get3A_81 = arith.constant 112 : index
      %get3A_82 = tpu.vector_load %arg4[%get3A_80, %get3A_81] {strides = array<i32>} : memref<16x512xf32, #tpu.memory_space<vmem>>, vector<16xf32>,
      %add3A_83 = arith.constant 112 : i32
      %add3A_84 = vector.broadcast %add3A_83 : i32 to vector<16xi32>
      %add3A_85 = arith.addi %iota3A, %add3A_84 : vector<16xi32>
      %masked_sort3A_86 = arith.constant dense<true> : vector<16xi1>
      %masked_sort3A_87, %masked_sort3A_88, %masked_sort3A_89 = tpu.sort %get3A_82, %add3A_85 masked %masked_sort3A_86 {descending = true} : (vector<16xf32>, vector<16xi32>, vector<16xi1>) -> (vector<16xi1>, vector<16xf32>, vector<16xi32>)
      %get3A_90 = arith.index_cast %mul3A_11 : i32 to index
      %get3A_91 = arith.constant 128 : index
      %get3A_92 = tpu.vector_load %arg4[%get3A_90, %get3A_91] {strides = array<i32>} : memref<16x512xf32, #tpu.memory_space<vmem>>, vector<16xf32>,
      %add3A_93 = arith.constant 128 : i32
      %add3A_94 = vector.broadcast %add3A_93 : i32 to vector<16xi32>
      %add3A_95 = arith.addi %iota3A, %add3A_94 : vector<16xi32>
      %masked_sort3A_96 = arith.constant dense<true> : vector<16xi1>
      %masked_sort3A_97, %masked_sort3A_98, %masked_sort3A_99 = tpu.sort %get3A_92, %add3A_95 masked %masked_sort3A_96 {descending = true} : (vector<16xf32>, vector<16xi32>, vector<16xi1>) -> (vector<16xi1>, vector<16xf32>, vector<16xi32>)
      %get3A_100 = arith.index_cast %mul3A_11 : i32 to index
      %get3A_101 = arith.constant 144 : index
      %get3A_102 = tpu.vector_load %arg4[%get3A_100, %get3A_101] {strides = array<i32>} : memref<16x512xf32, #tpu.memory_space<vmem>>, vector<16xf32>,
      %add3A_103 = arith.constant 144 : i32
      %add3A_104 = vector.broadcast %add3A_103 : i32 to vector<16xi32>
      %add3A_105 = arith.addi %iota3A, %add3A_104 : vector<16xi32>
      %masked_sort3A_106 = arith.constant dense<true> : vector<16xi1>
      %masked_sort3A_107, %masked_sort3A_108, %masked_sort3A_109 = tpu.sort %get3A_102, %add3A_105 masked %masked_sort3A_106 {descending = true} : (vector<16xf32>, vector<16xi32>, vector<16xi1>) -> (vector<16xi1>, vector<16xf32>, vector<16xi32>)
      %get3A_110 = arith.index_cast %mul3A_11 : i32 to index
      %get3A_111 = arith.constant 160 : index
      %get3A_112 = tpu.vector_load %arg4[%get3A_110, %get3A_111] {strides = array<i32>} : memref<16x512xf32, #tpu.memory_space<vmem>>, vector<16xf32>,
      %add3A_113 = arith.constant 160 : i32
      %add3A_114 = vector.broadcast %add3A_113 : i32 to vector<16xi32>
      %add3A_115 = arith.addi %iota3A, %add3A_114 : vector<16xi32>
      %masked_sort3A_116 = arith.constant dense<true> : vector<16xi1>
      %masked_sort3A_117, %masked_sort3A_118, %masked_sort3A_119 = tpu.sort %get3A_112, %add3A_115 masked %masked_sort3A_116 {descending = true} : (vector<16xf32>, vector<16xi32>, vector<16xi1>) -> (vector<16xi1>, vector<16xf32>, vector<16xi32>)
      %get3A_120 = arith.index_cast %mul3A_11 : i32 to index
      %get3A_121 = arith.constant 176 : index
      %get3A_122 = tpu.vector_load %arg4[%get3A_120, %get3A_121] {strides = array<i32>} : memref<16x512xf32, #tpu.memory_space<vmem>>, vector<16xf32>,
      %add3A_123 = arith.constant 176 : i32
      %add3A_124 = vector.broadcast %add3A_123 : i32 to vector<16xi32>
      %add3A_125 = arith.addi %iota3A, %add3A_124 : vector<16xi32>
      %masked_sort3A_126 = arith.constant dense<true> : vector<16xi1>
      %masked_sort3A_127, %masked_sort3A_128, %masked_sort3A_129 = tpu.sort %get3A_122, %add3A_125 masked %masked_sort3A_126 {descending = true} : (vector<16xf32>, vector<16xi32>, vector<16xi1>) -> (vector<16xi1>, vector<16xf32>, vector<16xi32>)
      %get3A_130 = arith.index_cast %mul3A_11 : i32 to index
      %get3A_131 = arith.constant 192 : index
      %get3A_132 = tpu.vector_load %arg4[%get3A_130, %get3A_131] {strides = array<i32>} : memref<16x512xf32, #tpu.memory_space<vmem>>, vector<16xf32>,
      %add3A_133 = arith.constant 192 : i32
      %add3A_134 = vector.broadcast %add3A_133 : i32 to vector<16xi32>
      %add3A_135 = arith.addi %iota3A, %add3A_134 : vector<16xi32>
      %masked_sort3A_136 = arith.constant dense<true> : vector<16xi1>
      %masked_sort3A_137, %masked_sort3A_138, %masked_sort3A_139 = tpu.sort %get3A_132, %add3A_135 masked %masked_sort3A_136 {descending = true} : (vector<16xf32>, vector<16xi32>, vector<16xi1>) -> (vector<16xi1>, vector<16xf32>, vector<16xi32>)
      %get3A_140 = arith.index_cast %mul3A_11 : i32 to index
      %get3A_141 = arith.constant 208 : index
      %get3A_142 = tpu.vector_load %arg4[%get3A_140, %get3A_141] {strides = array<i32>} : memref<16x512xf32, #tpu.memory_space<vmem>>, vector<16xf32>,
      %add3A_143 = arith.constant 208 : i32
      %add3A_144 = vector.broadcast %add3A_143 : i32 to vector<16xi32>
      %add3A_145 = arith.addi %iota3A, %add3A_144 : vector<16xi32>
      %masked_sort3A_146 = arith.constant dense<true> : vector<16xi1>
      %masked_sort3A_147, %masked_sort3A_148, %masked_sort3A_149 = tpu.sort %get3A_142, %add3A_145 masked %masked_sort3A_146 {descending = true} : (vector<16xf32>, vector<16xi32>, vector<16xi1>) -> (vector<16xi1>, vector<16xf32>, vector<16xi32>)
      %get3A_150 = arith.index_cast %mul3A_11 : i32 to index
      %get3A_151 = arith.constant 224 : index
      %get3A_152 = tpu.vector_load %arg4[%get3A_150, %get3A_151] {strides = array<i32>} : memref<16x512xf32, #tpu.memory_space<vmem>>, vector<16xf32>,
      %add3A_153 = arith.constant 224 : i32
      %add3A_154 = vector.broadcast %add3A_153 : i32 to vector<16xi32>
      %add3A_155 = arith.addi %iota3A, %add3A_154 : vector<16xi32>
      %masked_sort3A_156 = arith.constant dense<true> : vector<16xi1>
      %masked_sort3A_157, %masked_sort3A_158, %masked_sort3A_159 = tpu.sort %get3A_152, %add3A_155 masked %masked_sort3A_156 {descending = true} : (vector<16xf32>, vector<16xi32>, vector<16xi1>) -> (vector<16xi1>, vector<16xf32>, vector<16xi32>)
      %get3A_160 = arith.index_cast %mul3A_11 : i32 to index
      %get3A_161 = arith.constant 240 : index
      %get3A_162 = tpu.vector_load %arg4[%get3A_160, %get3A_161] {strides = array<i32>} : memref<16x512xf32, #tpu.memory_space<vmem>>, vector<16xf32>,
      %add3A_163 = arith.constant 240 : i32
      %add3A_164 = vector.broadcast %add3A_163 : i32 to vector<16xi32>
      %add3A_165 = arith.addi %iota3A, %add3A_164 : vector<16xi32>
      %masked_sort3A_166 = arith.constant dense<true> : vector<16xi1>
      %masked_sort3A_167, %masked_sort3A_168, %masked_sort3A_169 = tpu.sort %get3A_162, %add3A_165 masked %masked_sort3A_166 {descending = true} : (vector<16xf32>, vector<16xi32>, vector<16xi1>) -> (vector<16xi1>, vector<16xf32>, vector<16xi32>)
      %get3A_170 = arith.index_cast %mul3A_11 : i32 to index
      %get3A_171 = arith.constant 256 : index
      %get3A_172 = tpu.vector_load %arg4[%get3A_170, %get3A_171] {strides = array<i32>} : memref<16x512xf32, #tpu.memory_space<vmem>>, vector<16xf32>,
      %add3A_173 = arith.constant 256 : i32
      %add3A_174 = vector.broadcast %add3A_173 : i32 to vector<16xi32>
      %add3A_175 = arith.addi %iota3A, %add3A_174 : vector<16xi32>
      %masked_sort3A_176 = arith.constant dense<true> : vector<16xi1>
      %masked_sort3A_177, %masked_sort3A_178, %masked_sort3A_179 = tpu.sort %get3A_172, %add3A_175 masked %masked_sort3A_176 {descending = true} : (vector<16xf32>, vector<16xi32>, vector<16xi1>) -> (vector<16xi1>, vector<16xf32>, vector<16xi32>)
      %get3A_180 = arith.index_cast %mul3A_11 : i32 to index
      %get3A_181 = arith.constant 272 : index
      %get3A_182 = tpu.vector_load %arg4[%get3A_180, %get3A_181] {strides = array<i32>} : memref<16x512xf32, #tpu.memory_space<vmem>>, vector<16xf32>,
      %add3A_183 = arith.constant 272 : i32
      %add3A_184 = vector.broadcast %add3A_183 : i32 to vector<16xi32>
      %add3A_185 = arith.addi %iota3A, %add3A_184 : vector<16xi32>
      %masked_sort3A_186 = arith.constant dense<true> : vector<16xi1>
      %masked_sort3A_187, %masked_sort3A_188, %masked_sort3A_189 = tpu.sort %get3A_182, %add3A_185 masked %masked_sort3A_186 {descending = true} : (vector<16xf32>, vector<16xi32>, vector<16xi1>) -> (vector<16xi1>, vector<16xf32>, vector<16xi32>)
      %get3A_190 = arith.index_cast %mul3A_11 : i32 to index
      %get3A_191 = arith.constant 288 : index
      %get3A_192 = tpu.vector_load %arg4[%get3A_190, %get3A_191] {strides = array<i32>} : memref<16x512xf32, #tpu.memory_space<vmem>>, vector<16xf32>,
      %add3A_193 = arith.constant 288 : i32
      %add3A_194 = vector.broadcast %add3A_193 : i32 to vector<16xi32>
      %add3A_195 = arith.addi %iota3A, %add3A_194 : vector<16xi32>
      %masked_sort3A_196 = arith.constant dense<true> : vector<16xi1>
      %masked_sort3A_197, %masked_sort3A_198, %masked_sort3A_199 = tpu.sort %get3A_192, %add3A_195 masked %masked_sort3A_196 {descending = true} : (vector<16xf32>, vector<16xi32>, vector<16xi1>) -> (vector<16xi1>, vector<16xf32>, vector<16xi32>)
      %get3A_200 = arith.index_cast %mul3A_11 : i32 to index
      %get3A_201 = arith.constant 304 : index
      %get3A_202 = tpu.vector_load %arg4[%get3A_200, %get3A_201] {strides = array<i32>} : memref<16x512xf32, #tpu.memory_space<vmem>>, vector<16xf32>,
      %add3A_203 = arith.constant 304 : i32
      %add3A_204 = vector.broadcast %add3A_203 : i32 to vector<16xi32>
      %add3A_205 = arith.addi %iota3A, %add3A_204 : vector<16xi32>
      %masked_sort3A_206 = arith.constant dense<true> : vector<16xi1>
      %masked_sort3A_207, %masked_sort3A_208, %masked_sort3A_209 = tpu.sort %get3A_202, %add3A_205 masked %masked_sort3A_206 {descending = true} : (vector<16xf32>, vector<16xi32>, vector<16xi1>) -> (vector<16xi1>, vector<16xf32>, vector<16xi32>)
      %get3A_210 = arith.index_cast %mul3A_11 : i32 to index
      %get3A_211 = arith.constant 320 : index
      %get3A_212 = tpu.vector_load %arg4[%get3A_210, %get3A_211] {strides = array<i32>} : memref<16x512xf32, #tpu.memory_space<vmem>>, vector<16xf32>,
      %add3A_213 = arith.constant 320 : i32
      %add3A_214 = vector.broadcast %add3A_213 : i32 to vector<16xi32>
      %add3A_215 = arith.addi %iota3A, %add3A_214 : vector<16xi32>
      %masked_sort3A_216 = arith.constant dense<true> : vector<16xi1>
      %masked_sort3A_217, %masked_sort3A_218, %masked_sort3A_219 = tpu.sort %get3A_212, %add3A_215 masked %masked_sort3A_216 {descending = true} : (vector<16xf32>, vector<16xi32>, vector<16xi1>) -> (vector<16xi1>, vector<16xf32>, vector<16xi32>)
      %get3A_220 = arith.index_cast %mul3A_11 : i32 to index
      %get3A_221 = arith.constant 336 : index
      %get3A_222 = tpu.vector_load %arg4[%get3A_220, %get3A_221] {strides = array<i32>} : memref<16x512xf32, #tpu.memory_space<vmem>>, vector<16xf32>,
      %add3A_223 = arith.constant 336 : i32
      %add3A_224 = vector.broadcast %add3A_223 : i32 to vector<16xi32>
      %add3A_225 = arith.addi %iota3A, %add3A_224 : vector<16xi32>
      %masked_sort3A_226 = arith.constant dense<true> : vector<16xi1>
      %masked_sort3A_227, %masked_sort3A_228, %masked_sort3A_229 = tpu.sort %get3A_222, %add3A_225 masked %masked_sort3A_226 {descending = true} : (vector<16xf32>, vector<16xi32>, vector<16xi1>) -> (vector<16xi1>, vector<16xf32>, vector<16xi32>)
      %get3A_230 = arith.index_cast %mul3A_11 : i32 to index
      %get3A_231 = arith.constant 352 : index
      %get3A_232 = tpu.vector_load %arg4[%get3A_230, %get3A_231] {strides = array<i32>} : memref<16x512xf32, #tpu.memory_space<vmem>>, vector<16xf32>,
      %add3A_233 = arith.constant 352 : i32
      %add3A_234 = vector.broadcast %add3A_233 : i32 to vector<16xi32>
      %add3A_235 = arith.addi %iota3A, %add3A_234 : vector<16xi32>
      %masked_sort3A_236 = arith.constant dense<true> : vector<16xi1>
      %masked_sort3A_237, %masked_sort3A_238, %masked_sort3A_239 = tpu.sort %get3A_232, %add3A_235 masked %masked_sort3A_236 {descending = true} : (vector<16xf32>, vector<16xi32>, vector<16xi1>) -> (vector<16xi1>, vector<16xf32>, vector<16xi32>)
      %get3A_240 = arith.index_cast %mul3A_11 : i32 to index
      %get3A_241 = arith.constant 368 : index
      %get3A_242 = tpu.vector_load %arg4[%get3A_240, %get3A_241] {strides = array<i32>} : memref<16x512xf32, #tpu.memory_space<vmem>>, vector<16xf32>,
      %add3A_243 = arith.constant 368 : i32
      %add3A_244 = vector.broadcast %add3A_243 : i32 to vector<16xi32>
      %add3A_245 = arith.addi %iota3A, %add3A_244 : vector<16xi32>
      %masked_sort3A_246 = arith.constant dense<true> : vector<16xi1>
      %masked_sort3A_247, %masked_sort3A_248, %masked_sort3A_249 = tpu.sort %get3A_242, %add3A_245 masked %masked_sort3A_246 {descending = true} : (vector<16xf32>, vector<16xi32>, vector<16xi1>) -> (vector<16xi1>, vector<16xf32>, vector<16xi32>)
      %get3A_250 = arith.index_cast %mul3A_11 : i32 to index
      %get3A_251 = arith.constant 384 : index
      %get3A_252 = tpu.vector_load %arg4[%get3A_250, %get3A_251] {strides = array<i32>} : memref<16x512xf32, #tpu.memory_space<vmem>>, vector<16xf32>,
      %add3A_253 = arith.constant 384 : i32
      %add3A_254 = vector.broadcast %add3A_253 : i32 to vector<16xi32>
      %add3A_255 = arith.addi %iota3A, %add3A_254 : vector<16xi32>
      %masked_sort3A_256 = arith.constant dense<true> : vector<16xi1>
      %masked_sort3A_257, %masked_sort3A_258, %masked_sort3A_259 = tpu.sort %get3A_252, %add3A_255 masked %masked_sort3A_256 {descending = true} : (vector<16xf32>, vector<16xi32>, vector<16xi1>) -> (vector<16xi1>, vector<16xf32>, vector<16xi32>)
      %get3A_260 = arith.index_cast %mul3A_11 : i32 to index
      %get3A_261 = arith.constant 400 : index
      %get3A_262 = tpu.vector_load %arg4[%get3A_260, %get3A_261] {strides = array<i32>} : memref<16x512xf32, #tpu.memory_space<vmem>>, vector<16xf32>,
      %add3A_263 = arith.constant 400 : i32
      %add3A_264 = vector.broadcast %add3A_263 : i32 to vector<16xi32>
      %add3A_265 = arith.addi %iota3A, %add3A_264 : vector<16xi32>
      %masked_sort3A_266 = arith.constant dense<true> : vector<16xi1>
      %masked_sort3A_267, %masked_sort3A_268, %masked_sort3A_269 = tpu.sort %get3A_262, %add3A_265 masked %masked_sort3A_266 {descending = true} : (vector<16xf32>, vector<16xi32>, vector<16xi1>) -> (vector<16xi1>, vector<16xf32>, vector<16xi32>)
      %get3A_270 = arith.index_cast %mul3A_11 : i32 to index
      %get3A_271 = arith.constant 416 : index
      %get3A_272 = tpu.vector_load %arg4[%get3A_270, %get3A_271] {strides = array<i32>} : memref<16x512xf32, #tpu.memory_space<vmem>>, vector<16xf32>,
      %add3A_273 = arith.constant 416 : i32
      %add3A_274 = vector.broadcast %add3A_273 : i32 to vector<16xi32>
      %add3A_275 = arith.addi %iota3A, %add3A_274 : vector<16xi32>
      %masked_sort3A_276 = arith.constant dense<true> : vector<16xi1>
      %masked_sort3A_277, %masked_sort3A_278, %masked_sort3A_279 = tpu.sort %get3A_272, %add3A_275 masked %masked_sort3A_276 {descending = true} : (vector<16xf32>, vector<16xi32>, vector<16xi1>) -> (vector<16xi1>, vector<16xf32>, vector<16xi32>)
      %get3A_280 = arith.index_cast %mul3A_11 : i32 to index
      %get3A_281 = arith.constant 432 : index
      %get3A_282 = tpu.vector_load %arg4[%get3A_280, %get3A_281] {strides = array<i32>} : memref<16x512xf32, #tpu.memory_space<vmem>>, vector<16xf32>,
      %add3A_283 = arith.constant 432 : i32
      %add3A_284 = vector.broadcast %add3A_283 : i32 to vector<16xi32>
      %add3A_285 = arith.addi %iota3A, %add3A_284 : vector<16xi32>
      %masked_sort3A_286 = arith.constant dense<true> : vector<16xi1>
      %masked_sort3A_287, %masked_sort3A_288, %masked_sort3A_289 = tpu.sort %get3A_282, %add3A_285 masked %masked_sort3A_286 {descending = true} : (vector<16xf32>, vector<16xi32>, vector<16xi1>) -> (vector<16xi1>, vector<16xf32>, vector<16xi32>)
      %get3A_290 = arith.index_cast %mul3A_11 : i32 to index
      %get3A_291 = arith.constant 448 : index
      %get3A_292 = tpu.vector_load %arg4[%get3A_290, %get3A_291] {strides = array<i32>} : memref<16x512xf32, #tpu.memory_space<vmem>>, vector<16xf32>,
      %add3A_293 = arith.constant 448 : i32
      %add3A_294 = vector.broadcast %add3A_293 : i32 to vector<16xi32>
      %add3A_295 = arith.addi %iota3A, %add3A_294 : vector<16xi32>
      %masked_sort3A_296 = arith.constant dense<true> : vector<16xi1>
      %masked_sort3A_297, %masked_sort3A_298, %masked_sort3A_299 = tpu.sort %get3A_292, %add3A_295 masked %masked_sort3A_296 {descending = true} : (vector<16xf32>, vector<16xi32>, vector<16xi1>) -> (vector<16xi1>, vector<16xf32>, vector<16xi32>)
      %get3A_300 = arith.index_cast %mul3A_11 : i32 to index
      %get3A_301 = arith.constant 464 : index
      %get3A_302 = tpu.vector_load %arg4[%get3A_300, %get3A_301] {strides = array<i32>} : memref<16x512xf32, #tpu.memory_space<vmem>>, vector<16xf32>,
      %add3A_303 = arith.constant 464 : i32
      %add3A_304 = vector.broadcast %add3A_303 : i32 to vector<16xi32>
      %add3A_305 = arith.addi %iota3A, %add3A_304 : vector<16xi32>
      %masked_sort3A_306 = arith.constant dense<true> : vector<16xi1>
      %masked_sort3A_307, %masked_sort3A_308, %masked_sort3A_309 = tpu.sort %get3A_302, %add3A_305 masked %masked_sort3A_306 {descending = true} : (vector<16xf32>, vector<16xi32>, vector<16xi1>) -> (vector<16xi1>, vector<16xf32>, vector<16xi32>)
      %get3A_310 = arith.index_cast %mul3A_11 : i32 to index
      %get3A_311 = arith.constant 480 : index
      %get3A_312 = tpu.vector_load %arg4[%get3A_310, %get3A_311] {strides = array<i32>} : memref<16x512xf32, #tpu.memory_space<vmem>>, vector<16xf32>,
      %add3A_313 = arith.constant 480 : i32
      %add3A_314 = vector.broadcast %add3A_313 : i32 to vector<16xi32>
      %add3A_315 = arith.addi %iota3A, %add3A_314 : vector<16xi32>
      %masked_sort3A_316 = arith.constant dense<true> : vector<16xi1>
      %masked_sort3A_317, %masked_sort3A_318, %masked_sort3A_319 = tpu.sort %get3A_312, %add3A_315 masked %masked_sort3A_316 {descending = true} : (vector<16xf32>, vector<16xi32>, vector<16xi1>) -> (vector<16xi1>, vector<16xf32>, vector<16xi32>)
      %get3A_320 = arith.index_cast %mul3A_11 : i32 to index
      %get3A_321 = arith.constant 496 : index
      %get3A_322 = tpu.vector_load %arg4[%get3A_320, %get3A_321] {strides = array<i32>} : memref<16x512xf32, #tpu.memory_space<vmem>>, vector<16xf32>,
      %add3A_323 = arith.constant 496 : i32
      %add3A_324 = vector.broadcast %add3A_323 : i32 to vector<16xi32>
      %add3A_325 = arith.addi %iota3A, %add3A_324 : vector<16xi32>
      %masked_sort3A_326 = arith.constant dense<true> : vector<16xi1>
      %masked_sort3A_327, %masked_sort3A_328, %masked_sort3A_329 = tpu.sort %get3A_322, %add3A_325 masked %masked_sort3A_326 {descending = true} : (vector<16xf32>, vector<16xi32>, vector<16xi1>) -> (vector<16xi1>, vector<16xf32>, vector<16xi32>)
      %rev3A = arith.constant 15 : i32
      %rev3A_330 = vector.broadcast %rev3A : i32 to vector<16xi32>
      %rev3A_331 = tpu.iota {dimensions = array<i32: 0>} : vector<16xi32>
      %rev3A_332 = arith.subi %rev3A_330, %rev3A_331 : vector<16xi32>
      %rev3A_333 = tpu.dynamic_gather %masked_sort3A_28[%rev3A_332] in [0] : vector<16xf32>, vector<16xi32> -> vector<16xf32>
      %select_n3A = arith.select %lt3A_4, %masked_sort3A_18, %rev3A_333 : vector<16xi1>, vector<16xf32>
      %rev3A_334 = arith.constant 15 : i32
      %rev3A_335 = vector.broadcast %rev3A_334 : i32 to vector<16xi32>
      %rev3A_336 = tpu.iota {dimensions = array<i32: 0>} : vector<16xi32>
      %rev3A_337 = arith.subi %rev3A_335, %rev3A_336 : vector<16xi32>
      %rev3A_338 = tpu.dynamic_gather %masked_sort3A_29[%rev3A_337] in [0] : vector<16xi32>, vector<16xi32> -> vector<16xi32>
      %select_n3A_339 = arith.select %lt3A_4, %masked_sort3A_19, %rev3A_338 : vector<16xi1>, vector<16xi32>
      %masked_sort3A_340 = arith.constant dense<true> : vector<16xi1>
      %masked_sort3A_341, %masked_sort3A_342, %masked_sort3A_343 = tpu.sort %select_n3A, %select_n3A_339 masked %masked_sort3A_340 {descending = true} : (vector<16xf32>, vector<16xi32>, vector<16xi1>) -> (vector<16xi1>, vector<16xf32>, vector<16xi32>)
      %rev3A_344 = arith.constant 15 : i32
      %rev3A_345 = vector.broadcast %rev3A_344 : i32 to vector<16xi32>
      %rev3A_346 = tpu.iota {dimensions = array<i32: 0>} : vector<16xi32>
      %rev3A_347 = arith.subi %rev3A_345, %rev3A_346 : vector<16xi32>
      %rev3A_348 = tpu.dynamic_gather %masked_sort3A_48[%rev3A_347] in [0] : vector<16xf32>, vector<16xi32> -> vector<16xf32>
      %select_n3A_349 = arith.select %lt3A_4, %masked_sort3A_38, %rev3A_348 : vector<16xi1>, vector<16xf32>
      %rev3A_350 = arith.constant 15 : i32
      %rev3A_351 = vector.broadcast %rev3A_350 : i32 to vector<16xi32>
      %rev3A_352 = tpu.iota {dimensions = array<i32: 0>} : vector<16xi32>
      %rev3A_353 = arith.subi %rev3A_351, %rev3A_352 : vector<16xi32>
      %rev3A_354 = tpu.dynamic_gather %masked_sort3A_49[%rev3A_353] in [0] : vector<16xi32>, vector<16xi32> -> vector<16xi32>
      %select_n3A_355 = arith.select %lt3A_4, %masked_sort3A_39, %rev3A_354 : vector<16xi1>, vector<16xi32>
      %masked_sort3A_356 = arith.constant dense<true> : vector<16xi1>
      %masked_sort3A_357, %masked_sort3A_358, %masked_sort3A_359 = tpu.sort %select_n3A_349, %select_n3A_355 masked %masked_sort3A_356 {descending = true} : (vector<16xf32>, vector<16xi32>, vector<16xi1>) -> (vector<16xi1>, vector<16xf32>, vector<16xi32>)
      %rev3A_360 = arith.constant 15 : i32
      %rev3A_361 = vector.broadcast %rev3A_360 : i32 to vector<16xi32>
      %rev3A_362 = tpu.iota {dimensions = array<i32: 0>} : vector<16xi32>
      %rev3A_363 = arith.subi %rev3A_361, %rev3A_362 : vector<16xi32>
      %rev3A_364 = tpu.dynamic_gather %masked_sort3A_68[%rev3A_363] in [0] : vector<16xf32>, vector<16xi32> -> vector<16xf32>
      %select_n3A_365 = arith.select %lt3A_4, %masked_sort3A_58, %rev3A_364 : vector<16xi1>, vector<16xf32>
      %rev3A_366 = arith.constant 15 : i32
      %rev3A_367 = vector.broadcast %rev3A_366 : i32 to vector<16xi32>
      %rev3A_368 = tpu.iota {dimensions = array<i32: 0>} : vector<16xi32>
      %rev3A_369 = arith.subi %rev3A_367, %rev3A_368 : vector<16xi32>
      %rev3A_370 = tpu.dynamic_gather %masked_sort3A_69[%rev3A_369] in [0] : vector<16xi32>, vector<16xi32> -> vector<16xi32>
      %select_n3A_371 = arith.select %lt3A_4, %masked_sort3A_59, %rev3A_370 : vector<16xi1>, vector<16xi32>
      %masked_sort3A_372 = arith.constant dense<true> : vector<16xi1>
      %masked_sort3A_373, %masked_sort3A_374, %masked_sort3A_375 = tpu.sort %select_n3A_365, %select_n3A_371 masked %masked_sort3A_372 {descending = true} : (vector<16xf32>, vector<16xi32>, vector<16xi1>) -> (vector<16xi1>, vector<16xf32>, vector<16xi32>)
      %rev3A_376 = arith.constant 15 : i32
      %rev3A_377 = vector.broadcast %rev3A_376 : i32 to vector<16xi32>
      %rev3A_378 = tpu.iota {dimensions = array<i32: 0>} : vector<16xi32>
      %rev3A_379 = arith.subi %rev3A_377, %rev3A_378 : vector<16xi32>
      %rev3A_380 = tpu.dynamic_gather %masked_sort3A_88[%rev3A_379] in [0] : vector<16xf32>, vector<16xi32> -> vector<16xf32>
      %select_n3A_381 = arith.select %lt3A_4, %masked_sort3A_78, %rev3A_380 : vector<16xi1>, vector<16xf32>
      %rev3A_382 = arith.constant 15 : i32
      %rev3A_383 = vector.broadcast %rev3A_382 : i32 to vector<16xi32>
      %rev3A_384 = tpu.iota {dimensions = array<i32: 0>} : vector<16xi32>
      %rev3A_385 = arith.subi %rev3A_383, %rev3A_384 : vector<16xi32>
      %rev3A_386 = tpu.dynamic_gather %masked_sort3A_89[%rev3A_385] in [0] : vector<16xi32>, vector<16xi32> -> vector<16xi32>
      %select_n3A_387 = arith.select %lt3A_4, %masked_sort3A_79, %rev3A_386 : vector<16xi1>, vector<16xi32>
      %masked_sort3A_388 = arith.constant dense<true> : vector<16xi1>
      %masked_sort3A_389, %masked_sort3A_390, %masked_sort3A_391 = tpu.sort %select_n3A_381, %select_n3A_387 masked %masked_sort3A_388 {descending = true} : (vector<16xf32>, vector<16xi32>, vector<16xi1>) -> (vector<16xi1>, vector<16xf32>, vector<16xi32>)
      %rev3A_392 = arith.constant 15 : i32
      %rev3A_393 = vector.broadcast %rev3A_392 : i32 to vector<16xi32>
      %rev3A_394 = tpu.iota {dimensions = array<i32: 0>} : vector<16xi32>
      %rev3A_395 = arith.subi %rev3A_393, %rev3A_394 : vector<16xi32>
      %rev3A_396 = tpu.dynamic_gather %masked_sort3A_108[%rev3A_395] in [0] : vector<16xf32>, vector<16xi32> -> vector<16xf32>
      %select_n3A_397 = arith.select %lt3A_4, %masked_sort3A_98, %rev3A_396 : vector<16xi1>, vector<16xf32>
      %rev3A_398 = arith.constant 15 : i32
      %rev3A_399 = vector.broadcast %rev3A_398 : i32 to vector<16xi32>
      %rev3A_400 = tpu.iota {dimensions = array<i32: 0>} : vector<16xi32>
      %rev3A_401 = arith.subi %rev3A_399, %rev3A_400 : vector<16xi32>
      %rev3A_402 = tpu.dynamic_gather %masked_sort3A_109[%rev3A_401] in [0] : vector<16xi32>, vector<16xi32> -> vector<16xi32>
      %select_n3A_403 = arith.select %lt3A_4, %masked_sort3A_99, %rev3A_402 : vector<16xi1>, vector<16xi32>
      %masked_sort3A_404 = arith.constant dense<true> : vector<16xi1>
      %masked_sort3A_405, %masked_sort3A_406, %masked_sort3A_407 = tpu.sort %select_n3A_397, %select_n3A_403 masked %masked_sort3A_404 {descending = true} : (vector<16xf32>, vector<16xi32>, vector<16xi1>) -> (vector<16xi1>, vector<16xf32>, vector<16xi32>)
      %rev3A_408 = arith.constant 15 : i32
      %rev3A_409 = vector.broadcast %rev3A_408 : i32 to vector<16xi32>
      %rev3A_410 = tpu.iota {dimensions = array<i32: 0>} : vector<16xi32>
      %rev3A_411 = arith.subi %rev3A_409, %rev3A_410 : vector<16xi32>
      %rev3A_412 = tpu.dynamic_gather %masked_sort3A_128[%rev3A_411] in [0] : vector<16xf32>, vector<16xi32> -> vector<16xf32>
      %select_n3A_413 = arith.select %lt3A_4, %masked_sort3A_118, %rev3A_412 : vector<16xi1>, vector<16xf32>
      %rev3A_414 = arith.constant 15 : i32
      %rev3A_415 = vector.broadcast %rev3A_414 : i32 to vector<16xi32>
      %rev3A_416 = tpu.iota {dimensions = array<i32: 0>} : vector<16xi32>
      %rev3A_417 = arith.subi %rev3A_415, %rev3A_416 : vector<16xi32>
      %rev3A_418 = tpu.dynamic_gather %masked_sort3A_129[%rev3A_417] in [0] : vector<16xi32>, vector<16xi32> -> vector<16xi32>
      %select_n3A_419 = arith.select %lt3A_4, %masked_sort3A_119, %rev3A_418 : vector<16xi1>, vector<16xi32>
      %masked_sort3A_420 = arith.constant dense<true> : vector<16xi1>
      %masked_sort3A_421, %masked_sort3A_422, %masked_sort3A_423 = tpu.sort %select_n3A_413, %select_n3A_419 masked %masked_sort3A_420 {descending = true} : (vector<16xf32>, vector<16xi32>, vector<16xi1>) -> (vector<16xi1>, vector<16xf32>, vector<16xi32>)
      %rev3A_424 = arith.constant 15 : i32
      %rev3A_425 = vector.broadcast %rev3A_424 : i32 to vector<16xi32>
      %rev3A_426 = tpu.iota {dimensions = array<i32: 0>} : vector<16xi32>
      %rev3A_427 = arith.subi %rev3A_425, %rev3A_426 : vector<16xi32>
      %rev3A_428 = tpu.dynamic_gather %masked_sort3A_148[%rev3A_427] in [0] : vector<16xf32>, vector<16xi32> -> vector<16xf32>
      %select_n3A_429 = arith.select %lt3A_4, %masked_sort3A_138, %rev3A_428 : vector<16xi1>, vector<16xf32>
      %rev3A_430 = arith.constant 15 : i32
      %rev3A_431 = vector.broadcast %rev3A_430 : i32 to vector<16xi32>
      %rev3A_432 = tpu.iota {dimensions = array<i32: 0>} : vector<16xi32>
      %rev3A_433 = arith.subi %rev3A_431, %rev3A_432 : vector<16xi32>
      %rev3A_434 = tpu.dynamic_gather %masked_sort3A_149[%rev3A_433] in [0] : vector<16xi32>, vector<16xi32> -> vector<16xi32>
      %select_n3A_435 = arith.select %lt3A_4, %masked_sort3A_139, %rev3A_434 : vector<16xi1>, vector<16xi32>
      %masked_sort3A_436 = arith.constant dense<true> : vector<16xi1>
      %masked_sort3A_437, %masked_sort3A_438, %masked_sort3A_439 = tpu.sort %select_n3A_429, %select_n3A_435 masked %masked_sort3A_436 {descending = true} : (vector<16xf32>, vector<16xi32>, vector<16xi1>) -> (vector<16xi1>, vector<16xf32>, vector<16xi32>)
      %rev3A_440 = arith.constant 15 : i32
      %rev3A_441 = vector.broadcast %rev3A_440 : i32 to vector<16xi32>
      %rev3A_442 = tpu.iota {dimensions = array<i32: 0>} : vector<16xi32>
      %rev3A_443 = arith.subi %rev3A_441, %rev3A_442 : vector<16xi32>
      %rev3A_444 = tpu.dynamic_gather %masked_sort3A_168[%rev3A_443] in [0] : vector<16xf32>, vector<16xi32> -> vector<16xf32>
      %select_n3A_445 = arith.select %lt3A_4, %masked_sort3A_158, %rev3A_444 : vector<16xi1>, vector<16xf32>
      %rev3A_446 = arith.constant 15 : i32
      %rev3A_447 = vector.broadcast %rev3A_446 : i32 to vector<16xi32>
      %rev3A_448 = tpu.iota {dimensions = array<i32: 0>} : vector<16xi32>
      %rev3A_449 = arith.subi %rev3A_447, %rev3A_448 : vector<16xi32>
      %rev3A_450 = tpu.dynamic_gather %masked_sort3A_169[%rev3A_449] in [0] : vector<16xi32>, vector<16xi32> -> vector<16xi32>
      %select_n3A_451 = arith.select %lt3A_4, %masked_sort3A_159, %rev3A_450 : vector<16xi1>, vector<16xi32>
      %masked_sort3A_452 = arith.constant dense<true> : vector<16xi1>
      %masked_sort3A_453, %masked_sort3A_454, %masked_sort3A_455 = tpu.sort %select_n3A_445, %select_n3A_451 masked %masked_sort3A_452 {descending = true} : (vector<16xf32>, vector<16xi32>, vector<16xi1>) -> (vector<16xi1>, vector<16xf32>, vector<16xi32>)
      %rev3A_456 = arith.constant 15 : i32
      %rev3A_457 = vector.broadcast %rev3A_456 : i32 to vector<16xi32>
      %rev3A_458 = tpu.iota {dimensions = array<i32: 0>} : vector<16xi32>
      %rev3A_459 = arith.subi %rev3A_457, %rev3A_458 : vector<16xi32>
      %rev3A_460 = tpu.dynamic_gather %masked_sort3A_188[%rev3A_459] in [0] : vector<16xf32>, vector<16xi32> -> vector<16xf32>
      %select_n3A_461 = arith.select %lt3A_4, %masked_sort3A_178, %rev3A_460 : vector<16xi1>, vector<16xf32>
      %rev3A_462 = arith.constant 15 : i32
      %rev3A_463 = vector.broadcast %rev3A_462 : i32 to vector<16xi32>
      %rev3A_464 = tpu.iota {dimensions = array<i32: 0>} : vector<16xi32>
      %rev3A_465 = arith.subi %rev3A_463, %rev3A_464 : vector<16xi32>
      %rev3A_466 = tpu.dynamic_gather %masked_sort3A_189[%rev3A_465] in [0] : vector<16xi32>, vector<16xi32> -> vector<16xi32>
      %select_n3A_467 = arith.select %lt3A_4, %masked_sort3A_179, %rev3A_466 : vector<16xi1>, vector<16xi32>
      %masked_sort3A_468 = arith.constant dense<true> : vector<16xi1>
      %masked_sort3A_469, %masked_sort3A_470, %masked_sort3A_471 = tpu.sort %select_n3A_461, %select_n3A_467 masked %masked_sort3A_468 {descending = true} : (vector<16xf32>, vector<16xi32>, vector<16xi1>) -> (vector<16xi1>, vector<16xf32>, vector<16xi32>)
      %rev3A_472 = arith.constant 15 : i32
      %rev3A_473 = vector.broadcast %rev3A_472 : i32 to vector<16xi32>
      %rev3A_474 = tpu.iota {dimensions = array<i32: 0>} : vector<16xi32>
      %rev3A_475 = arith.subi %rev3A_473, %rev3A_474 : vector<16xi32>
      %rev3A_476 = tpu.dynamic_gather %masked_sort3A_208[%rev3A_475] in [0] : vector<16xf32>, vector<16xi32> -> vector<16xf32>
      %select_n3A_477 = arith.select %lt3A_4, %masked_sort3A_198, %rev3A_476 : vector<16xi1>, vector<16xf32>
      %rev3A_478 = arith.constant 15 : i32
      %rev3A_479 = vector.broadcast %rev3A_478 : i32 to vector<16xi32>
      %rev3A_480 = tpu.iota {dimensions = array<i32: 0>} : vector<16xi32>
      %rev3A_481 = arith.subi %rev3A_479, %rev3A_480 : vector<16xi32>
      %rev3A_482 = tpu.dynamic_gather %masked_sort3A_209[%rev3A_481] in [0] : vector<16xi32>, vector<16xi32> -> vector<16xi32>
      %select_n3A_483 = arith.select %lt3A_4, %masked_sort3A_199, %rev3A_482 : vector<16xi1>, vector<16xi32>
      %masked_sort3A_484 = arith.constant dense<true> : vector<16xi1>
      %masked_sort3A_485, %masked_sort3A_486, %masked_sort3A_487 = tpu.sort %select_n3A_477, %select_n3A_483 masked %masked_sort3A_484 {descending = true} : (vector<16xf32>, vector<16xi32>, vector<16xi1>) -> (vector<16xi1>, vector<16xf32>, vector<16xi32>)
      %rev3A_488 = arith.constant 15 : i32
      %rev3A_489 = vector.broadcast %rev3A_488 : i32 to vector<16xi32>
      %rev3A_490 = tpu.iota {dimensions = array<i32: 0>} : vector<16xi32>
      %rev3A_491 = arith.subi %rev3A_489, %rev3A_490 : vector<16xi32>
      %rev3A_492 = tpu.dynamic_gather %masked_sort3A_228[%rev3A_491] in [0] : vector<16xf32>, vector<16xi32> -> vector<16xf32>
      %select_n3A_493 = arith.select %lt3A_4, %masked_sort3A_218, %rev3A_492 : vector<16xi1>, vector<16xf32>
      %rev3A_494 = arith.constant 15 : i32
      %rev3A_495 = vector.broadcast %rev3A_494 : i32 to vector<16xi32>
      %rev3A_496 = tpu.iota {dimensions = array<i32: 0>} : vector<16xi32>
      %rev3A_497 = arith.subi %rev3A_495, %rev3A_496 : vector<16xi32>
      %rev3A_498 = tpu.dynamic_gather %masked_sort3A_229[%rev3A_497] in [0] : vector<16xi32>, vector<16xi32> -> vector<16xi32>
      %select_n3A_499 = arith.select %lt3A_4, %masked_sort3A_219, %rev3A_498 : vector<16xi1>, vector<16xi32>
      %masked_sort3A_500 = arith.constant dense<true> : vector<16xi1>
      %masked_sort3A_501, %masked_sort3A_502, %masked_sort3A_503 = tpu.sort %select_n3A_493, %select_n3A_499 masked %masked_sort3A_500 {descending = true} : (vector<16xf32>, vector<16xi32>, vector<16xi1>) -> (vector<16xi1>, vector<16xf32>, vector<16xi32>)
      %rev3A_504 = arith.constant 15 : i32
      %rev3A_505 = vector.broadcast %rev3A_504 : i32 to vector<16xi32>
      %rev3A_506 = tpu.iota {dimensions = array<i32: 0>} : vector<16xi32>
      %rev3A_507 = arith.subi %rev3A_505, %rev3A_506 : vector<16xi32>
      %rev3A_508 = tpu.dynamic_gather %masked_sort3A_248[%rev3A_507] in [0] : vector<16xf32>, vector<16xi32> -> vector<16xf32>
      %select_n3A_509 = arith.select %lt3A_4, %masked_sort3A_238, %rev3A_508 : vector<16xi1>, vector<16xf32>
      %rev3A_510 = arith.constant 15 : i32
      %rev3A_511 = vector.broadcast %rev3A_510 : i32 to vector<16xi32>
      %rev3A_512 = tpu.iota {dimensions = array<i32: 0>} : vector<16xi32>
      %rev3A_513 = arith.subi %rev3A_511, %rev3A_512 : vector<16xi32>
      %rev3A_514 = tpu.dynamic_gather %masked_sort3A_249[%rev3A_513] in [0] : vector<16xi32>, vector<16xi32> -> vector<16xi32>
      %select_n3A_515 = arith.select %lt3A_4, %masked_sort3A_239, %rev3A_514 : vector<16xi1>, vector<16xi32>
      %masked_sort3A_516 = arith.constant dense<true> : vector<16xi1>
      %masked_sort3A_517, %masked_sort3A_518, %masked_sort3A_519 = tpu.sort %select_n3A_509, %select_n3A_515 masked %masked_sort3A_516 {descending = true} : (vector<16xf32>, vector<16xi32>, vector<16xi1>) -> (vector<16xi1>, vector<16xf32>, vector<16xi32>)
      %rev3A_520 = arith.constant 15 : i32
      %rev3A_521 = vector.broadcast %rev3A_520 : i32 to vector<16xi32>
      %rev3A_522 = tpu.iota {dimensions = array<i32: 0>} : vector<16xi32>
      %rev3A_523 = arith.subi %rev3A_521, %rev3A_522 : vector<16xi32>
      %rev3A_524 = tpu.dynamic_gather %masked_sort3A_268[%rev3A_523] in [0] : vector<16xf32>, vector<16xi32> -> vector<16xf32>
      %select_n3A_525 = arith.select %lt3A_4, %masked_sort3A_258, %rev3A_524 : vector<16xi1>, vector<16xf32>
      %rev3A_526 = arith.constant 15 : i32
      %rev3A_527 = vector.broadcast %rev3A_526 : i32 to vector<16xi32>
      %rev3A_528 = tpu.iota {dimensions = array<i32: 0>} : vector<16xi32>
      %rev3A_529 = arith.subi %rev3A_527, %rev3A_528 : vector<16xi32>
      %rev3A_530 = tpu.dynamic_gather %masked_sort3A_269[%rev3A_529] in [0] : vector<16xi32>, vector<16xi32> -> vector<16xi32>
      %select_n3A_531 = arith.select %lt3A_4, %masked_sort3A_259, %rev3A_530 : vector<16xi1>, vector<16xi32>
      %masked_sort3A_532 = arith.constant dense<true> : vector<16xi1>
      %masked_sort3A_533, %masked_sort3A_534, %masked_sort3A_535 = tpu.sort %select_n3A_525, %select_n3A_531 masked %masked_sort3A_532 {descending = true} : (vector<16xf32>, vector<16xi32>, vector<16xi1>) -> (vector<16xi1>, vector<16xf32>, vector<16xi32>)
      %rev3A_536 = arith.constant 15 : i32
      %rev3A_537 = vector.broadcast %rev3A_536 : i32 to vector<16xi32>
      %rev3A_538 = tpu.iota {dimensions = array<i32: 0>} : vector<16xi32>
      %rev3A_539 = arith.subi %rev3A_537, %rev3A_538 : vector<16xi32>
      %rev3A_540 = tpu.dynamic_gather %masked_sort3A_288[%rev3A_539] in [0] : vector<16xf32>, vector<16xi32> -> vector<16xf32>
      %select_n3A_541 = arith.select %lt3A_4, %masked_sort3A_278, %rev3A_540 : vector<16xi1>, vector<16xf32>
      %rev3A_542 = arith.constant 15 : i32
      %rev3A_543 = vector.broadcast %rev3A_542 : i32 to vector<16xi32>
      %rev3A_544 = tpu.iota {dimensions = array<i32: 0>} : vector<16xi32>
      %rev3A_545 = arith.subi %rev3A_543, %rev3A_544 : vector<16xi32>
      %rev3A_546 = tpu.dynamic_gather %masked_sort3A_289[%rev3A_545] in [0] : vector<16xi32>, vector<16xi32> -> vector<16xi32>
      %select_n3A_547 = arith.select %lt3A_4, %masked_sort3A_279, %rev3A_546 : vector<16xi1>, vector<16xi32>
      %masked_sort3A_548 = arith.constant dense<true> : vector<16xi1>
      %masked_sort3A_549, %masked_sort3A_550, %masked_sort3A_551 = tpu.sort %select_n3A_541, %select_n3A_547 masked %masked_sort3A_548 {descending = true} : (vector<16xf32>, vector<16xi32>, vector<16xi1>) -> (vector<16xi1>, vector<16xf32>, vector<16xi32>)
      %rev3A_552 = arith.constant 15 : i32
      %rev3A_553 = vector.broadcast %rev3A_552 : i32 to vector<16xi32>
      %rev3A_554 = tpu.iota {dimensions = array<i32: 0>} : vector<16xi32>
      %rev3A_555 = arith.subi %rev3A_553, %rev3A_554 : vector<16xi32>
      %rev3A_556 = tpu.dynamic_gather %masked_sort3A_308[%rev3A_555] in [0] : vector<16xf32>, vector<16xi32> -> vector<16xf32>
      %select_n3A_557 = arith.select %lt3A_4, %masked_sort3A_298, %rev3A_556 : vector<16xi1>, vector<16xf32>
      %rev3A_558 = arith.constant 15 : i32
      %rev3A_559 = vector.broadcast %rev3A_558 : i32 to vector<16xi32>
      %rev3A_560 = tpu.iota {dimensions = array<i32: 0>} : vector<16xi32>
      %rev3A_561 = arith.subi %rev3A_559, %rev3A_560 : vector<16xi32>
      %rev3A_562 = tpu.dynamic_gather %masked_sort3A_309[%rev3A_561] in [0] : vector<16xi32>, vector<16xi32> -> vector<16xi32>
      %select_n3A_563 = arith.select %lt3A_4, %masked_sort3A_299, %rev3A_562 : vector<16xi1>, vector<16xi32>
      %masked_sort3A_564 = arith.constant dense<true> : vector<16xi1>
      %masked_sort3A_565, %masked_sort3A_566, %masked_sort3A_567 = tpu.sort %select_n3A_557, %select_n3A_563 masked %masked_sort3A_564 {descending = true} : (vector<16xf32>, vector<16xi32>, vector<16xi1>) -> (vector<16xi1>, vector<16xf32>, vector<16xi32>)
      %rev3A_568 = arith.constant 15 : i32
      %rev3A_569 = vector.broadcast %rev3A_568 : i32 to vector<16xi32>
      %rev3A_570 = tpu.iota {dimensions = array<i32: 0>} : vector<16xi32>
      %rev3A_571 = arith.subi %rev3A_569, %rev3A_570 : vector<16xi32>
      %rev3A_572 = tpu.dynamic_gather %masked_sort3A_328[%rev3A_571] in [0] : vector<16xf32>, vector<16xi32> -> vector<16xf32>
      %select_n3A_573 = arith.select %lt3A_4, %masked_sort3A_318, %rev3A_572 : vector<16xi1>, vector<16xf32>
      %rev3A_574 = arith.constant 15 : i32
      %rev3A_575 = vector.broadcast %rev3A_574 : i32 to vector<16xi32>
      %rev3A_576 = tpu.iota {dimensions = array<i32: 0>} : vector<16xi32>
      %rev3A_577 = arith.subi %rev3A_575, %rev3A_576 : vector<16xi32>
      %rev3A_578 = tpu.dynamic_gather %masked_sort3A_329[%rev3A_577] in [0] : vector<16xi32>, vector<16xi32> -> vector<16xi32>
      %select_n3A_579 = arith.select %lt3A_4, %masked_sort3A_319, %rev3A_578 : vector<16xi1>, vector<16xi32>
      %masked_sort3A_580 = arith.constant dense<true> : vector<16xi1>
      %masked_sort3A_581, %masked_sort3A_582, %masked_sort3A_583 = tpu.sort %select_n3A_573, %select_n3A_579 masked %masked_sort3A_580 {descending = true} : (vector<16xf32>, vector<16xi32>, vector<16xi1>) -> (vector<16xi1>, vector<16xf32>, vector<16xi32>)
      %rev3A_584 = arith.constant 15 : i32
      %rev3A_585 = vector.broadcast %rev3A_584 : i32 to vector<16xi32>
      %rev3A_586 = tpu.iota {dimensions = array<i32: 0>} : vector<16xi32>
      %rev3A_587 = arith.subi %rev3A_585, %rev3A_586 : vector<16xi32>
      %rev3A_588 = tpu.dynamic_gather %masked_sort3A_358[%rev3A_587] in [0] : vector<16xf32>, vector<16xi32> -> vector<16xf32>
      %select_n3A_589 = arith.select %lt3A_4, %masked_sort3A_342, %rev3A_588 : vector<16xi1>, vector<16xf32>
      %rev3A_590 = arith.constant 15 : i32
      %rev3A_591 = vector.broadcast %rev3A_590 : i32 to vector<16xi32>
      %rev3A_592 = tpu.iota {dimensions = array<i32: 0>} : vector<16xi32>
      %rev3A_593 = arith.subi %rev3A_591, %rev3A_592 : vector<16xi32>
      %rev3A_594 = tpu.dynamic_gather %masked_sort3A_359[%rev3A_593] in [0] : vector<16xi32>, vector<16xi32> -> vector<16xi32>
      %select_n3A_595 = arith.select %lt3A_4, %masked_sort3A_343, %rev3A_594 : vector<16xi1>, vector<16xi32>
      %masked_sort3A_596 = arith.constant dense<true> : vector<16xi1>
      %masked_sort3A_597, %masked_sort3A_598, %masked_sort3A_599 = tpu.sort %select_n3A_589, %select_n3A_595 masked %masked_sort3A_596 {descending = true} : (vector<16xf32>, vector<16xi32>, vector<16xi1>) -> (vector<16xi1>, vector<16xf32>, vector<16xi32>)
      %rev3A_600 = arith.constant 15 : i32
      %rev3A_601 = vector.broadcast %rev3A_600 : i32 to vector<16xi32>
      %rev3A_602 = tpu.iota {dimensions = array<i32: 0>} : vector<16xi32>
      %rev3A_603 = arith.subi %rev3A_601, %rev3A_602 : vector<16xi32>
      %rev3A_604 = tpu.dynamic_gather %masked_sort3A_390[%rev3A_603] in [0] : vector<16xf32>, vector<16xi32> -> vector<16xf32>
      %select_n3A_605 = arith.select %lt3A_4, %masked_sort3A_374, %rev3A_604 : vector<16xi1>, vector<16xf32>
      %rev3A_606 = arith.constant 15 : i32
      %rev3A_607 = vector.broadcast %rev3A_606 : i32 to vector<16xi32>
      %rev3A_608 = tpu.iota {dimensions = array<i32: 0>} : vector<16xi32>
      %rev3A_609 = arith.subi %rev3A_607, %rev3A_608 : vector<16xi32>
      %rev3A_610 = tpu.dynamic_gather %masked_sort3A_391[%rev3A_609] in [0] : vector<16xi32>, vector<16xi32> -> vector<16xi32>
      %select_n3A_611 = arith.select %lt3A_4, %masked_sort3A_375, %rev3A_610 : vector<16xi1>, vector<16xi32>
      %masked_sort3A_612 = arith.constant dense<true> : vector<16xi1>
      %masked_sort3A_613, %masked_sort3A_614, %masked_sort3A_615 = tpu.sort %select_n3A_605, %select_n3A_611 masked %masked_sort3A_612 {descending = true} : (vector<16xf32>, vector<16xi32>, vector<16xi1>) -> (vector<16xi1>, vector<16xf32>, vector<16xi32>)
      %rev3A_616 = arith.constant 15 : i32
      %rev3A_617 = vector.broadcast %rev3A_616 : i32 to vector<16xi32>
      %rev3A_618 = tpu.iota {dimensions = array<i32: 0>} : vector<16xi32>
      %rev3A_619 = arith.subi %rev3A_617, %rev3A_618 : vector<16xi32>
      %rev3A_620 = tpu.dynamic_gather %masked_sort3A_422[%rev3A_619] in [0] : vector<16xf32>, vector<16xi32> -> vector<16xf32>
      %select_n3A_621 = arith.select %lt3A_4, %masked_sort3A_406, %rev3A_620 : vector<16xi1>, vector<16xf32>
      %rev3A_622 = arith.constant 15 : i32
      %rev3A_623 = vector.broadcast %rev3A_622 : i32 to vector<16xi32>
      %rev3A_624 = tpu.iota {dimensions = array<i32: 0>} : vector<16xi32>
      %rev3A_625 = arith.subi %rev3A_623, %rev3A_624 : vector<16xi32>
      %rev3A_626 = tpu.dynamic_gather %masked_sort3A_423[%rev3A_625] in [0] : vector<16xi32>, vector<16xi32> -> vector<16xi32>
      %select_n3A_627 = arith.select %lt3A_4, %masked_sort3A_407, %rev3A_626 : vector<16xi1>, vector<16xi32>
      %masked_sort3A_628 = arith.constant dense<true> : vector<16xi1>
      %masked_sort3A_629, %masked_sort3A_630, %masked_sort3A_631 = tpu.sort %select_n3A_621, %select_n3A_627 masked %masked_sort3A_628 {descending = true} : (vector<16xf32>, vector<16xi32>, vector<16xi1>) -> (vector<16xi1>, vector<16xf32>, vector<16xi32>)
      %rev3A_632 = arith.constant 15 : i32
      %rev3A_633 = vector.broadcast %rev3A_632 : i32 to vector<16xi32>
      %rev3A_634 = tpu.iota {dimensions = array<i32: 0>} : vector<16xi32>
      %rev3A_635 = arith.subi %rev3A_633, %rev3A_634 : vector<16xi32>
      %rev3A_636 = tpu.dynamic_gather %masked_sort3A_454[%rev3A_635] in [0] : vector<16xf32>, vector<16xi32> -> vector<16xf32>
      %select_n3A_637 = arith.select %lt3A_4, %masked_sort3A_438, %rev3A_636 : vector<16xi1>, vector<16xf32>
      %rev3A_638 = arith.constant 15 : i32
      %rev3A_639 = vector.broadcast %rev3A_638 : i32 to vector<16xi32>
      %rev3A_640 = tpu.iota {dimensions = array<i32: 0>} : vector<16xi32>
      %rev3A_641 = arith.subi %rev3A_639, %rev3A_640 : vector<16xi32>
      %rev3A_642 = tpu.dynamic_gather %masked_sort3A_455[%rev3A_641] in [0] : vector<16xi32>, vector<16xi32> -> vector<16xi32>
      %select_n3A_643 = arith.select %lt3A_4, %masked_sort3A_439, %rev3A_642 : vector<16xi1>, vector<16xi32>
      %masked_sort3A_644 = arith.constant dense<true> : vector<16xi1>
      %masked_sort3A_645, %masked_sort3A_646, %masked_sort3A_647 = tpu.sort %select_n3A_637, %select_n3A_643 masked %masked_sort3A_644 {descending = true} : (vector<16xf32>, vector<16xi32>, vector<16xi1>) -> (vector<16xi1>, vector<16xf32>, vector<16xi32>)
      %rev3A_648 = arith.constant 15 : i32
      %rev3A_649 = vector.broadcast %rev3A_648 : i32 to vector<16xi32>
      %rev3A_650 = tpu.iota {dimensions = array<i32: 0>} : vector<16xi32>
      %rev3A_651 = arith.subi %rev3A_649, %rev3A_650 : vector<16xi32>
      %rev3A_652 = tpu.dynamic_gather %masked_sort3A_486[%rev3A_651] in [0] : vector<16xf32>, vector<16xi32> -> vector<16xf32>
      %select_n3A_653 = arith.select %lt3A_4, %masked_sort3A_470, %rev3A_652 : vector<16xi1>, vector<16xf32>
      %rev3A_654 = arith.constant 15 : i32
      %rev3A_655 = vector.broadcast %rev3A_654 : i32 to vector<16xi32>
      %rev3A_656 = tpu.iota {dimensions = array<i32: 0>} : vector<16xi32>
      %rev3A_657 = arith.subi %rev3A_655, %rev3A_656 : vector<16xi32>
      %rev3A_658 = tpu.dynamic_gather %masked_sort3A_487[%rev3A_657] in [0] : vector<16xi32>, vector<16xi32> -> vector<16xi32>
      %select_n3A_659 = arith.select %lt3A_4, %masked_sort3A_471, %rev3A_658 : vector<16xi1>, vector<16xi32>
      %masked_sort3A_660 = arith.constant dense<true> : vector<16xi1>
      %masked_sort3A_661, %masked_sort3A_662, %masked_sort3A_663 = tpu.sort %select_n3A_653, %select_n3A_659 masked %masked_sort3A_660 {descending = true} : (vector<16xf32>, vector<16xi32>, vector<16xi1>) -> (vector<16xi1>, vector<16xf32>, vector<16xi32>)
      %rev3A_664 = arith.constant 15 : i32
      %rev3A_665 = vector.broadcast %rev3A_664 : i32 to vector<16xi32>
      %rev3A_666 = tpu.iota {dimensions = array<i32: 0>} : vector<16xi32>
      %rev3A_667 = arith.subi %rev3A_665, %rev3A_666 : vector<16xi32>
      %rev3A_668 = tpu.dynamic_gather %masked_sort3A_518[%rev3A_667] in [0] : vector<16xf32>, vector<16xi32> -> vector<16xf32>
      %select_n3A_669 = arith.select %lt3A_4, %masked_sort3A_502, %rev3A_668 : vector<16xi1>, vector<16xf32>
      %rev3A_670 = arith.constant 15 : i32
      %rev3A_671 = vector.broadcast %rev3A_670 : i32 to vector<16xi32>
      %rev3A_672 = tpu.iota {dimensions = array<i32: 0>} : vector<16xi32>
      %rev3A_673 = arith.subi %rev3A_671, %rev3A_672 : vector<16xi32>
      %rev3A_674 = tpu.dynamic_gather %masked_sort3A_519[%rev3A_673] in [0] : vector<16xi32>, vector<16xi32> -> vector<16xi32>
      %select_n3A_675 = arith.select %lt3A_4, %masked_sort3A_503, %rev3A_674 : vector<16xi1>, vector<16xi32>
      %masked_sort3A_676 = arith.constant dense<true> : vector<16xi1>
      %masked_sort3A_677, %masked_sort3A_678, %masked_sort3A_679 = tpu.sort %select_n3A_669, %select_n3A_675 masked %masked_sort3A_676 {descending = true} : (vector<16xf32>, vector<16xi32>, vector<16xi1>) -> (vector<16xi1>, vector<16xf32>, vector<16xi32>)
      %rev3A_680 = arith.constant 15 : i32
      %rev3A_681 = vector.broadcast %rev3A_680 : i32 to vector<16xi32>
      %rev3A_682 = tpu.iota {dimensions = array<i32: 0>} : vector<16xi32>
      %rev3A_683 = arith.subi %rev3A_681, %rev3A_682 : vector<16xi32>
      %rev3A_684 = tpu.dynamic_gather %masked_sort3A_550[%rev3A_683] in [0] : vector<16xf32>, vector<16xi32> -> vector<16xf32>
      %select_n3A_685 = arith.select %lt3A_4, %masked_sort3A_534, %rev3A_684 : vector<16xi1>, vector<16xf32>
      %rev3A_686 = arith.constant 15 : i32
      %rev3A_687 = vector.broadcast %rev3A_686 : i32 to vector<16xi32>
      %rev3A_688 = tpu.iota {dimensions = array<i32: 0>} : vector<16xi32>
      %rev3A_689 = arith.subi %rev3A_687, %rev3A_688 : vector<16xi32>
      %rev3A_690 = tpu.dynamic_gather %masked_sort3A_551[%rev3A_689] in [0] : vector<16xi32>, vector<16xi32> -> vector<16xi32>
      %select_n3A_691 = arith.select %lt3A_4, %masked_sort3A_535, %rev3A_690 : vector<16xi1>, vector<16xi32>
      %masked_sort3A_692 = arith.constant dense<true> : vector<16xi1>
      %masked_sort3A_693, %masked_sort3A_694, %masked_sort3A_695 = tpu.sort %select_n3A_685, %select_n3A_691 masked %masked_sort3A_692 {descending = true} : (vector<16xf32>, vector<16xi32>, vector<16xi1>) -> (vector<16xi1>, vector<16xf32>, vector<16xi32>)
      %rev3A_696 = arith.constant 15 : i32
      %rev3A_697 = vector.broadcast %rev3A_696 : i32 to vector<16xi32>
      %rev3A_698 = tpu.iota {dimensions = array<i32: 0>} : vector<16xi32>
      %rev3A_699 = arith.subi %rev3A_697, %rev3A_698 : vector<16xi32>
      %rev3A_700 = tpu.dynamic_gather %masked_sort3A_582[%rev3A_699] in [0] : vector<16xf32>, vector<16xi32> -> vector<16xf32>
      %select_n3A_701 = arith.select %lt3A_4, %masked_sort3A_566, %rev3A_700 : vector<16xi1>, vector<16xf32>
      %rev3A_702 = arith.constant 15 : i32
      %rev3A_703 = vector.broadcast %rev3A_702 : i32 to vector<16xi32>
      %rev3A_704 = tpu.iota {dimensions = array<i32: 0>} : vector<16xi32>
      %rev3A_705 = arith.subi %rev3A_703, %rev3A_704 : vector<16xi32>
      %rev3A_706 = tpu.dynamic_gather %masked_sort3A_583[%rev3A_705] in [0] : vector<16xi32>, vector<16xi32> -> vector<16xi32>
      %select_n3A_707 = arith.select %lt3A_4, %masked_sort3A_567, %rev3A_706 : vector<16xi1>, vector<16xi32>
      %masked_sort3A_708 = arith.constant dense<true> : vector<16xi1>
      %masked_sort3A_709, %masked_sort3A_710, %masked_sort3A_711 = tpu.sort %select_n3A_701, %select_n3A_707 masked %masked_sort3A_708 {descending = true} : (vector<16xf32>, vector<16xi32>, vector<16xi1>) -> (vector<16xi1>, vector<16xf32>, vector<16xi32>)
      %rev3A_712 = arith.constant 15 : i32
      %rev3A_713 = vector.broadcast %rev3A_712 : i32 to vector<16xi32>
      %rev3A_714 = tpu.iota {dimensions = array<i32: 0>} : vector<16xi32>
      %rev3A_715 = arith.subi %rev3A_713, %rev3A_714 : vector<16xi32>
      %rev3A_716 = tpu.dynamic_gather %masked_sort3A_614[%rev3A_715] in [0] : vector<16xf32>, vector<16xi32> -> vector<16xf32>
      %select_n3A_717 = arith.select %lt3A_4, %masked_sort3A_598, %rev3A_716 : vector<16xi1>, vector<16xf32>
      %rev3A_718 = arith.constant 15 : i32
      %rev3A_719 = vector.broadcast %rev3A_718 : i32 to vector<16xi32>
      %rev3A_720 = tpu.iota {dimensions = array<i32: 0>} : vector<16xi32>
      %rev3A_721 = arith.subi %rev3A_719, %rev3A_720 : vector<16xi32>
      %rev3A_722 = tpu.dynamic_gather %masked_sort3A_615[%rev3A_721] in [0] : vector<16xi32>, vector<16xi32> -> vector<16xi32>
      %select_n3A_723 = arith.select %lt3A_4, %masked_sort3A_599, %rev3A_722 : vector<16xi1>, vector<16xi32>
      %masked_sort3A_724 = arith.constant dense<true> : vector<16xi1>
      %masked_sort3A_725, %masked_sort3A_726, %masked_sort3A_727 = tpu.sort %select_n3A_717, %select_n3A_723 masked %masked_sort3A_724 {descending = true} : (vector<16xf32>, vector<16xi32>, vector<16xi1>) -> (vector<16xi1>, vector<16xf32>, vector<16xi32>)
      %rev3A_728 = arith.constant 15 : i32
      %rev3A_729 = vector.broadcast %rev3A_728 : i32 to vector<16xi32>
      %rev3A_730 = tpu.iota {dimensions = array<i32: 0>} : vector<16xi32>
      %rev3A_731 = arith.subi %rev3A_729, %rev3A_730 : vector<16xi32>
      %rev3A_732 = tpu.dynamic_gather %masked_sort3A_646[%rev3A_731] in [0] : vector<16xf32>, vector<16xi32> -> vector<16xf32>
      %select_n3A_733 = arith.select %lt3A_4, %masked_sort3A_630, %rev3A_732 : vector<16xi1>, vector<16xf32>
      %rev3A_734 = arith.constant 15 : i32
      %rev3A_735 = vector.broadcast %rev3A_734 : i32 to vector<16xi32>
      %rev3A_736 = tpu.iota {dimensions = array<i32: 0>} : vector<16xi32>
      %rev3A_737 = arith.subi %rev3A_735, %rev3A_736 : vector<16xi32>
      %rev3A_738 = tpu.dynamic_gather %masked_sort3A_647[%rev3A_737] in [0] : vector<16xi32>, vector<16xi32> -> vector<16xi32>
      %select_n3A_739 = arith.select %lt3A_4, %masked_sort3A_631, %rev3A_738 : vector<16xi1>, vector<16xi32>
      %masked_sort3A_740 = arith.constant dense<true> : vector<16xi1>
      %masked_sort3A_741, %masked_sort3A_742, %masked_sort3A_743 = tpu.sort %select_n3A_733, %select_n3A_739 masked %masked_sort3A_740 {descending = true} : (vector<16xf32>, vector<16xi32>, vector<16xi1>) -> (vector<16xi1>, vector<16xf32>, vector<16xi32>)
      %rev3A_744 = arith.constant 15 : i32
      %rev3A_745 = vector.broadcast %rev3A_744 : i32 to vector<16xi32>
      %rev3A_746 = tpu.iota {dimensions = array<i32: 0>} : vector<16xi32>
      %rev3A_747 = arith.subi %rev3A_745, %rev3A_746 : vector<16xi32>
      %rev3A_748 = tpu.dynamic_gather %masked_sort3A_678[%rev3A_747] in [0] : vector<16xf32>, vector<16xi32> -> vector<16xf32>
      %select_n3A_749 = arith.select %lt3A_4, %masked_sort3A_662, %rev3A_748 : vector<16xi1>, vector<16xf32>
      %rev3A_750 = arith.constant 15 : i32
      %rev3A_751 = vector.broadcast %rev3A_750 : i32 to vector<16xi32>
      %rev3A_752 = tpu.iota {dimensions = array<i32: 0>} : vector<16xi32>
      %rev3A_753 = arith.subi %rev3A_751, %rev3A_752 : vector<16xi32>
      %rev3A_754 = tpu.dynamic_gather %masked_sort3A_679[%rev3A_753] in [0] : vector<16xi32>, vector<16xi32> -> vector<16xi32>
      %select_n3A_755 = arith.select %lt3A_4, %masked_sort3A_663, %rev3A_754 : vector<16xi1>, vector<16xi32>
      %masked_sort3A_756 = arith.constant dense<true> : vector<16xi1>
      %masked_sort3A_757, %masked_sort3A_758, %masked_sort3A_759 = tpu.sort %select_n3A_749, %select_n3A_755 masked %masked_sort3A_756 {descending = true} : (vector<16xf32>, vector<16xi32>, vector<16xi1>) -> (vector<16xi1>, vector<16xf32>, vector<16xi32>)
      %rev3A_760 = arith.constant 15 : i32
      %rev3A_761 = vector.broadcast %rev3A_760 : i32 to vector<16xi32>
      %rev3A_762 = tpu.iota {dimensions = array<i32: 0>} : vector<16xi32>
      %rev3A_763 = arith.subi %rev3A_761, %rev3A_762 : vector<16xi32>
      %rev3A_764 = tpu.dynamic_gather %masked_sort3A_710[%rev3A_763] in [0] : vector<16xf32>, vector<16xi32> -> vector<16xf32>
      %select_n3A_765 = arith.select %lt3A_4, %masked_sort3A_694, %rev3A_764 : vector<16xi1>, vector<16xf32>
      %rev3A_766 = arith.constant 15 : i32
      %rev3A_767 = vector.broadcast %rev3A_766 : i32 to vector<16xi32>
      %rev3A_768 = tpu.iota {dimensions = array<i32: 0>} : vector<16xi32>
      %rev3A_769 = arith.subi %rev3A_767, %rev3A_768 : vector<16xi32>
      %rev3A_770 = tpu.dynamic_gather %masked_sort3A_711[%rev3A_769] in [0] : vector<16xi32>, vector<16xi32> -> vector<16xi32>
      %select_n3A_771 = arith.select %lt3A_4, %masked_sort3A_695, %rev3A_770 : vector<16xi1>, vector<16xi32>
      %masked_sort3A_772 = arith.constant dense<true> : vector<16xi1>
      %masked_sort3A_773, %masked_sort3A_774, %masked_sort3A_775 = tpu.sort %select_n3A_765, %select_n3A_771 masked %masked_sort3A_772 {descending = true} : (vector<16xf32>, vector<16xi32>, vector<16xi1>) -> (vector<16xi1>, vector<16xf32>, vector<16xi32>)
      %rev3A_776 = arith.constant 15 : i32
      %rev3A_777 = vector.broadcast %rev3A_776 : i32 to vector<16xi32>
      %rev3A_778 = tpu.iota {dimensions = array<i32: 0>} : vector<16xi32>
      %rev3A_779 = arith.subi %rev3A_777, %rev3A_778 : vector<16xi32>
      %rev3A_780 = tpu.dynamic_gather %masked_sort3A_742[%rev3A_779] in [0] : vector<16xf32>, vector<16xi32> -> vector<16xf32>
      %select_n3A_781 = arith.select %lt3A_4, %masked_sort3A_726, %rev3A_780 : vector<16xi1>, vector<16xf32>
      %rev3A_782 = arith.constant 15 : i32
      %rev3A_783 = vector.broadcast %rev3A_782 : i32 to vector<16xi32>
      %rev3A_784 = tpu.iota {dimensions = array<i32: 0>} : vector<16xi32>
      %rev3A_785 = arith.subi %rev3A_783, %rev3A_784 : vector<16xi32>
      %rev3A_786 = tpu.dynamic_gather %masked_sort3A_743[%rev3A_785] in [0] : vector<16xi32>, vector<16xi32> -> vector<16xi32>
      %select_n3A_787 = arith.select %lt3A_4, %masked_sort3A_727, %rev3A_786 : vector<16xi1>, vector<16xi32>
      %masked_sort3A_788 = arith.constant dense<true> : vector<16xi1>
      %masked_sort3A_789, %masked_sort3A_790, %masked_sort3A_791 = tpu.sort %select_n3A_781, %select_n3A_787 masked %masked_sort3A_788 {descending = true} : (vector<16xf32>, vector<16xi32>, vector<16xi1>) -> (vector<16xi1>, vector<16xf32>, vector<16xi32>)
      %rev3A_792 = arith.constant 15 : i32
      %rev3A_793 = vector.broadcast %rev3A_792 : i32 to vector<16xi32>
      %rev3A_794 = tpu.iota {dimensions = array<i32: 0>} : vector<16xi32>
      %rev3A_795 = arith.subi %rev3A_793, %rev3A_794 : vector<16xi32>
      %rev3A_796 = tpu.dynamic_gather %masked_sort3A_774[%rev3A_795] in [0] : vector<16xf32>, vector<16xi32> -> vector<16xf32>
      %select_n3A_797 = arith.select %lt3A_4, %masked_sort3A_758, %rev3A_796 : vector<16xi1>, vector<16xf32>
      %rev3A_798 = arith.constant 15 : i32
      %rev3A_799 = vector.broadcast %rev3A_798 : i32 to vector<16xi32>
      %rev3A_800 = tpu.iota {dimensions = array<i32: 0>} : vector<16xi32>
      %rev3A_801 = arith.subi %rev3A_799, %rev3A_800 : vector<16xi32>
      %rev3A_802 = tpu.dynamic_gather %masked_sort3A_775[%rev3A_801] in [0] : vector<16xi32>, vector<16xi32> -> vector<16xi32>
      %select_n3A_803 = arith.select %lt3A_4, %masked_sort3A_759, %rev3A_802 : vector<16xi1>, vector<16xi32>
      %masked_sort3A_804 = arith.constant dense<true> : vector<16xi1>
      %masked_sort3A_805, %masked_sort3A_806, %masked_sort3A_807 = tpu.sort %select_n3A_797, %select_n3A_803 masked %masked_sort3A_804 {descending = true} : (vector<16xf32>, vector<16xi32>, vector<16xi1>) -> (vector<16xi1>, vector<16xf32>, vector<16xi32>)
      %rev3A_808 = arith.constant 15 : i32
      %rev3A_809 = vector.broadcast %rev3A_808 : i32 to vector<16xi32>
      %rev3A_810 = tpu.iota {dimensions = array<i32: 0>} : vector<16xi32>
      %rev3A_811 = arith.subi %rev3A_809, %rev3A_810 : vector<16xi32>
      %rev3A_812 = tpu.dynamic_gather %masked_sort3A_806[%rev3A_811] in [0] : vector<16xf32>, vector<16xi32> -> vector<16xf32>
      %select_n3A_813 = arith.select %lt3A_4, %masked_sort3A_790, %rev3A_812 : vector<16xi1>, vector<16xf32>
      %rev3A_814 = arith.constant 15 : i32
      %rev3A_815 = vector.broadcast %rev3A_814 : i32 to vector<16xi32>
      %rev3A_816 = tpu.iota {dimensions = array<i32: 0>} : vector<16xi32>
      %rev3A_817 = arith.subi %rev3A_815, %rev3A_816 : vector<16xi32>
      %rev3A_818 = tpu.dynamic_gather %masked_sort3A_807[%rev3A_817] in [0] : vector<16xi32>, vector<16xi32> -> vector<16xi32>
      %select_n3A_819 = arith.select %lt3A_4, %masked_sort3A_791, %rev3A_818 : vector<16xi1>, vector<16xi32>
      %masked_sort3A_820 = arith.constant dense<true> : vector<16xi1>
      %masked_sort3A_821, %masked_sort3A_822, %masked_sort3A_823 = tpu.sort %select_n3A_813, %select_n3A_819 masked %masked_sort3A_820 {descending = true} : (vector<16xf32>, vector<16xi32>, vector<16xi1>) -> (vector<16xi1>, vector<16xf32>, vector<16xi32>)
      %reduce_max3A = arith.constant true
      %reduce_max3A_824 = vector.broadcast %reduce_max3A : i1 to vector<16xi1>
      %reduce_max3A_825 = tpu.scan <max>, %masked_sort3A_822 masked %reduce_max3A_824 : vector<16xf32>, vector<16xi1> -> vector<16xf32>
      %reduce_max3A_826 = vector.extract %reduce_max3A_825[15] : f32 from vector<16xf32>
      %sub3A = vector.broadcast %reduce_max3A_826 : f32 to vector<16xf32>
      %sub3A_827 = arith.subf %masked_sort3A_822, %sub3A : vector<16xf32>
      %mul3A_828 = arith.constant 1.000000e+00 : f32
      %mul3A_829 = vector.broadcast %mul3A_828 : f32 to vector<16xf32>
      %mul3A_830 = arith.mulf %sub3A_827, %mul3A_829 : vector<16xf32>
      %exp3A = math.exp %mul3A_830 : vector<16xf32>
      %jit3A = arith.constant 0.000000e+00 : f32
      %broadcast_in_dim3A = vector.broadcast %jit3A : f32 to vector<16xf32>
      %select_n3A_831 = arith.select %lt3A_4, %exp3A, %broadcast_in_dim3A : vector<16xi1>, vector<16xf32>
      %reduce_sum3A = arith.constant true
      %reduce_sum3A_832 = vector.broadcast %reduce_sum3A : i1 to vector<16xi1>
      %reduce_sum3A_833 = tpu.scan <sum>, %select_n3A_831 masked %reduce_sum3A_832 : vector<16xf32>, vector<16xi1> -> vector<16xf32>
      %reduce_sum3A_834 = vector.extract %reduce_sum3A_833[15] : f32 from vector<16xf32>
      %broadcast_in_dim3A_835 = vector.broadcast %reduce_sum3A_834 : f32 to vector<16xf32>
      %div3A = arith.divf %select_n3A_831, %broadcast_in_dim3A_835 : vector<16xf32>
      %broadcast_in_dim3A_836 = arith.constant 0.000000e+00 : f32
      %broadcast_in_dim3A_837 = vector.broadcast %broadcast_in_dim3A_836 : f32 to vector<16xf32>
      %swap3A = arith.index_cast %mul3A_11 : i32 to index
      %swap3A_838 = arith.constant 0 : index
      %swap3A_839 = tpu.vector_load %arg5[%swap3A, %swap3A_838] {strides = array<i32>} : memref<16x512xf32, #tpu.memory_space<vmem>>, vector<16xf32>,
      tpu.vector_store %arg5[%swap3A, %swap3A_838], %broadcast_in_dim3A_837 {strides = array<i32>} : memref<16x512xf32, #tpu.memory_space<vmem>>, vector<16xf32>,
      %swap3A_840 = arith.index_cast %mul3A_11 : i32 to index
      %swap3A_841 = arith.constant 16 : index
      %swap3A_842 = tpu.vector_load %arg5[%swap3A_840, %swap3A_841] {strides = array<i32>} : memref<16x512xf32, #tpu.memory_space<vmem>>, vector<16xf32>,
      tpu.vector_store %arg5[%swap3A_840, %swap3A_841], %broadcast_in_dim3A_837 {strides = array<i32>} : memref<16x512xf32, #tpu.memory_space<vmem>>, vector<16xf32>,
      %swap3A_843 = arith.index_cast %mul3A_11 : i32 to index
      %swap3A_844 = arith.constant 32 : index
      %swap3A_845 = tpu.vector_load %arg5[%swap3A_843, %swap3A_844] {strides = array<i32>} : memref<16x512xf32, #tpu.memory_space<vmem>>, vector<16xf32>,
      tpu.vector_store %arg5[%swap3A_843, %swap3A_844], %broadcast_in_dim3A_837 {strides = array<i32>} : memref<16x512xf32, #tpu.memory_space<vmem>>, vector<16xf32>,
      %swap3A_846 = arith.index_cast %mul3A_11 : i32 to index
      %swap3A_847 = arith.constant 48 : index
      %swap3A_848 = tpu.vector_load %arg5[%swap3A_846, %swap3A_847] {strides = array<i32>} : memref<16x512xf32, #tpu.memory_space<vmem>>, vector<16xf32>,
      tpu.vector_store %arg5[%swap3A_846, %swap3A_847], %broadcast_in_dim3A_837 {strides = array<i32>} : memref<16x512xf32, #tpu.memory_space<vmem>>, vector<16xf32>,
      %swap3A_849 = arith.index_cast %mul3A_11 : i32 to index
      %swap3A_850 = arith.constant 64 : index
      %swap3A_851 = tpu.vector_load %arg5[%swap3A_849, %swap3A_850] {strides = array<i32>} : memref<16x512xf32, #tpu.memory_space<vmem>>, vector<16xf32>,
      tpu.vector_store %arg5[%swap3A_849, %swap3A_850], %broadcast_in_dim3A_837 {strides = array<i32>} : memref<16x512xf32, #tpu.memory_space<vmem>>, vector<16xf32>,
      %swap3A_852 = arith.index_cast %mul3A_11 : i32 to index
      %swap3A_853 = arith.constant 80 : index
      %swap3A_854 = tpu.vector_load %arg5[%swap3A_852, %swap3A_853] {strides = array<i32>} : memref<16x512xf32, #tpu.memory_space<vmem>>, vector<16xf32>,
      tpu.vector_store %arg5[%swap3A_852, %swap3A_853], %broadcast_in_dim3A_837 {strides = array<i32>} : memref<16x512xf32, #tpu.memory_space<vmem>>, vector<16xf32>,
      %swap3A_855 = arith.index_cast %mul3A_11 : i32 to index
      %swap3A_856 = arith.constant 96 : index
      %swap3A_857 = tpu.vector_load %arg5[%swap3A_855, %swap3A_856] {strides = array<i32>} : memref<16x512xf32, #tpu.memory_space<vmem>>, vector<16xf32>,
      tpu.vector_store %arg5[%swap3A_855, %swap3A_856], %broadcast_in_dim3A_837 {strides = array<i32>} : memref<16x512xf32, #tpu.memory_space<vmem>>, vector<16xf32>,
      %swap3A_858 = arith.index_cast %mul3A_11 : i32 to index
      %swap3A_859 = arith.constant 112 : index
      %swap3A_860 = tpu.vector_load %arg5[%swap3A_858, %swap3A_859] {strides = array<i32>} : memref<16x512xf32, #tpu.memory_space<vmem>>, vector<16xf32>,
      tpu.vector_store %arg5[%swap3A_858, %swap3A_859], %broadcast_in_dim3A_837 {strides = array<i32>} : memref<16x512xf32, #tpu.memory_space<vmem>>, vector<16xf32>,
      %swap3A_861 = arith.index_cast %mul3A_11 : i32 to index
      %swap3A_862 = arith.constant 128 : index
      %swap3A_863 = tpu.vector_load %arg5[%swap3A_861, %swap3A_862] {strides = array<i32>} : memref<16x512xf32, #tpu.memory_space<vmem>>, vector<16xf32>,
      tpu.vector_store %arg5[%swap3A_861, %swap3A_862], %broadcast_in_dim3A_837 {strides = array<i32>} : memref<16x512xf32, #tpu.memory_space<vmem>>, vector<16xf32>,
      %swap3A_864 = arith.index_cast %mul3A_11 : i32 to index
      %swap3A_865 = arith.constant 144 : index
      %swap3A_866 = tpu.vector_load %arg5[%swap3A_864, %swap3A_865] {strides = array<i32>} : memref<16x512xf32, #tpu.memory_space<vmem>>, vector<16xf32>,
      tpu.vector_store %arg5[%swap3A_864, %swap3A_865], %broadcast_in_dim3A_837 {strides = array<i32>} : memref<16x512xf32, #tpu.memory_space<vmem>>, vector<16xf32>,
      %swap3A_867 = arith.index_cast %mul3A_11 : i32 to index
      %swap3A_868 = arith.constant 160 : index
      %swap3A_869 = tpu.vector_load %arg5[%swap3A_867, %swap3A_868] {strides = array<i32>} : memref<16x512xf32, #tpu.memory_space<vmem>>, vector<16xf32>,
      tpu.vector_store %arg5[%swap3A_867, %swap3A_868], %broadcast_in_dim3A_837 {strides = array<i32>} : memref<16x512xf32, #tpu.memory_space<vmem>>, vector<16xf32>,
      %swap3A_870 = arith.index_cast %mul3A_11 : i32 to index
      %swap3A_871 = arith.constant 176 : index
      %swap3A_872 = tpu.vector_load %arg5[%swap3A_870, %swap3A_871] {strides = array<i32>} : memref<16x512xf32, #tpu.memory_space<vmem>>, vector<16xf32>,
      tpu.vector_store %arg5[%swap3A_870, %swap3A_871], %broadcast_in_dim3A_837 {strides = array<i32>} : memref<16x512xf32, #tpu.memory_space<vmem>>, vector<16xf32>,
      %swap3A_873 = arith.index_cast %mul3A_11 : i32 to index
      %swap3A_874 = arith.constant 192 : index
      %swap3A_875 = tpu.vector_load %arg5[%swap3A_873, %swap3A_874] {strides = array<i32>} : memref<16x512xf32, #tpu.memory_space<vmem>>, vector<16xf32>,
      tpu.vector_store %arg5[%swap3A_873, %swap3A_874], %broadcast_in_dim3A_837 {strides = array<i32>} : memref<16x512xf32, #tpu.memory_space<vmem>>, vector<16xf32>,
      %swap3A_876 = arith.index_cast %mul3A_11 : i32 to index
      %swap3A_877 = arith.constant 208 : index
      %swap3A_878 = tpu.vector_load %arg5[%swap3A_876, %swap3A_877] {strides = array<i32>} : memref<16x512xf32, #tpu.memory_space<vmem>>, vector<16xf32>,
      tpu.vector_store %arg5[%swap3A_876, %swap3A_877], %broadcast_in_dim3A_837 {strides = array<i32>} : memref<16x512xf32, #tpu.memory_space<vmem>>, vector<16xf32>,
      %swap3A_879 = arith.index_cast %mul3A_11 : i32 to index
      %swap3A_880 = arith.constant 224 : index
      %swap3A_881 = tpu.vector_load %arg5[%swap3A_879, %swap3A_880] {strides = array<i32>} : memref<16x512xf32, #tpu.memory_space<vmem>>, vector<16xf32>,
      tpu.vector_store %arg5[%swap3A_879, %swap3A_880], %broadcast_in_dim3A_837 {strides = array<i32>} : memref<16x512xf32, #tpu.memory_space<vmem>>, vector<16xf32>,
      %swap3A_882 = arith.index_cast %mul3A_11 : i32 to index
      %swap3A_883 = arith.constant 240 : index
      %swap3A_884 = tpu.vector_load %arg5[%swap3A_882, %swap3A_883] {strides = array<i32>} : memref<16x512xf32, #tpu.memory_space<vmem>>, vector<16xf32>,
      tpu.vector_store %arg5[%swap3A_882, %swap3A_883], %broadcast_in_dim3A_837 {strides = array<i32>} : memref<16x512xf32, #tpu.memory_space<vmem>>, vector<16xf32>,
      %swap3A_885 = arith.index_cast %mul3A_11 : i32 to index
      %swap3A_886 = arith.constant 256 : index
      %swap3A_887 = tpu.vector_load %arg5[%swap3A_885, %swap3A_886] {strides = array<i32>} : memref<16x512xf32, #tpu.memory_space<vmem>>, vector<16xf32>,
      tpu.vector_store %arg5[%swap3A_885, %swap3A_886], %broadcast_in_dim3A_837 {strides = array<i32>} : memref<16x512xf32, #tpu.memory_space<vmem>>, vector<16xf32>,
      %swap3A_888 = arith.index_cast %mul3A_11 : i32 to index
      %swap3A_889 = arith.constant 272 : index
      %swap3A_890 = tpu.vector_load %arg5[%swap3A_888, %swap3A_889] {strides = array<i32>} : memref<16x512xf32, #tpu.memory_space<vmem>>, vector<16xf32>,
      tpu.vector_store %arg5[%swap3A_888, %swap3A_889], %broadcast_in_dim3A_837 {strides = array<i32>} : memref<16x512xf32, #tpu.memory_space<vmem>>, vector<16xf32>,
      %swap3A_891 = arith.index_cast %mul3A_11 : i32 to index
      %swap3A_892 = arith.constant 288 : index
      %swap3A_893 = tpu.vector_load %arg5[%swap3A_891, %swap3A_892] {strides = array<i32>} : memref<16x512xf32, #tpu.memory_space<vmem>>, vector<16xf32>,
      tpu.vector_store %arg5[%swap3A_891, %swap3A_892], %broadcast_in_dim3A_837 {strides = array<i32>} : memref<16x512xf32, #tpu.memory_space<vmem>>, vector<16xf32>,
      %swap3A_894 = arith.index_cast %mul3A_11 : i32 to index
      %swap3A_895 = arith.constant 304 : index
      %swap3A_896 = tpu.vector_load %arg5[%swap3A_894, %swap3A_895] {strides = array<i32>} : memref<16x512xf32, #tpu.memory_space<vmem>>, vector<16xf32>,
      tpu.vector_store %arg5[%swap3A_894, %swap3A_895], %broadcast_in_dim3A_837 {strides = array<i32>} : memref<16x512xf32, #tpu.memory_space<vmem>>, vector<16xf32>,
      %swap3A_897 = arith.index_cast %mul3A_11 : i32 to index
      %swap3A_898 = arith.constant 320 : index
      %swap3A_899 = tpu.vector_load %arg5[%swap3A_897, %swap3A_898] {strides = array<i32>} : memref<16x512xf32, #tpu.memory_space<vmem>>, vector<16xf32>,
      tpu.vector_store %arg5[%swap3A_897, %swap3A_898], %broadcast_in_dim3A_837 {strides = array<i32>} : memref<16x512xf32, #tpu.memory_space<vmem>>, vector<16xf32>,
      %swap3A_900 = arith.index_cast %mul3A_11 : i32 to index
      %swap3A_901 = arith.constant 336 : index
      %swap3A_902 = tpu.vector_load %arg5[%swap3A_900, %swap3A_901] {strides = array<i32>} : memref<16x512xf32, #tpu.memory_space<vmem>>, vector<16xf32>,
      tpu.vector_store %arg5[%swap3A_900, %swap3A_901], %broadcast_in_dim3A_837 {strides = array<i32>} : memref<16x512xf32, #tpu.memory_space<vmem>>, vector<16xf32>,
      %swap3A_903 = arith.index_cast %mul3A_11 : i32 to index
      %swap3A_904 = arith.constant 352 : index
      %swap3A_905 = tpu.vector_load %arg5[%swap3A_903, %swap3A_904] {strides = array<i32>} : memref<16x512xf32, #tpu.memory_space<vmem>>, vector<16xf32>,
      tpu.vector_store %arg5[%swap3A_903, %swap3A_904], %broadcast_in_dim3A_837 {strides = array<i32>} : memref<16x512xf32, #tpu.memory_space<vmem>>, vector<16xf32>,
      %swap3A_906 = arith.index_cast %mul3A_11 : i32 to index
      %swap3A_907 = arith.constant 368 : index
      %swap3A_908 = tpu.vector_load %arg5[%swap3A_906, %swap3A_907] {strides = array<i32>} : memref<16x512xf32, #tpu.memory_space<vmem>>, vector<16xf32>,
      tpu.vector_store %arg5[%swap3A_906, %swap3A_907], %broadcast_in_dim3A_837 {strides = array<i32>} : memref<16x512xf32, #tpu.memory_space<vmem>>, vector<16xf32>,
      %swap3A_909 = arith.index_cast %mul3A_11 : i32 to index
      %swap3A_910 = arith.constant 384 : index
      %swap3A_911 = tpu.vector_load %arg5[%swap3A_909, %swap3A_910] {strides = array<i32>} : memref<16x512xf32, #tpu.memory_space<vmem>>, vector<16xf32>,
      tpu.vector_store %arg5[%swap3A_909, %swap3A_910], %broadcast_in_dim3A_837 {strides = array<i32>} : memref<16x512xf32, #tpu.memory_space<vmem>>, vector<16xf32>,
      %swap3A_912 = arith.index_cast %mul3A_11 : i32 to index
      %swap3A_913 = arith.constant 400 : index
      %swap3A_914 = tpu.vector_load %arg5[%swap3A_912, %swap3A_913] {strides = array<i32>} : memref<16x512xf32, #tpu.memory_space<vmem>>, vector<16xf32>,
      tpu.vector_store %arg5[%swap3A_912, %swap3A_913], %broadcast_in_dim3A_837 {strides = array<i32>} : memref<16x512xf32, #tpu.memory_space<vmem>>, vector<16xf32>,
      %swap3A_915 = arith.index_cast %mul3A_11 : i32 to index
      %swap3A_916 = arith.constant 416 : index
      %swap3A_917 = tpu.vector_load %arg5[%swap3A_915, %swap3A_916] {strides = array<i32>} : memref<16x512xf32, #tpu.memory_space<vmem>>, vector<16xf32>,
      tpu.vector_store %arg5[%swap3A_915, %swap3A_916], %broadcast_in_dim3A_837 {strides = array<i32>} : memref<16x512xf32, #tpu.memory_space<vmem>>, vector<16xf32>,
      %swap3A_918 = arith.index_cast %mul3A_11 : i32 to index
      %swap3A_919 = arith.constant 432 : index
      %swap3A_920 = tpu.vector_load %arg5[%swap3A_918, %swap3A_919] {strides = array<i32>} : memref<16x512xf32, #tpu.memory_space<vmem>>, vector<16xf32>,
      tpu.vector_store %arg5[%swap3A_918, %swap3A_919], %broadcast_in_dim3A_837 {strides = array<i32>} : memref<16x512xf32, #tpu.memory_space<vmem>>, vector<16xf32>,
      %swap3A_921 = arith.index_cast %mul3A_11 : i32 to index
      %swap3A_922 = arith.constant 448 : index
      %swap3A_923 = tpu.vector_load %arg5[%swap3A_921, %swap3A_922] {strides = array<i32>} : memref<16x512xf32, #tpu.memory_space<vmem>>, vector<16xf32>,
      tpu.vector_store %arg5[%swap3A_921, %swap3A_922], %broadcast_in_dim3A_837 {strides = array<i32>} : memref<16x512xf32, #tpu.memory_space<vmem>>, vector<16xf32>,
      %swap3A_924 = arith.index_cast %mul3A_11 : i32 to index
      %swap3A_925 = arith.constant 464 : index
      %swap3A_926 = tpu.vector_load %arg5[%swap3A_924, %swap3A_925] {strides = array<i32>} : memref<16x512xf32, #tpu.memory_space<vmem>>, vector<16xf32>,
      tpu.vector_store %arg5[%swap3A_924, %swap3A_925], %broadcast_in_dim3A_837 {strides = array<i32>} : memref<16x512xf32, #tpu.memory_space<vmem>>, vector<16xf32>,
      %swap3A_927 = arith.index_cast %mul3A_11 : i32 to index
      %swap3A_928 = arith.constant 480 : index
      %swap3A_929 = tpu.vector_load %arg5[%swap3A_927, %swap3A_928] {strides = array<i32>} : memref<16x512xf32, #tpu.memory_space<vmem>>, vector<16xf32>,
      tpu.vector_store %arg5[%swap3A_927, %swap3A_928], %broadcast_in_dim3A_837 {strides = array<i32>} : memref<16x512xf32, #tpu.memory_space<vmem>>, vector<16xf32>,
      %swap3A_930 = arith.index_cast %mul3A_11 : i32 to index
      %swap3A_931 = arith.constant 496 : index
      %swap3A_932 = tpu.vector_load %arg5[%swap3A_930, %swap3A_931] {strides = array<i32>} : memref<16x512xf32, #tpu.memory_space<vmem>>, vector<16xf32>,
      tpu.vector_store %arg5[%swap3A_930, %swap3A_931], %broadcast_in_dim3A_837 {strides = array<i32>} : memref<16x512xf32, #tpu.memory_space<vmem>>, vector<16xf32>,
      %broadcast_in_dim3A_933 = vector.broadcast %mul3A_11 : i32 to vector<16xi32>
      tpu.vector_store_idx %arg5[%broadcast_in_dim3A_933, %masked_sort3A_823], %div3A masked %lt3A_4 : memref<16x512xf32, #tpu.memory_space<vmem>>[vector<16xi32>, vector<16xi32>], vector<16xf32>, vector<16xi1>
      %mul3A_934 = arith.constant 2 : i32
      %mul3A_935 = arith.muli %scan3A_9, %mul3A_934 : i32
      %add3A_936 = arith.constant 1 : i32
      %add3A_937 = arith.addi %mul3A_935, %add3A_936 : i32
      %get3A_938 = arith.index_cast %add3A_937 : i32 to index
      %get3A_939 = arith.constant 0 : index
      %get3A_940 = tpu.vector_load %arg4[%get3A_938, %get3A_939] {strides = array<i32>} : memref<16x512xf32, #tpu.memory_space<vmem>>, vector<16xf32>,
      %add3A_941 = arith.constant 0 : i32
      %add3A_942 = vector.broadcast %add3A_941 : i32 to vector<16xi32>
      %add3A_943 = arith.addi %iota3A, %add3A_942 : vector<16xi32>
      %masked_sort3A_944 = arith.constant dense<true> : vector<16xi1>
      %masked_sort3A_945, %masked_sort3A_946, %masked_sort3A_947 = tpu.sort %get3A_940, %add3A_943 masked %masked_sort3A_944 {descending = true} : (vector<16xf32>, vector<16xi32>, vector<16xi1>) -> (vector<16xi1>, vector<16xf32>, vector<16xi32>)
      %get3A_948 = arith.index_cast %add3A_937 : i32 to index
      %get3A_949 = arith.constant 16 : index
      %get3A_950 = tpu.vector_load %arg4[%get3A_948, %get3A_949] {strides = array<i32>} : memref<16x512xf32, #tpu.memory_space<vmem>>, vector<16xf32>,
      %add3A_951 = arith.constant 16 : i32
      %add3A_952 = vector.broadcast %add3A_951 : i32 to vector<16xi32>
      %add3A_953 = arith.addi %iota3A, %add3A_952 : vector<16xi32>
      %masked_sort3A_954 = arith.constant dense<true> : vector<16xi1>
      %masked_sort3A_955, %masked_sort3A_956, %masked_sort3A_957 = tpu.sort %get3A_950, %add3A_953 masked %masked_sort3A_954 {descending = true} : (vector<16xf32>, vector<16xi32>, vector<16xi1>) -> (vector<16xi1>, vector<16xf32>, vector<16xi32>)
      %get3A_958 = arith.index_cast %add3A_937 : i32 to index
      %get3A_959 = arith.constant 32 : index
      %get3A_960 = tpu.vector_load %arg4[%get3A_958, %get3A_959] {strides = array<i32>} : memref<16x512xf32, #tpu.memory_space<vmem>>, vector<16xf32>,
      %add3A_961 = arith.constant 32 : i32
      %add3A_962 = vector.broadcast %add3A_961 : i32 to vector<16xi32>
      %add3A_963 = arith.addi %iota3A, %add3A_962 : vector<16xi32>
      %masked_sort3A_964 = arith.constant dense<true> : vector<16xi1>
      %masked_sort3A_965, %masked_sort3A_966, %masked_sort3A_967 = tpu.sort %get3A_960, %add3A_963 masked %masked_sort3A_964 {descending = true} : (vector<16xf32>, vector<16xi32>, vector<16xi1>) -> (vector<16xi1>, vector<16xf32>, vector<16xi32>)
      %get3A_968 = arith.index_cast %add3A_937 : i32 to index
      %get3A_969 = arith.constant 48 : index
      %get3A_970 = tpu.vector_load %arg4[%get3A_968, %get3A_969] {strides = array<i32>} : memref<16x512xf32, #tpu.memory_space<vmem>>, vector<16xf32>,
      %add3A_971 = arith.constant 48 : i32
      %add3A_972 = vector.broadcast %add3A_971 : i32 to vector<16xi32>
      %add3A_973 = arith.addi %iota3A, %add3A_972 : vector<16xi32>
      %masked_sort3A_974 = arith.constant dense<true> : vector<16xi1>
      %masked_sort3A_975, %masked_sort3A_976, %masked_sort3A_977 = tpu.sort %get3A_970, %add3A_973 masked %masked_sort3A_974 {descending = true} : (vector<16xf32>, vector<16xi32>, vector<16xi1>) -> (vector<16xi1>, vector<16xf32>, vector<16xi32>)
      %get3A_978 = arith.index_cast %add3A_937 : i32 to index
      %get3A_979 = arith.constant 64 : index
      %get3A_980 = tpu.vector_load %arg4[%get3A_978, %get3A_979] {strides = array<i32>} : memref<16x512xf32, #tpu.memory_space<vmem>>, vector<16xf32>,
      %add3A_981 = arith.constant 64 : i32
      %add3A_982 = vector.broadcast %add3A_981 : i32 to vector<16xi32>
      %add3A_983 = arith.addi %iota3A, %add3A_982 : vector<16xi32>
      %masked_sort3A_984 = arith.constant dense<true> : vector<16xi1>
      %masked_sort3A_985, %masked_sort3A_986, %masked_sort3A_987 = tpu.sort %get3A_980, %add3A_983 masked %masked_sort3A_984 {descending = true} : (vector<16xf32>, vector<16xi32>, vector<16xi1>) -> (vector<16xi1>, vector<16xf32>, vector<16xi32>)
      %get3A_988 = arith.index_cast %add3A_937 : i32 to index
      %get3A_989 = arith.constant 80 : index
      %get3A_990 = tpu.vector_load %arg4[%get3A_988, %get3A_989] {strides = array<i32>} : memref<16x512xf32, #tpu.memory_space<vmem>>, vector<16xf32>,
      %add3A_991 = arith.constant 80 : i32
      %add3A_992 = vector.broadcast %add3A_991 : i32 to vector<16xi32>
      %add3A_993 = arith.addi %iota3A, %add3A_992 : vector<16xi32>
      %masked_sort3A_994 = arith.constant dense<true> : vector<16xi1>
      %masked_sort3A_995, %masked_sort3A_996, %masked_sort3A_997 = tpu.sort %get3A_990, %add3A_993 masked %masked_sort3A_994 {descending = true} : (vector<16xf32>, vector<16xi32>, vector<16xi1>) -> (vector<16xi1>, vector<16xf32>, vector<16xi32>)
      %get3A_998 = arith.index_cast %add3A_937 : i32 to index
      %get3A_999 = arith.constant 96 : index
      %get3A_1000 = tpu.vector_load %arg4[%get3A_998, %get3A_999] {strides = array<i32>} : memref<16x512xf32, #tpu.memory_space<vmem>>, vector<16xf32>,
      %add3A_1001 = arith.constant 96 : i32
      %add3A_1002 = vector.broadcast %add3A_1001 : i32 to vector<16xi32>
      %add3A_1003 = arith.addi %iota3A, %add3A_1002 : vector<16xi32>
      %masked_sort3A_1004 = arith.constant dense<true> : vector<16xi1>
      %masked_sort3A_1005, %masked_sort3A_1006, %masked_sort3A_1007 = tpu.sort %get3A_1000, %add3A_1003 masked %masked_sort3A_1004 {descending = true} : (vector<16xf32>, vector<16xi32>, vector<16xi1>) -> (vector<16xi1>, vector<16xf32>, vector<16xi32>)
      %get3A_1008 = arith.index_cast %add3A_937 : i32 to index
      %get3A_1009 = arith.constant 112 : index
      %get3A_1010 = tpu.vector_load %arg4[%get3A_1008, %get3A_1009] {strides = array<i32>} : memref<16x512xf32, #tpu.memory_space<vmem>>, vector<16xf32>,
      %add3A_1011 = arith.constant 112 : i32
      %add3A_1012 = vector.broadcast %add3A_1011 : i32 to vector<16xi32>
      %add3A_1013 = arith.addi %iota3A, %add3A_1012 : vector<16xi32>
      %masked_sort3A_1014 = arith.constant dense<true> : vector<16xi1>
      %masked_sort3A_1015, %masked_sort3A_1016, %masked_sort3A_1017 = tpu.sort %get3A_1010, %add3A_1013 masked %masked_sort3A_1014 {descending = true} : (vector<16xf32>, vector<16xi32>, vector<16xi1>) -> (vector<16xi1>, vector<16xf32>, vector<16xi32>)
      %get3A_1018 = arith.index_cast %add3A_937 : i32 to index
      %get3A_1019 = arith.constant 128 : index
      %get3A_1020 = tpu.vector_load %arg4[%get3A_1018, %get3A_1019] {strides = array<i32>} : memref<16x512xf32, #tpu.memory_space<vmem>>, vector<16xf32>,
      %add3A_1021 = arith.constant 128 : i32
      %add3A_1022 = vector.broadcast %add3A_1021 : i32 to vector<16xi32>
      %add3A_1023 = arith.addi %iota3A, %add3A_1022 : vector<16xi32>
      %masked_sort3A_1024 = arith.constant dense<true> : vector<16xi1>
      %masked_sort3A_1025, %masked_sort3A_1026, %masked_sort3A_1027 = tpu.sort %get3A_1020, %add3A_1023 masked %masked_sort3A_1024 {descending = true} : (vector<16xf32>, vector<16xi32>, vector<16xi1>) -> (vector<16xi1>, vector<16xf32>, vector<16xi32>)
      %get3A_1028 = arith.index_cast %add3A_937 : i32 to index
      %get3A_1029 = arith.constant 144 : index
      %get3A_1030 = tpu.vector_load %arg4[%get3A_1028, %get3A_1029] {strides = array<i32>} : memref<16x512xf32, #tpu.memory_space<vmem>>, vector<16xf32>,
      %add3A_1031 = arith.constant 144 : i32
      %add3A_1032 = vector.broadcast %add3A_1031 : i32 to vector<16xi32>
      %add3A_1033 = arith.addi %iota3A, %add3A_1032 : vector<16xi32>
      %masked_sort3A_1034 = arith.constant dense<true> : vector<16xi1>
      %masked_sort3A_1035, %masked_sort3A_1036, %masked_sort3A_1037 = tpu.sort %get3A_1030, %add3A_1033 masked %masked_sort3A_1034 {descending = true} : (vector<16xf32>, vector<16xi32>, vector<16xi1>) -> (vector<16xi1>, vector<16xf32>, vector<16xi32>)
      %get3A_1038 = arith.index_cast %add3A_937 : i32 to index
      %get3A_1039 = arith.constant 160 : index
      %get3A_1040 = tpu.vector_load %arg4[%get3A_1038, %get3A_1039] {strides = array<i32>} : memref<16x512xf32, #tpu.memory_space<vmem>>, vector<16xf32>,
      %add3A_1041 = arith.constant 160 : i32
      %add3A_1042 = vector.broadcast %add3A_1041 : i32 to vector<16xi32>
      %add3A_1043 = arith.addi %iota3A, %add3A_1042 : vector<16xi32>
      %masked_sort3A_1044 = arith.constant dense<true> : vector<16xi1>
      %masked_sort3A_1045, %masked_sort3A_1046, %masked_sort3A_1047 = tpu.sort %get3A_1040, %add3A_1043 masked %masked_sort3A_1044 {descending = true} : (vector<16xf32>, vector<16xi32>, vector<16xi1>) -> (vector<16xi1>, vector<16xf32>, vector<16xi32>)
      %get3A_1048 = arith.index_cast %add3A_937 : i32 to index
      %get3A_1049 = arith.constant 176 : index
      %get3A_1050 = tpu.vector_load %arg4[%get3A_1048, %get3A_1049] {strides = array<i32>} : memref<16x512xf32, #tpu.memory_space<vmem>>, vector<16xf32>,
      %add3A_1051 = arith.constant 176 : i32
      %add3A_1052 = vector.broadcast %add3A_1051 : i32 to vector<16xi32>
      %add3A_1053 = arith.addi %iota3A, %add3A_1052 : vector<16xi32>
      %masked_sort3A_1054 = arith.constant dense<true> : vector<16xi1>
      %masked_sort3A_1055, %masked_sort3A_1056, %masked_sort3A_1057 = tpu.sort %get3A_1050, %add3A_1053 masked %masked_sort3A_1054 {descending = true} : (vector<16xf32>, vector<16xi32>, vector<16xi1>) -> (vector<16xi1>, vector<16xf32>, vector<16xi32>)
      %get3A_1058 = arith.index_cast %add3A_937 : i32 to index
      %get3A_1059 = arith.constant 192 : index
      %get3A_1060 = tpu.vector_load %arg4[%get3A_1058, %get3A_1059] {strides = array<i32>} : memref<16x512xf32, #tpu.memory_space<vmem>>, vector<16xf32>,
      %add3A_1061 = arith.constant 192 : i32
      %add3A_1062 = vector.broadcast %add3A_1061 : i32 to vector<16xi32>
      %add3A_1063 = arith.addi %iota3A, %add3A_1062 : vector<16xi32>
      %masked_sort3A_1064 = arith.constant dense<true> : vector<16xi1>
      %masked_sort3A_1065, %masked_sort3A_1066, %masked_sort3A_1067 = tpu.sort %get3A_1060, %add3A_1063 masked %masked_sort3A_1064 {descending = true} : (vector<16xf32>, vector<16xi32>, vector<16xi1>) -> (vector<16xi1>, vector<16xf32>, vector<16xi32>)
      %get3A_1068 = arith.index_cast %add3A_937 : i32 to index
      %get3A_1069 = arith.constant 208 : index
      %get3A_1070 = tpu.vector_load %arg4[%get3A_1068, %get3A_1069] {strides = array<i32>} : memref<16x512xf32, #tpu.memory_space<vmem>>, vector<16xf32>,
      %add3A_1071 = arith.constant 208 : i32
      %add3A_1072 = vector.broadcast %add3A_1071 : i32 to vector<16xi32>
      %add3A_1073 = arith.addi %iota3A, %add3A_1072 : vector<16xi32>
      %masked_sort3A_1074 = arith.constant dense<true> : vector<16xi1>
      %masked_sort3A_1075, %masked_sort3A_1076, %masked_sort3A_1077 = tpu.sort %get3A_1070, %add3A_1073 masked %masked_sort3A_1074 {descending = true} : (vector<16xf32>, vector<16xi32>, vector<16xi1>) -> (vector<16xi1>, vector<16xf32>, vector<16xi32>)
      %get3A_1078 = arith.index_cast %add3A_937 : i32 to index
      %get3A_1079 = arith.constant 224 : index
      %get3A_1080 = tpu.vector_load %arg4[%get3A_1078, %get3A_1079] {strides = array<i32>} : memref<16x512xf32, #tpu.memory_space<vmem>>, vector<16xf32>,
      %add3A_1081 = arith.constant 224 : i32
      %add3A_1082 = vector.broadcast %add3A_1081 : i32 to vector<16xi32>
      %add3A_1083 = arith.addi %iota3A, %add3A_1082 : vector<16xi32>
      %masked_sort3A_1084 = arith.constant dense<true> : vector<16xi1>
      %masked_sort3A_1085, %masked_sort3A_1086, %masked_sort3A_1087 = tpu.sort %get3A_1080, %add3A_1083 masked %masked_sort3A_1084 {descending = true} : (vector<16xf32>, vector<16xi32>, vector<16xi1>) -> (vector<16xi1>, vector<16xf32>, vector<16xi32>)
      %get3A_1088 = arith.index_cast %add3A_937 : i32 to index
      %get3A_1089 = arith.constant 240 : index
      %get3A_1090 = tpu.vector_load %arg4[%get3A_1088, %get3A_1089] {strides = array<i32>} : memref<16x512xf32, #tpu.memory_space<vmem>>, vector<16xf32>,
      %add3A_1091 = arith.constant 240 : i32
      %add3A_1092 = vector.broadcast %add3A_1091 : i32 to vector<16xi32>
      %add3A_1093 = arith.addi %iota3A, %add3A_1092 : vector<16xi32>
      %masked_sort3A_1094 = arith.constant dense<true> : vector<16xi1>
      %masked_sort3A_1095, %masked_sort3A_1096, %masked_sort3A_1097 = tpu.sort %get3A_1090, %add3A_1093 masked %masked_sort3A_1094 {descending = true} : (vector<16xf32>, vector<16xi32>, vector<16xi1>) -> (vector<16xi1>, vector<16xf32>, vector<16xi32>)
      %get3A_1098 = arith.index_cast %add3A_937 : i32 to index
      %get3A_1099 = arith.constant 256 : index
      %get3A_1100 = tpu.vector_load %arg4[%get3A_1098, %get3A_1099] {strides = array<i32>} : memref<16x512xf32, #tpu.memory_space<vmem>>, vector<16xf32>,
      %add3A_1101 = arith.constant 256 : i32
      %add3A_1102 = vector.broadcast %add3A_1101 : i32 to vector<16xi32>
      %add3A_1103 = arith.addi %iota3A, %add3A_1102 : vector<16xi32>
      %masked_sort3A_1104 = arith.constant dense<true> : vector<16xi1>
      %masked_sort3A_1105, %masked_sort3A_1106, %masked_sort3A_1107 = tpu.sort %get3A_1100, %add3A_1103 masked %masked_sort3A_1104 {descending = true} : (vector<16xf32>, vector<16xi32>, vector<16xi1>) -> (vector<16xi1>, vector<16xf32>, vector<16xi32>)
      %get3A_1108 = arith.index_cast %add3A_937 : i32 to index
      %get3A_1109 = arith.constant 272 : index
      %get3A_1110 = tpu.vector_load %arg4[%get3A_1108, %get3A_1109] {strides = array<i32>} : memref<16x512xf32, #tpu.memory_space<vmem>>, vector<16xf32>,
      %add3A_1111 = arith.constant 272 : i32
      %add3A_1112 = vector.broadcast %add3A_1111 : i32 to vector<16xi32>
      %add3A_1113 = arith.addi %iota3A, %add3A_1112 : vector<16xi32>
      %masked_sort3A_1114 = arith.constant dense<true> : vector<16xi1>
      %masked_sort3A_1115, %masked_sort3A_1116, %masked_sort3A_1117 = tpu.sort %get3A_1110, %add3A_1113 masked %masked_sort3A_1114 {descending = true} : (vector<16xf32>, vector<16xi32>, vector<16xi1>) -> (vector<16xi1>, vector<16xf32>, vector<16xi32>)
      %get3A_1118 = arith.index_cast %add3A_937 : i32 to index
      %get3A_1119 = arith.constant 288 : index
      %get3A_1120 = tpu.vector_load %arg4[%get3A_1118, %get3A_1119] {strides = array<i32>} : memref<16x512xf32, #tpu.memory_space<vmem>>, vector<16xf32>,
      %add3A_1121 = arith.constant 288 : i32
      %add3A_1122 = vector.broadcast %add3A_1121 : i32 to vector<16xi32>
      %add3A_1123 = arith.addi %iota3A, %add3A_1122 : vector<16xi32>
      %masked_sort3A_1124 = arith.constant dense<true> : vector<16xi1>
      %masked_sort3A_1125, %masked_sort3A_1126, %masked_sort3A_1127 = tpu.sort %get3A_1120, %add3A_1123 masked %masked_sort3A_1124 {descending = true} : (vector<16xf32>, vector<16xi32>, vector<16xi1>) -> (vector<16xi1>, vector<16xf32>, vector<16xi32>)
      %get3A_1128 = arith.index_cast %add3A_937 : i32 to index
      %get3A_1129 = arith.constant 304 : index
      %get3A_1130 = tpu.vector_load %arg4[%get3A_1128, %get3A_1129] {strides = array<i32>} : memref<16x512xf32, #tpu.memory_space<vmem>>, vector<16xf32>,
      %add3A_1131 = arith.constant 304 : i32
      %add3A_1132 = vector.broadcast %add3A_1131 : i32 to vector<16xi32>
      %add3A_1133 = arith.addi %iota3A, %add3A_1132 : vector<16xi32>
      %masked_sort3A_1134 = arith.constant dense<true> : vector<16xi1>
      %masked_sort3A_1135, %masked_sort3A_1136, %masked_sort3A_1137 = tpu.sort %get3A_1130, %add3A_1133 masked %masked_sort3A_1134 {descending = true} : (vector<16xf32>, vector<16xi32>, vector<16xi1>) -> (vector<16xi1>, vector<16xf32>, vector<16xi32>)
      %get3A_1138 = arith.index_cast %add3A_937 : i32 to index
      %get3A_1139 = arith.constant 320 : index
      %get3A_1140 = tpu.vector_load %arg4[%get3A_1138, %get3A_1139] {strides = array<i32>} : memref<16x512xf32, #tpu.memory_space<vmem>>, vector<16xf32>,
      %add3A_1141 = arith.constant 320 : i32
      %add3A_1142 = vector.broadcast %add3A_1141 : i32 to vector<16xi32>
      %add3A_1143 = arith.addi %iota3A, %add3A_1142 : vector<16xi32>
      %masked_sort3A_1144 = arith.constant dense<true> : vector<16xi1>
      %masked_sort3A_1145, %masked_sort3A_1146, %masked_sort3A_1147 = tpu.sort %get3A_1140, %add3A_1143 masked %masked_sort3A_1144 {descending = true} : (vector<16xf32>, vector<16xi32>, vector<16xi1>) -> (vector<16xi1>, vector<16xf32>, vector<16xi32>)
      %get3A_1148 = arith.index_cast %add3A_937 : i32 to index
      %get3A_1149 = arith.constant 336 : index
      %get3A_1150 = tpu.vector_load %arg4[%get3A_1148, %get3A_1149] {strides = array<i32>} : memref<16x512xf32, #tpu.memory_space<vmem>>, vector<16xf32>,
      %add3A_1151 = arith.constant 336 : i32
      %add3A_1152 = vector.broadcast %add3A_1151 : i32 to vector<16xi32>
      %add3A_1153 = arith.addi %iota3A, %add3A_1152 : vector<16xi32>
      %masked_sort3A_1154 = arith.constant dense<true> : vector<16xi1>
      %masked_sort3A_1155, %masked_sort3A_1156, %masked_sort3A_1157 = tpu.sort %get3A_1150, %add3A_1153 masked %masked_sort3A_1154 {descending = true} : (vector<16xf32>, vector<16xi32>, vector<16xi1>) -> (vector<16xi1>, vector<16xf32>, vector<16xi32>)
      %get3A_1158 = arith.index_cast %add3A_937 : i32 to index
      %get3A_1159 = arith.constant 352 : index
      %get3A_1160 = tpu.vector_load %arg4[%get3A_1158, %get3A_1159] {strides = array<i32>} : memref<16x512xf32, #tpu.memory_space<vmem>>, vector<16xf32>,
      %add3A_1161 = arith.constant 352 : i32
      %add3A_1162 = vector.broadcast %add3A_1161 : i32 to vector<16xi32>
      %add3A_1163 = arith.addi %iota3A, %add3A_1162 : vector<16xi32>
      %masked_sort3A_1164 = arith.constant dense<true> : vector<16xi1>
      %masked_sort3A_1165, %masked_sort3A_1166, %masked_sort3A_1167 = tpu.sort %get3A_1160, %add3A_1163 masked %masked_sort3A_1164 {descending = true} : (vector<16xf32>, vector<16xi32>, vector<16xi1>) -> (vector<16xi1>, vector<16xf32>, vector<16xi32>)
      %get3A_1168 = arith.index_cast %add3A_937 : i32 to index
      %get3A_1169 = arith.constant 368 : index
      %get3A_1170 = tpu.vector_load %arg4[%get3A_1168, %get3A_1169] {strides = array<i32>} : memref<16x512xf32, #tpu.memory_space<vmem>>, vector<16xf32>,
      %add3A_1171 = arith.constant 368 : i32
      %add3A_1172 = vector.broadcast %add3A_1171 : i32 to vector<16xi32>
      %add3A_1173 = arith.addi %iota3A, %add3A_1172 : vector<16xi32>
      %masked_sort3A_1174 = arith.constant dense<true> : vector<16xi1>
      %masked_sort3A_1175, %masked_sort3A_1176, %masked_sort3A_1177 = tpu.sort %get3A_1170, %add3A_1173 masked %masked_sort3A_1174 {descending = true} : (vector<16xf32>, vector<16xi32>, vector<16xi1>) -> (vector<16xi1>, vector<16xf32>, vector<16xi32>)
      %get3A_1178 = arith.index_cast %add3A_937 : i32 to index
      %get3A_1179 = arith.constant 384 : index
      %get3A_1180 = tpu.vector_load %arg4[%get3A_1178, %get3A_1179] {strides = array<i32>} : memref<16x512xf32, #tpu.memory_space<vmem>>, vector<16xf32>,
      %add3A_1181 = arith.constant 384 : i32
      %add3A_1182 = vector.broadcast %add3A_1181 : i32 to vector<16xi32>
      %add3A_1183 = arith.addi %iota3A, %add3A_1182 : vector<16xi32>
      %masked_sort3A_1184 = arith.constant dense<true> : vector<16xi1>
      %masked_sort3A_1185, %masked_sort3A_1186, %masked_sort3A_1187 = tpu.sort %get3A_1180, %add3A_1183 masked %masked_sort3A_1184 {descending = true} : (vector<16xf32>, vector<16xi32>, vector<16xi1>) -> (vector<16xi1>, vector<16xf32>, vector<16xi32>)
      %get3A_1188 = arith.index_cast %add3A_937 : i32 to index
      %get3A_1189 = arith.constant 400 : index
      %get3A_1190 = tpu.vector_load %arg4[%get3A_1188, %get3A_1189] {strides = array<i32>} : memref<16x512xf32, #tpu.memory_space<vmem>>, vector<16xf32>,
      %add3A_1191 = arith.constant 400 : i32
      %add3A_1192 = vector.broadcast %add3A_1191 : i32 to vector<16xi32>
      %add3A_1193 = arith.addi %iota3A, %add3A_1192 : vector<16xi32>
      %masked_sort3A_1194 = arith.constant dense<true> : vector<16xi1>
      %masked_sort3A_1195, %masked_sort3A_1196, %masked_sort3A_1197 = tpu.sort %get3A_1190, %add3A_1193 masked %masked_sort3A_1194 {descending = true} : (vector<16xf32>, vector<16xi32>, vector<16xi1>) -> (vector<16xi1>, vector<16xf32>, vector<16xi32>)
      %get3A_1198 = arith.index_cast %add3A_937 : i32 to index
      %get3A_1199 = arith.constant 416 : index
      %get3A_1200 = tpu.vector_load %arg4[%get3A_1198, %get3A_1199] {strides = array<i32>} : memref<16x512xf32, #tpu.memory_space<vmem>>, vector<16xf32>,
      %add3A_1201 = arith.constant 416 : i32
      %add3A_1202 = vector.broadcast %add3A_1201 : i32 to vector<16xi32>
      %add3A_1203 = arith.addi %iota3A, %add3A_1202 : vector<16xi32>
      %masked_sort3A_1204 = arith.constant dense<true> : vector<16xi1>
      %masked_sort3A_1205, %masked_sort3A_1206, %masked_sort3A_1207 = tpu.sort %get3A_1200, %add3A_1203 masked %masked_sort3A_1204 {descending = true} : (vector<16xf32>, vector<16xi32>, vector<16xi1>) -> (vector<16xi1>, vector<16xf32>, vector<16xi32>)
      %get3A_1208 = arith.index_cast %add3A_937 : i32 to index
      %get3A_1209 = arith.constant 432 : index
      %get3A_1210 = tpu.vector_load %arg4[%get3A_1208, %get3A_1209] {strides = array<i32>} : memref<16x512xf32, #tpu.memory_space<vmem>>, vector<16xf32>,
      %add3A_1211 = arith.constant 432 : i32
      %add3A_1212 = vector.broadcast %add3A_1211 : i32 to vector<16xi32>
      %add3A_1213 = arith.addi %iota3A, %add3A_1212 : vector<16xi32>
      %masked_sort3A_1214 = arith.constant dense<true> : vector<16xi1>
      %masked_sort3A_1215, %masked_sort3A_1216, %masked_sort3A_1217 = tpu.sort %get3A_1210, %add3A_1213 masked %masked_sort3A_1214 {descending = true} : (vector<16xf32>, vector<16xi32>, vector<16xi1>) -> (vector<16xi1>, vector<16xf32>, vector<16xi32>)
      %get3A_1218 = arith.index_cast %add3A_937 : i32 to index
      %get3A_1219 = arith.constant 448 : index
      %get3A_1220 = tpu.vector_load %arg4[%get3A_1218, %get3A_1219] {strides = array<i32>} : memref<16x512xf32, #tpu.memory_space<vmem>>, vector<16xf32>,
      %add3A_1221 = arith.constant 448 : i32
      %add3A_1222 = vector.broadcast %add3A_1221 : i32 to vector<16xi32>
      %add3A_1223 = arith.addi %iota3A, %add3A_1222 : vector<16xi32>
      %masked_sort3A_1224 = arith.constant dense<true> : vector<16xi1>
      %masked_sort3A_1225, %masked_sort3A_1226, %masked_sort3A_1227 = tpu.sort %get3A_1220, %add3A_1223 masked %masked_sort3A_1224 {descending = true} : (vector<16xf32>, vector<16xi32>, vector<16xi1>) -> (vector<16xi1>, vector<16xf32>, vector<16xi32>)
      %get3A_1228 = arith.index_cast %add3A_937 : i32 to index
      %get3A_1229 = arith.constant 464 : index
      %get3A_1230 = tpu.vector_load %arg4[%get3A_1228, %get3A_1229] {strides = array<i32>} : memref<16x512xf32, #tpu.memory_space<vmem>>, vector<16xf32>,
      %add3A_1231 = arith.constant 464 : i32
      %add3A_1232 = vector.broadcast %add3A_1231 : i32 to vector<16xi32>
      %add3A_1233 = arith.addi %iota3A, %add3A_1232 : vector<16xi32>
      %masked_sort3A_1234 = arith.constant dense<true> : vector<16xi1>
      %masked_sort3A_1235, %masked_sort3A_1236, %masked_sort3A_1237 = tpu.sort %get3A_1230, %add3A_1233 masked %masked_sort3A_1234 {descending = true} : (vector<16xf32>, vector<16xi32>, vector<16xi1>) -> (vector<16xi1>, vector<16xf32>, vector<16xi32>)
      %get3A_1238 = arith.index_cast %add3A_937 : i32 to index
      %get3A_1239 = arith.constant 480 : index
      %get3A_1240 = tpu.vector_load %arg4[%get3A_1238, %get3A_1239] {strides = array<i32>} : memref<16x512xf32, #tpu.memory_space<vmem>>, vector<16xf32>,
      %add3A_1241 = arith.constant 480 : i32
      %add3A_1242 = vector.broadcast %add3A_1241 : i32 to vector<16xi32>
      %add3A_1243 = arith.addi %iota3A, %add3A_1242 : vector<16xi32>
      %masked_sort3A_1244 = arith.constant dense<true> : vector<16xi1>
      %masked_sort3A_1245, %masked_sort3A_1246, %masked_sort3A_1247 = tpu.sort %get3A_1240, %add3A_1243 masked %masked_sort3A_1244 {descending = true} : (vector<16xf32>, vector<16xi32>, vector<16xi1>) -> (vector<16xi1>, vector<16xf32>, vector<16xi32>)
      %get3A_1248 = arith.index_cast %add3A_937 : i32 to index
      %get3A_1249 = arith.constant 496 : index
      %get3A_1250 = tpu.vector_load %arg4[%get3A_1248, %get3A_1249] {strides = array<i32>} : memref<16x512xf32, #tpu.memory_space<vmem>>, vector<16xf32>,
      %add3A_1251 = arith.constant 496 : i32
      %add3A_1252 = vector.broadcast %add3A_1251 : i32 to vector<16xi32>
      %add3A_1253 = arith.addi %iota3A, %add3A_1252 : vector<16xi32>
      %masked_sort3A_1254 = arith.constant dense<true> : vector<16xi1>
      %masked_sort3A_1255, %masked_sort3A_1256, %masked_sort3A_1257 = tpu.sort %get3A_1250, %add3A_1253 masked %masked_sort3A_1254 {descending = true} : (vector<16xf32>, vector<16xi32>, vector<16xi1>) -> (vector<16xi1>, vector<16xf32>, vector<16xi32>)
      %rev3A_1258 = arith.constant 15 : i32
      %rev3A_1259 = vector.broadcast %rev3A_1258 : i32 to vector<16xi32>
      %rev3A_1260 = tpu.iota {dimensions = array<i32: 0>} : vector<16xi32>
      %rev3A_1261 = arith.subi %rev3A_1259, %rev3A_1260 : vector<16xi32>
      %rev3A_1262 = tpu.dynamic_gather %masked_sort3A_956[%rev3A_1261] in [0] : vector<16xf32>, vector<16xi32> -> vector<16xf32>
      %select_n3A_1263 = arith.select %lt3A_4, %masked_sort3A_946, %rev3A_1262 : vector<16xi1>, vector<16xf32>
      %rev3A_1264 = arith.constant 15 : i32
      %rev3A_1265 = vector.broadcast %rev3A_1264 : i32 to vector<16xi32>
      %rev3A_1266 = tpu.iota {dimensions = array<i32: 0>} : vector<16xi32>
      %rev3A_1267 = arith.subi %rev3A_1265, %rev3A_1266 : vector<16xi32>
      %rev3A_1268 = tpu.dynamic_gather %masked_sort3A_957[%rev3A_1267] in [0] : vector<16xi32>, vector<16xi32> -> vector<16xi32>
      %select_n3A_1269 = arith.select %lt3A_4, %masked_sort3A_947, %rev3A_1268 : vector<16xi1>, vector<16xi32>
      %masked_sort3A_1270 = arith.constant dense<true> : vector<16xi1>
      %masked_sort3A_1271, %masked_sort3A_1272, %masked_sort3A_1273 = tpu.sort %select_n3A_1263, %select_n3A_1269 masked %masked_sort3A_1270 {descending = true} : (vector<16xf32>, vector<16xi32>, vector<16xi1>) -> (vector<16xi1>, vector<16xf32>, vector<16xi32>)
      %rev3A_1274 = arith.constant 15 : i32
      %rev3A_1275 = vector.broadcast %rev3A_1274 : i32 to vector<16xi32>
      %rev3A_1276 = tpu.iota {dimensions = array<i32: 0>} : vector<16xi32>
      %rev3A_1277 = arith.subi %rev3A_1275, %rev3A_1276 : vector<16xi32>
      %rev3A_1278 = tpu.dynamic_gather %masked_sort3A_976[%rev3A_1277] in [0] : vector<16xf32>, vector<16xi32> -> vector<16xf32>
      %select_n3A_1279 = arith.select %lt3A_4, %masked_sort3A_966, %rev3A_1278 : vector<16xi1>, vector<16xf32>
      %rev3A_1280 = arith.constant 15 : i32
      %rev3A_1281 = vector.broadcast %rev3A_1280 : i32 to vector<16xi32>
      %rev3A_1282 = tpu.iota {dimensions = array<i32: 0>} : vector<16xi32>
      %rev3A_1283 = arith.subi %rev3A_1281, %rev3A_1282 : vector<16xi32>
      %rev3A_1284 = tpu.dynamic_gather %masked_sort3A_977[%rev3A_1283] in [0] : vector<16xi32>, vector<16xi32> -> vector<16xi32>
      %select_n3A_1285 = arith.select %lt3A_4, %masked_sort3A_967, %rev3A_1284 : vector<16xi1>, vector<16xi32>
      %masked_sort3A_1286 = arith.constant dense<true> : vector<16xi1>
      %masked_sort3A_1287, %masked_sort3A_1288, %masked_sort3A_1289 = tpu.sort %select_n3A_1279, %select_n3A_1285 masked %masked_sort3A_1286 {descending = true} : (vector<16xf32>, vector<16xi32>, vector<16xi1>) -> (vector<16xi1>, vector<16xf32>, vector<16xi32>)
      %rev3A_1290 = arith.constant 15 : i32
      %rev3A_1291 = vector.broadcast %rev3A_1290 : i32 to vector<16xi32>
      %rev3A_1292 = tpu.iota {dimensions = array<i32: 0>} : vector<16xi32>
      %rev3A_1293 = arith.subi %rev3A_1291, %rev3A_1292 : vector<16xi32>
      %rev3A_1294 = tpu.dynamic_gather %masked_sort3A_996[%rev3A_1293] in [0] : vector<16xf32>, vector<16xi32> -> vector<16xf32>
      %select_n3A_1295 = arith.select %lt3A_4, %masked_sort3A_986, %rev3A_1294 : vector<16xi1>, vector<16xf32>
      %rev3A_1296 = arith.constant 15 : i32
      %rev3A_1297 = vector.broadcast %rev3A_1296 : i32 to vector<16xi32>
      %rev3A_1298 = tpu.iota {dimensions = array<i32: 0>} : vector<16xi32>
      %rev3A_1299 = arith.subi %rev3A_1297, %rev3A_1298 : vector<16xi32>
      %rev3A_1300 = tpu.dynamic_gather %masked_sort3A_997[%rev3A_1299] in [0] : vector<16xi32>, vector<16xi32> -> vector<16xi32>
      %select_n3A_1301 = arith.select %lt3A_4, %masked_sort3A_987, %rev3A_1300 : vector<16xi1>, vector<16xi32>
      %masked_sort3A_1302 = arith.constant dense<true> : vector<16xi1>
      %masked_sort3A_1303, %masked_sort3A_1304, %masked_sort3A_1305 = tpu.sort %select_n3A_1295, %select_n3A_1301 masked %masked_sort3A_1302 {descending = true} : (vector<16xf32>, vector<16xi32>, vector<16xi1>) -> (vector<16xi1>, vector<16xf32>, vector<16xi32>)
      %rev3A_1306 = arith.constant 15 : i32
      %rev3A_1307 = vector.broadcast %rev3A_1306 : i32 to vector<16xi32>
      %rev3A_1308 = tpu.iota {dimensions = array<i32: 0>} : vector<16xi32>
      %rev3A_1309 = arith.subi %rev3A_1307, %rev3A_1308 : vector<16xi32>
      %rev3A_1310 = tpu.dynamic_gather %masked_sort3A_1016[%rev3A_1309] in [0] : vector<16xf32>, vector<16xi32> -> vector<16xf32>
      %select_n3A_1311 = arith.select %lt3A_4, %masked_sort3A_1006, %rev3A_1310 : vector<16xi1>, vector<16xf32>
      %rev3A_1312 = arith.constant 15 : i32
      %rev3A_1313 = vector.broadcast %rev3A_1312 : i32 to vector<16xi32>
      %rev3A_1314 = tpu.iota {dimensions = array<i32: 0>} : vector<16xi32>
      %rev3A_1315 = arith.subi %rev3A_1313, %rev3A_1314 : vector<16xi32>
      %rev3A_1316 = tpu.dynamic_gather %masked_sort3A_1017[%rev3A_1315] in [0] : vector<16xi32>, vector<16xi32> -> vector<16xi32>
      %select_n3A_1317 = arith.select %lt3A_4, %masked_sort3A_1007, %rev3A_1316 : vector<16xi1>, vector<16xi32>
      %masked_sort3A_1318 = arith.constant dense<true> : vector<16xi1>
      %masked_sort3A_1319, %masked_sort3A_1320, %masked_sort3A_1321 = tpu.sort %select_n3A_1311, %select_n3A_1317 masked %masked_sort3A_1318 {descending = true} : (vector<16xf32>, vector<16xi32>, vector<16xi1>) -> (vector<16xi1>, vector<16xf32>, vector<16xi32>)
      %rev3A_1322 = arith.constant 15 : i32
      %rev3A_1323 = vector.broadcast %rev3A_1322 : i32 to vector<16xi32>
      %rev3A_1324 = tpu.iota {dimensions = array<i32: 0>} : vector<16xi32>
      %rev3A_1325 = arith.subi %rev3A_1323, %rev3A_1324 : vector<16xi32>
      %rev3A_1326 = tpu.dynamic_gather %masked_sort3A_1036[%rev3A_1325] in [0] : vector<16xf32>, vector<16xi32> -> vector<16xf32>
      %select_n3A_1327 = arith.select %lt3A_4, %masked_sort3A_1026, %rev3A_1326 : vector<16xi1>, vector<16xf32>
      %rev3A_1328 = arith.constant 15 : i32
      %rev3A_1329 = vector.broadcast %rev3A_1328 : i32 to vector<16xi32>
      %rev3A_1330 = tpu.iota {dimensions = array<i32: 0>} : vector<16xi32>
      %rev3A_1331 = arith.subi %rev3A_1329, %rev3A_1330 : vector<16xi32>
      %rev3A_1332 = tpu.dynamic_gather %masked_sort3A_1037[%rev3A_1331] in [0] : vector<16xi32>, vector<16xi32> -> vector<16xi32>
      %select_n3A_1333 = arith.select %lt3A_4, %masked_sort3A_1027, %rev3A_1332 : vector<16xi1>, vector<16xi32>
      %masked_sort3A_1334 = arith.constant dense<true> : vector<16xi1>
      %masked_sort3A_1335, %masked_sort3A_1336, %masked_sort3A_1337 = tpu.sort %select_n3A_1327, %select_n3A_1333 masked %masked_sort3A_1334 {descending = true} : (vector<16xf32>, vector<16xi32>, vector<16xi1>) -> (vector<16xi1>, vector<16xf32>, vector<16xi32>)
      %rev3A_1338 = arith.constant 15 : i32
      %rev3A_1339 = vector.broadcast %rev3A_1338 : i32 to vector<16xi32>
      %rev3A_1340 = tpu.iota {dimensions = array<i32: 0>} : vector<16xi32>
      %rev3A_1341 = arith.subi %rev3A_1339, %rev3A_1340 : vector<16xi32>
      %rev3A_1342 = tpu.dynamic_gather %masked_sort3A_1056[%rev3A_1341] in [0] : vector<16xf32>, vector<16xi32> -> vector<16xf32>
      %select_n3A_1343 = arith.select %lt3A_4, %masked_sort3A_1046, %rev3A_1342 : vector<16xi1>, vector<16xf32>
      %rev3A_1344 = arith.constant 15 : i32
      %rev3A_1345 = vector.broadcast %rev3A_1344 : i32 to vector<16xi32>
      %rev3A_1346 = tpu.iota {dimensions = array<i32: 0>} : vector<16xi32>
      %rev3A_1347 = arith.subi %rev3A_1345, %rev3A_1346 : vector<16xi32>
      %rev3A_1348 = tpu.dynamic_gather %masked_sort3A_1057[%rev3A_1347] in [0] : vector<16xi32>, vector<16xi32> -> vector<16xi32>
      %select_n3A_1349 = arith.select %lt3A_4, %masked_sort3A_1047, %rev3A_1348 : vector<16xi1>, vector<16xi32>
      %masked_sort3A_1350 = arith.constant dense<true> : vector<16xi1>
      %masked_sort3A_1351, %masked_sort3A_1352, %masked_sort3A_1353 = tpu.sort %select_n3A_1343, %select_n3A_1349 masked %masked_sort3A_1350 {descending = true} : (vector<16xf32>, vector<16xi32>, vector<16xi1>) -> (vector<16xi1>, vector<16xf32>, vector<16xi32>)
      %rev3A_1354 = arith.constant 15 : i32
      %rev3A_1355 = vector.broadcast %rev3A_1354 : i32 to vector<16xi32>
      %rev3A_1356 = tpu.iota {dimensions = array<i32: 0>} : vector<16xi32>
      %rev3A_1357 = arith.subi %rev3A_1355, %rev3A_1356 : vector<16xi32>
      %rev3A_1358 = tpu.dynamic_gather %masked_sort3A_1076[%rev3A_1357] in [0] : vector<16xf32>, vector<16xi32> -> vector<16xf32>
      %select_n3A_1359 = arith.select %lt3A_4, %masked_sort3A_1066, %rev3A_1358 : vector<16xi1>, vector<16xf32>
      %rev3A_1360 = arith.constant 15 : i32
      %rev3A_1361 = vector.broadcast %rev3A_1360 : i32 to vector<16xi32>
      %rev3A_1362 = tpu.iota {dimensions = array<i32: 0>} : vector<16xi32>
      %rev3A_1363 = arith.subi %rev3A_1361, %rev3A_1362 : vector<16xi32>
      %rev3A_1364 = tpu.dynamic_gather %masked_sort3A_1077[%rev3A_1363] in [0] : vector<16xi32>, vector<16xi32> -> vector<16xi32>
      %select_n3A_1365 = arith.select %lt3A_4, %masked_sort3A_1067, %rev3A_1364 : vector<16xi1>, vector<16xi32>
      %masked_sort3A_1366 = arith.constant dense<true> : vector<16xi1>
      %masked_sort3A_1367, %masked_sort3A_1368, %masked_sort3A_1369 = tpu.sort %select_n3A_1359, %select_n3A_1365 masked %masked_sort3A_1366 {descending = true} : (vector<16xf32>, vector<16xi32>, vector<16xi1>) -> (vector<16xi1>, vector<16xf32>, vector<16xi32>)
      %rev3A_1370 = arith.constant 15 : i32
      %rev3A_1371 = vector.broadcast %rev3A_1370 : i32 to vector<16xi32>
      %rev3A_1372 = tpu.iota {dimensions = array<i32: 0>} : vector<16xi32>
      %rev3A_1373 = arith.subi %rev3A_1371, %rev3A_1372 : vector<16xi32>
      %rev3A_1374 = tpu.dynamic_gather %masked_sort3A_1096[%rev3A_1373] in [0] : vector<16xf32>, vector<16xi32> -> vector<16xf32>
      %select_n3A_1375 = arith.select %lt3A_4, %masked_sort3A_1086, %rev3A_1374 : vector<16xi1>, vector<16xf32>
      %rev3A_1376 = arith.constant 15 : i32
      %rev3A_1377 = vector.broadcast %rev3A_1376 : i32 to vector<16xi32>
      %rev3A_1378 = tpu.iota {dimensions = array<i32: 0>} : vector<16xi32>
      %rev3A_1379 = arith.subi %rev3A_1377, %rev3A_1378 : vector<16xi32>
      %rev3A_1380 = tpu.dynamic_gather %masked_sort3A_1097[%rev3A_1379] in [0] : vector<16xi32>, vector<16xi32> -> vector<16xi32>
      %select_n3A_1381 = arith.select %lt3A_4, %masked_sort3A_1087, %rev3A_1380 : vector<16xi1>, vector<16xi32>
      %masked_sort3A_1382 = arith.constant dense<true> : vector<16xi1>
      %masked_sort3A_1383, %masked_sort3A_1384, %masked_sort3A_1385 = tpu.sort %select_n3A_1375, %select_n3A_1381 masked %masked_sort3A_1382 {descending = true} : (vector<16xf32>, vector<16xi32>, vector<16xi1>) -> (vector<16xi1>, vector<16xf32>, vector<16xi32>)
      %rev3A_1386 = arith.constant 15 : i32
      %rev3A_1387 = vector.broadcast %rev3A_1386 : i32 to vector<16xi32>
      %rev3A_1388 = tpu.iota {dimensions = array<i32: 0>} : vector<16xi32>
      %rev3A_1389 = arith.subi %rev3A_1387, %rev3A_1388 : vector<16xi32>
      %rev3A_1390 = tpu.dynamic_gather %masked_sort3A_1116[%rev3A_1389] in [0] : vector<16xf32>, vector<16xi32> -> vector<16xf32>
      %select_n3A_1391 = arith.select %lt3A_4, %masked_sort3A_1106, %rev3A_1390 : vector<16xi1>, vector<16xf32>
      %rev3A_1392 = arith.constant 15 : i32
      %rev3A_1393 = vector.broadcast %rev3A_1392 : i32 to vector<16xi32>
      %rev3A_1394 = tpu.iota {dimensions = array<i32: 0>} : vector<16xi32>
      %rev3A_1395 = arith.subi %rev3A_1393, %rev3A_1394 : vector<16xi32>
      %rev3A_1396 = tpu.dynamic_gather %masked_sort3A_1117[%rev3A_1395] in [0] : vector<16xi32>, vector<16xi32> -> vector<16xi32>
      %select_n3A_1397 = arith.select %lt3A_4, %masked_sort3A_1107, %rev3A_1396 : vector<16xi1>, vector<16xi32>
      %masked_sort3A_1398 = arith.constant dense<true> : vector<16xi1>
      %masked_sort3A_1399, %masked_sort3A_1400, %masked_sort3A_1401 = tpu.sort %select_n3A_1391, %select_n3A_1397 masked %masked_sort3A_1398 {descending = true} : (vector<16xf32>, vector<16xi32>, vector<16xi1>) -> (vector<16xi1>, vector<16xf32>, vector<16xi32>)
      %rev3A_1402 = arith.constant 15 : i32
      %rev3A_1403 = vector.broadcast %rev3A_1402 : i32 to vector<16xi32>
      %rev3A_1404 = tpu.iota {dimensions = array<i32: 0>} : vector<16xi32>
      %rev3A_1405 = arith.subi %rev3A_1403, %rev3A_1404 : vector<16xi32>
      %rev3A_1406 = tpu.dynamic_gather %masked_sort3A_1136[%rev3A_1405] in [0] : vector<16xf32>, vector<16xi32> -> vector<16xf32>
      %select_n3A_1407 = arith.select %lt3A_4, %masked_sort3A_1126, %rev3A_1406 : vector<16xi1>, vector<16xf32>
      %rev3A_1408 = arith.constant 15 : i32
      %rev3A_1409 = vector.broadcast %rev3A_1408 : i32 to vector<16xi32>
      %rev3A_1410 = tpu.iota {dimensions = array<i32: 0>} : vector<16xi32>
      %rev3A_1411 = arith.subi %rev3A_1409, %rev3A_1410 : vector<16xi32>
      %rev3A_1412 = tpu.dynamic_gather %masked_sort3A_1137[%rev3A_1411] in [0] : vector<16xi32>, vector<16xi32> -> vector<16xi32>
      %select_n3A_1413 = arith.select %lt3A_4, %masked_sort3A_1127, %rev3A_1412 : vector<16xi1>, vector<16xi32>
      %masked_sort3A_1414 = arith.constant dense<true> : vector<16xi1>
      %masked_sort3A_1415, %masked_sort3A_1416, %masked_sort3A_1417 = tpu.sort %select_n3A_1407, %select_n3A_1413 masked %masked_sort3A_1414 {descending = true} : (vector<16xf32>, vector<16xi32>, vector<16xi1>) -> (vector<16xi1>, vector<16xf32>, vector<16xi32>)
      %rev3A_1418 = arith.constant 15 : i32
      %rev3A_1419 = vector.broadcast %rev3A_1418 : i32 to vector<16xi32>
      %rev3A_1420 = tpu.iota {dimensions = array<i32: 0>} : vector<16xi32>
      %rev3A_1421 = arith.subi %rev3A_1419, %rev3A_1420 : vector<16xi32>
      %rev3A_1422 = tpu.dynamic_gather %masked_sort3A_1156[%rev3A_1421] in [0] : vector<16xf32>, vector<16xi32> -> vector<16xf32>
      %select_n3A_1423 = arith.select %lt3A_4, %masked_sort3A_1146, %rev3A_1422 : vector<16xi1>, vector<16xf32>
      %rev3A_1424 = arith.constant 15 : i32
      %rev3A_1425 = vector.broadcast %rev3A_1424 : i32 to vector<16xi32>
      %rev3A_1426 = tpu.iota {dimensions = array<i32: 0>} : vector<16xi32>
      %rev3A_1427 = arith.subi %rev3A_1425, %rev3A_1426 : vector<16xi32>
      %rev3A_1428 = tpu.dynamic_gather %masked_sort3A_1157[%rev3A_1427] in [0] : vector<16xi32>, vector<16xi32> -> vector<16xi32>
      %select_n3A_1429 = arith.select %lt3A_4, %masked_sort3A_1147, %rev3A_1428 : vector<16xi1>, vector<16xi32>
      %masked_sort3A_1430 = arith.constant dense<true> : vector<16xi1>
      %masked_sort3A_1431, %masked_sort3A_1432, %masked_sort3A_1433 = tpu.sort %select_n3A_1423, %select_n3A_1429 masked %masked_sort3A_1430 {descending = true} : (vector<16xf32>, vector<16xi32>, vector<16xi1>) -> (vector<16xi1>, vector<16xf32>, vector<16xi32>)
      %rev3A_1434 = arith.constant 15 : i32
      %rev3A_1435 = vector.broadcast %rev3A_1434 : i32 to vector<16xi32>
      %rev3A_1436 = tpu.iota {dimensions = array<i32: 0>} : vector<16xi32>
      %rev3A_1437 = arith.subi %rev3A_1435, %rev3A_1436 : vector<16xi32>
      %rev3A_1438 = tpu.dynamic_gather %masked_sort3A_1176[%rev3A_1437] in [0] : vector<16xf32>, vector<16xi32> -> vector<16xf32>
      %select_n3A_1439 = arith.select %lt3A_4, %masked_sort3A_1166, %rev3A_1438 : vector<16xi1>, vector<16xf32>
      %rev3A_1440 = arith.constant 15 : i32
      %rev3A_1441 = vector.broadcast %rev3A_1440 : i32 to vector<16xi32>
      %rev3A_1442 = tpu.iota {dimensions = array<i32: 0>} : vector<16xi32>
      %rev3A_1443 = arith.subi %rev3A_1441, %rev3A_1442 : vector<16xi32>
      %rev3A_1444 = tpu.dynamic_gather %masked_sort3A_1177[%rev3A_1443] in [0] : vector<16xi32>, vector<16xi32> -> vector<16xi32>
      %select_n3A_1445 = arith.select %lt3A_4, %masked_sort3A_1167, %rev3A_1444 : vector<16xi1>, vector<16xi32>
      %masked_sort3A_1446 = arith.constant dense<true> : vector<16xi1>
      %masked_sort3A_1447, %masked_sort3A_1448, %masked_sort3A_1449 = tpu.sort %select_n3A_1439, %select_n3A_1445 masked %masked_sort3A_1446 {descending = true} : (vector<16xf32>, vector<16xi32>, vector<16xi1>) -> (vector<16xi1>, vector<16xf32>, vector<16xi32>)
      %rev3A_1450 = arith.constant 15 : i32
      %rev3A_1451 = vector.broadcast %rev3A_1450 : i32 to vector<16xi32>
      %rev3A_1452 = tpu.iota {dimensions = array<i32: 0>} : vector<16xi32>
      %rev3A_1453 = arith.subi %rev3A_1451, %rev3A_1452 : vector<16xi32>
      %rev3A_1454 = tpu.dynamic_gather %masked_sort3A_1196[%rev3A_1453] in [0] : vector<16xf32>, vector<16xi32> -> vector<16xf32>
      %select_n3A_1455 = arith.select %lt3A_4, %masked_sort3A_1186, %rev3A_1454 : vector<16xi1>, vector<16xf32>
      %rev3A_1456 = arith.constant 15 : i32
      %rev3A_1457 = vector.broadcast %rev3A_1456 : i32 to vector<16xi32>
      %rev3A_1458 = tpu.iota {dimensions = array<i32: 0>} : vector<16xi32>
      %rev3A_1459 = arith.subi %rev3A_1457, %rev3A_1458 : vector<16xi32>
      %rev3A_1460 = tpu.dynamic_gather %masked_sort3A_1197[%rev3A_1459] in [0] : vector<16xi32>, vector<16xi32> -> vector<16xi32>
      %select_n3A_1461 = arith.select %lt3A_4, %masked_sort3A_1187, %rev3A_1460 : vector<16xi1>, vector<16xi32>
      %masked_sort3A_1462 = arith.constant dense<true> : vector<16xi1>
      %masked_sort3A_1463, %masked_sort3A_1464, %masked_sort3A_1465 = tpu.sort %select_n3A_1455, %select_n3A_1461 masked %masked_sort3A_1462 {descending = true} : (vector<16xf32>, vector<16xi32>, vector<16xi1>) -> (vector<16xi1>, vector<16xf32>, vector<16xi32>)
      %rev3A_1466 = arith.constant 15 : i32
      %rev3A_1467 = vector.broadcast %rev3A_1466 : i32 to vector<16xi32>
      %rev3A_1468 = tpu.iota {dimensions = array<i32: 0>} : vector<16xi32>
      %rev3A_1469 = arith.subi %rev3A_1467, %rev3A_1468 : vector<16xi32>
      %rev3A_1470 = tpu.dynamic_gather %masked_sort3A_1216[%rev3A_1469] in [0] : vector<16xf32>, vector<16xi32> -> vector<16xf32>
      %select_n3A_1471 = arith.select %lt3A_4, %masked_sort3A_1206, %rev3A_1470 : vector<16xi1>, vector<16xf32>
      %rev3A_1472 = arith.constant 15 : i32
      %rev3A_1473 = vector.broadcast %rev3A_1472 : i32 to vector<16xi32>
      %rev3A_1474 = tpu.iota {dimensions = array<i32: 0>} : vector<16xi32>
      %rev3A_1475 = arith.subi %rev3A_1473, %rev3A_1474 : vector<16xi32>
      %rev3A_1476 = tpu.dynamic_gather %masked_sort3A_1217[%rev3A_1475] in [0] : vector<16xi32>, vector<16xi32> -> vector<16xi32>
      %select_n3A_1477 = arith.select %lt3A_4, %masked_sort3A_1207, %rev3A_1476 : vector<16xi1>, vector<16xi32>
      %masked_sort3A_1478 = arith.constant dense<true> : vector<16xi1>
      %masked_sort3A_1479, %masked_sort3A_1480, %masked_sort3A_1481 = tpu.sort %select_n3A_1471, %select_n3A_1477 masked %masked_sort3A_1478 {descending = true} : (vector<16xf32>, vector<16xi32>, vector<16xi1>) -> (vector<16xi1>, vector<16xf32>, vector<16xi32>)
      %rev3A_1482 = arith.constant 15 : i32
      %rev3A_1483 = vector.broadcast %rev3A_1482 : i32 to vector<16xi32>
      %rev3A_1484 = tpu.iota {dimensions = array<i32: 0>} : vector<16xi32>
      %rev3A_1485 = arith.subi %rev3A_1483, %rev3A_1484 : vector<16xi32>
      %rev3A_1486 = tpu.dynamic_gather %masked_sort3A_1236[%rev3A_1485] in [0] : vector<16xf32>, vector<16xi32> -> vector<16xf32>
      %select_n3A_1487 = arith.select %lt3A_4, %masked_sort3A_1226, %rev3A_1486 : vector<16xi1>, vector<16xf32>
      %rev3A_1488 = arith.constant 15 : i32
      %rev3A_1489 = vector.broadcast %rev3A_1488 : i32 to vector<16xi32>
      %rev3A_1490 = tpu.iota {dimensions = array<i32: 0>} : vector<16xi32>
      %rev3A_1491 = arith.subi %rev3A_1489, %rev3A_1490 : vector<16xi32>
      %rev3A_1492 = tpu.dynamic_gather %masked_sort3A_1237[%rev3A_1491] in [0] : vector<16xi32>, vector<16xi32> -> vector<16xi32>
      %select_n3A_1493 = arith.select %lt3A_4, %masked_sort3A_1227, %rev3A_1492 : vector<16xi1>, vector<16xi32>
      %masked_sort3A_1494 = arith.constant dense<true> : vector<16xi1>
      %masked_sort3A_1495, %masked_sort3A_1496, %masked_sort3A_1497 = tpu.sort %select_n3A_1487, %select_n3A_1493 masked %masked_sort3A_1494 {descending = true} : (vector<16xf32>, vector<16xi32>, vector<16xi1>) -> (vector<16xi1>, vector<16xf32>, vector<16xi32>)
      %rev3A_1498 = arith.constant 15 : i32
      %rev3A_1499 = vector.broadcast %rev3A_1498 : i32 to vector<16xi32>
      %rev3A_1500 = tpu.iota {dimensions = array<i32: 0>} : vector<16xi32>
      %rev3A_1501 = arith.subi %rev3A_1499, %rev3A_1500 : vector<16xi32>
      %rev3A_1502 = tpu.dynamic_gather %masked_sort3A_1256[%rev3A_1501] in [0] : vector<16xf32>, vector<16xi32> -> vector<16xf32>
      %select_n3A_1503 = arith.select %lt3A_4, %masked_sort3A_1246, %rev3A_1502 : vector<16xi1>, vector<16xf32>
      %rev3A_1504 = arith.constant 15 : i32
      %rev3A_1505 = vector.broadcast %rev3A_1504 : i32 to vector<16xi32>
      %rev3A_1506 = tpu.iota {dimensions = array<i32: 0>} : vector<16xi32>
      %rev3A_1507 = arith.subi %rev3A_1505, %rev3A_1506 : vector<16xi32>
      %rev3A_1508 = tpu.dynamic_gather %masked_sort3A_1257[%rev3A_1507] in [0] : vector<16xi32>, vector<16xi32> -> vector<16xi32>
      %select_n3A_1509 = arith.select %lt3A_4, %masked_sort3A_1247, %rev3A_1508 : vector<16xi1>, vector<16xi32>
      %masked_sort3A_1510 = arith.constant dense<true> : vector<16xi1>
      %masked_sort3A_1511, %masked_sort3A_1512, %masked_sort3A_1513 = tpu.sort %select_n3A_1503, %select_n3A_1509 masked %masked_sort3A_1510 {descending = true} : (vector<16xf32>, vector<16xi32>, vector<16xi1>) -> (vector<16xi1>, vector<16xf32>, vector<16xi32>)
      %rev3A_1514 = arith.constant 15 : i32
      %rev3A_1515 = vector.broadcast %rev3A_1514 : i32 to vector<16xi32>
      %rev3A_1516 = tpu.iota {dimensions = array<i32: 0>} : vector<16xi32>
      %rev3A_1517 = arith.subi %rev3A_1515, %rev3A_1516 : vector<16xi32>
      %rev3A_1518 = tpu.dynamic_gather %masked_sort3A_1288[%rev3A_1517] in [0] : vector<16xf32>, vector<16xi32> -> vector<16xf32>
      %select_n3A_1519 = arith.select %lt3A_4, %masked_sort3A_1272, %rev3A_1518 : vector<16xi1>, vector<16xf32>
      %rev3A_1520 = arith.constant 15 : i32
      %rev3A_1521 = vector.broadcast %rev3A_1520 : i32 to vector<16xi32>
      %rev3A_1522 = tpu.iota {dimensions = array<i32: 0>} : vector<16xi32>
      %rev3A_1523 = arith.subi %rev3A_1521, %rev3A_1522 : vector<16xi32>
      %rev3A_1524 = tpu.dynamic_gather %masked_sort3A_1289[%rev3A_1523] in [0] : vector<16xi32>, vector<16xi32> -> vector<16xi32>
      %select_n3A_1525 = arith.select %lt3A_4, %masked_sort3A_1273, %rev3A_1524 : vector<16xi1>, vector<16xi32>
      %masked_sort3A_1526 = arith.constant dense<true> : vector<16xi1>
      %masked_sort3A_1527, %masked_sort3A_1528, %masked_sort3A_1529 = tpu.sort %select_n3A_1519, %select_n3A_1525 masked %masked_sort3A_1526 {descending = true} : (vector<16xf32>, vector<16xi32>, vector<16xi1>) -> (vector<16xi1>, vector<16xf32>, vector<16xi32>)
      %rev3A_1530 = arith.constant 15 : i32
      %rev3A_1531 = vector.broadcast %rev3A_1530 : i32 to vector<16xi32>
      %rev3A_1532 = tpu.iota {dimensions = array<i32: 0>} : vector<16xi32>
      %rev3A_1533 = arith.subi %rev3A_1531, %rev3A_1532 : vector<16xi32>
      %rev3A_1534 = tpu.dynamic_gather %masked_sort3A_1320[%rev3A_1533] in [0] : vector<16xf32>, vector<16xi32> -> vector<16xf32>
      %select_n3A_1535 = arith.select %lt3A_4, %masked_sort3A_1304, %rev3A_1534 : vector<16xi1>, vector<16xf32>
      %rev3A_1536 = arith.constant 15 : i32
      %rev3A_1537 = vector.broadcast %rev3A_1536 : i32 to vector<16xi32>
      %rev3A_1538 = tpu.iota {dimensions = array<i32: 0>} : vector<16xi32>
      %rev3A_1539 = arith.subi %rev3A_1537, %rev3A_1538 : vector<16xi32>
      %rev3A_1540 = tpu.dynamic_gather %masked_sort3A_1321[%rev3A_1539] in [0] : vector<16xi32>, vector<16xi32> -> vector<16xi32>
      %select_n3A_1541 = arith.select %lt3A_4, %masked_sort3A_1305, %rev3A_1540 : vector<16xi1>, vector<16xi32>
      %masked_sort3A_1542 = arith.constant dense<true> : vector<16xi1>
      %masked_sort3A_1543, %masked_sort3A_1544, %masked_sort3A_1545 = tpu.sort %select_n3A_1535, %select_n3A_1541 masked %masked_sort3A_1542 {descending = true} : (vector<16xf32>, vector<16xi32>, vector<16xi1>) -> (vector<16xi1>, vector<16xf32>, vector<16xi32>)
      %rev3A_1546 = arith.constant 15 : i32
      %rev3A_1547 = vector.broadcast %rev3A_1546 : i32 to vector<16xi32>
      %rev3A_1548 = tpu.iota {dimensions = array<i32: 0>} : vector<16xi32>
      %rev3A_1549 = arith.subi %rev3A_1547, %rev3A_1548 : vector<16xi32>
      %rev3A_1550 = tpu.dynamic_gather %masked_sort3A_1352[%rev3A_1549] in [0] : vector<16xf32>, vector<16xi32> -> vector<16xf32>
      %select_n3A_1551 = arith.select %lt3A_4, %masked_sort3A_1336, %rev3A_1550 : vector<16xi1>, vector<16xf32>
      %rev3A_1552 = arith.constant 15 : i32
      %rev3A_1553 = vector.broadcast %rev3A_1552 : i32 to vector<16xi32>
      %rev3A_1554 = tpu.iota {dimensions = array<i32: 0>} : vector<16xi32>
      %rev3A_1555 = arith.subi %rev3A_1553, %rev3A_1554 : vector<16xi32>
      %rev3A_1556 = tpu.dynamic_gather %masked_sort3A_1353[%rev3A_1555] in [0] : vector<16xi32>, vector<16xi32> -> vector<16xi32>
      %select_n3A_1557 = arith.select %lt3A_4, %masked_sort3A_1337, %rev3A_1556 : vector<16xi1>, vector<16xi32>
      %masked_sort3A_1558 = arith.constant dense<true> : vector<16xi1>
      %masked_sort3A_1559, %masked_sort3A_1560, %masked_sort3A_1561 = tpu.sort %select_n3A_1551, %select_n3A_1557 masked %masked_sort3A_1558 {descending = true} : (vector<16xf32>, vector<16xi32>, vector<16xi1>) -> (vector<16xi1>, vector<16xf32>, vector<16xi32>)
      %rev3A_1562 = arith.constant 15 : i32
      %rev3A_1563 = vector.broadcast %rev3A_1562 : i32 to vector<16xi32>
      %rev3A_1564 = tpu.iota {dimensions = array<i32: 0>} : vector<16xi32>
      %rev3A_1565 = arith.subi %rev3A_1563, %rev3A_1564 : vector<16xi32>
      %rev3A_1566 = tpu.dynamic_gather %masked_sort3A_1384[%rev3A_1565] in [0] : vector<16xf32>, vector<16xi32> -> vector<16xf32>
      %select_n3A_1567 = arith.select %lt3A_4, %masked_sort3A_1368, %rev3A_1566 : vector<16xi1>, vector<16xf32>
      %rev3A_1568 = arith.constant 15 : i32
      %rev3A_1569 = vector.broadcast %rev3A_1568 : i32 to vector<16xi32>
      %rev3A_1570 = tpu.iota {dimensions = array<i32: 0>} : vector<16xi32>
      %rev3A_1571 = arith.subi %rev3A_1569, %rev3A_1570 : vector<16xi32>
      %rev3A_1572 = tpu.dynamic_gather %masked_sort3A_1385[%rev3A_1571] in [0] : vector<16xi32>, vector<16xi32> -> vector<16xi32>
      %select_n3A_1573 = arith.select %lt3A_4, %masked_sort3A_1369, %rev3A_1572 : vector<16xi1>, vector<16xi32>
      %masked_sort3A_1574 = arith.constant dense<true> : vector<16xi1>
      %masked_sort3A_1575, %masked_sort3A_1576, %masked_sort3A_1577 = tpu.sort %select_n3A_1567, %select_n3A_1573 masked %masked_sort3A_1574 {descending = true} : (vector<16xf32>, vector<16xi32>, vector<16xi1>) -> (vector<16xi1>, vector<16xf32>, vector<16xi32>)
      %rev3A_1578 = arith.constant 15 : i32
      %rev3A_1579 = vector.broadcast %rev3A_1578 : i32 to vector<16xi32>
      %rev3A_1580 = tpu.iota {dimensions = array<i32: 0>} : vector<16xi32>
      %rev3A_1581 = arith.subi %rev3A_1579, %rev3A_1580 : vector<16xi32>
      %rev3A_1582 = tpu.dynamic_gather %masked_sort3A_1416[%rev3A_1581] in [0] : vector<16xf32>, vector<16xi32> -> vector<16xf32>
      %select_n3A_1583 = arith.select %lt3A_4, %masked_sort3A_1400, %rev3A_1582 : vector<16xi1>, vector<16xf32>
      %rev3A_1584 = arith.constant 15 : i32
      %rev3A_1585 = vector.broadcast %rev3A_1584 : i32 to vector<16xi32>
      %rev3A_1586 = tpu.iota {dimensions = array<i32: 0>} : vector<16xi32>
      %rev3A_1587 = arith.subi %rev3A_1585, %rev3A_1586 : vector<16xi32>
      %rev3A_1588 = tpu.dynamic_gather %masked_sort3A_1417[%rev3A_1587] in [0] : vector<16xi32>, vector<16xi32> -> vector<16xi32>
      %select_n3A_1589 = arith.select %lt3A_4, %masked_sort3A_1401, %rev3A_1588 : vector<16xi1>, vector<16xi32>
      %masked_sort3A_1590 = arith.constant dense<true> : vector<16xi1>
      %masked_sort3A_1591, %masked_sort3A_1592, %masked_sort3A_1593 = tpu.sort %select_n3A_1583, %select_n3A_1589 masked %masked_sort3A_1590 {descending = true} : (vector<16xf32>, vector<16xi32>, vector<16xi1>) -> (vector<16xi1>, vector<16xf32>, vector<16xi32>)
      %rev3A_1594 = arith.constant 15 : i32
      %rev3A_1595 = vector.broadcast %rev3A_1594 : i32 to vector<16xi32>
      %rev3A_1596 = tpu.iota {dimensions = array<i32: 0>} : vector<16xi32>
      %rev3A_1597 = arith.subi %rev3A_1595, %rev3A_1596 : vector<16xi32>
      %rev3A_1598 = tpu.dynamic_gather %masked_sort3A_1448[%rev3A_1597] in [0] : vector<16xf32>, vector<16xi32> -> vector<16xf32>
      %select_n3A_1599 = arith.select %lt3A_4, %masked_sort3A_1432, %rev3A_1598 : vector<16xi1>, vector<16xf32>
      %rev3A_1600 = arith.constant 15 : i32
      %rev3A_1601 = vector.broadcast %rev3A_1600 : i32 to vector<16xi32>
      %rev3A_1602 = tpu.iota {dimensions = array<i32: 0>} : vector<16xi32>
      %rev3A_1603 = arith.subi %rev3A_1601, %rev3A_1602 : vector<16xi32>
      %rev3A_1604 = tpu.dynamic_gather %masked_sort3A_1449[%rev3A_1603] in [0] : vector<16xi32>, vector<16xi32> -> vector<16xi32>
      %select_n3A_1605 = arith.select %lt3A_4, %masked_sort3A_1433, %rev3A_1604 : vector<16xi1>, vector<16xi32>
      %masked_sort3A_1606 = arith.constant dense<true> : vector<16xi1>
      %masked_sort3A_1607, %masked_sort3A_1608, %masked_sort3A_1609 = tpu.sort %select_n3A_1599, %select_n3A_1605 masked %masked_sort3A_1606 {descending = true} : (vector<16xf32>, vector<16xi32>, vector<16xi1>) -> (vector<16xi1>, vector<16xf32>, vector<16xi32>)
      %rev3A_1610 = arith.constant 15 : i32
      %rev3A_1611 = vector.broadcast %rev3A_1610 : i32 to vector<16xi32>
      %rev3A_1612 = tpu.iota {dimensions = array<i32: 0>} : vector<16xi32>
      %rev3A_1613 = arith.subi %rev3A_1611, %rev3A_1612 : vector<16xi32>
      %rev3A_1614 = tpu.dynamic_gather %masked_sort3A_1480[%rev3A_1613] in [0] : vector<16xf32>, vector<16xi32> -> vector<16xf32>
      %select_n3A_1615 = arith.select %lt3A_4, %masked_sort3A_1464, %rev3A_1614 : vector<16xi1>, vector<16xf32>
      %rev3A_1616 = arith.constant 15 : i32
      %rev3A_1617 = vector.broadcast %rev3A_1616 : i32 to vector<16xi32>
      %rev3A_1618 = tpu.iota {dimensions = array<i32: 0>} : vector<16xi32>
      %rev3A_1619 = arith.subi %rev3A_1617, %rev3A_1618 : vector<16xi32>
      %rev3A_1620 = tpu.dynamic_gather %masked_sort3A_1481[%rev3A_1619] in [0] : vector<16xi32>, vector<16xi32> -> vector<16xi32>
      %select_n3A_1621 = arith.select %lt3A_4, %masked_sort3A_1465, %rev3A_1620 : vector<16xi1>, vector<16xi32>
      %masked_sort3A_1622 = arith.constant dense<true> : vector<16xi1>
      %masked_sort3A_1623, %masked_sort3A_1624, %masked_sort3A_1625 = tpu.sort %select_n3A_1615, %select_n3A_1621 masked %masked_sort3A_1622 {descending = true} : (vector<16xf32>, vector<16xi32>, vector<16xi1>) -> (vector<16xi1>, vector<16xf32>, vector<16xi32>)
      %rev3A_1626 = arith.constant 15 : i32
      %rev3A_1627 = vector.broadcast %rev3A_1626 : i32 to vector<16xi32>
      %rev3A_1628 = tpu.iota {dimensions = array<i32: 0>} : vector<16xi32>
      %rev3A_1629 = arith.subi %rev3A_1627, %rev3A_1628 : vector<16xi32>
      %rev3A_1630 = tpu.dynamic_gather %masked_sort3A_1512[%rev3A_1629] in [0] : vector<16xf32>, vector<16xi32> -> vector<16xf32>
      %select_n3A_1631 = arith.select %lt3A_4, %masked_sort3A_1496, %rev3A_1630 : vector<16xi1>, vector<16xf32>
      %rev3A_1632 = arith.constant 15 : i32
      %rev3A_1633 = vector.broadcast %rev3A_1632 : i32 to vector<16xi32>
      %rev3A_1634 = tpu.iota {dimensions = array<i32: 0>} : vector<16xi32>
      %rev3A_1635 = arith.subi %rev3A_1633, %rev3A_1634 : vector<16xi32>
      %rev3A_1636 = tpu.dynamic_gather %masked_sort3A_1513[%rev3A_1635] in [0] : vector<16xi32>, vector<16xi32> -> vector<16xi32>
      %select_n3A_1637 = arith.select %lt3A_4, %masked_sort3A_1497, %rev3A_1636 : vector<16xi1>, vector<16xi32>
      %masked_sort3A_1638 = arith.constant dense<true> : vector<16xi1>
      %masked_sort3A_1639, %masked_sort3A_1640, %masked_sort3A_1641 = tpu.sort %select_n3A_1631, %select_n3A_1637 masked %masked_sort3A_1638 {descending = true} : (vector<16xf32>, vector<16xi32>, vector<16xi1>) -> (vector<16xi1>, vector<16xf32>, vector<16xi32>)
      %rev3A_1642 = arith.constant 15 : i32
      %rev3A_1643 = vector.broadcast %rev3A_1642 : i32 to vector<16xi32>
      %rev3A_1644 = tpu.iota {dimensions = array<i32: 0>} : vector<16xi32>
      %rev3A_1645 = arith.subi %rev3A_1643, %rev3A_1644 : vector<16xi32>
      %rev3A_1646 = tpu.dynamic_gather %masked_sort3A_1544[%rev3A_1645] in [0] : vector<16xf32>, vector<16xi32> -> vector<16xf32>
      %select_n3A_1647 = arith.select %lt3A_4, %masked_sort3A_1528, %rev3A_1646 : vector<16xi1>, vector<16xf32>
      %rev3A_1648 = arith.constant 15 : i32
      %rev3A_1649 = vector.broadcast %rev3A_1648 : i32 to vector<16xi32>
      %rev3A_1650 = tpu.iota {dimensions = array<i32: 0>} : vector<16xi32>
      %rev3A_1651 = arith.subi %rev3A_1649, %rev3A_1650 : vector<16xi32>
      %rev3A_1652 = tpu.dynamic_gather %masked_sort3A_1545[%rev3A_1651] in [0] : vector<16xi32>, vector<16xi32> -> vector<16xi32>
      %select_n3A_1653 = arith.select %lt3A_4, %masked_sort3A_1529, %rev3A_1652 : vector<16xi1>, vector<16xi32>
      %masked_sort3A_1654 = arith.constant dense<true> : vector<16xi1>
      %masked_sort3A_1655, %masked_sort3A_1656, %masked_sort3A_1657 = tpu.sort %select_n3A_1647, %select_n3A_1653 masked %masked_sort3A_1654 {descending = true} : (vector<16xf32>, vector<16xi32>, vector<16xi1>) -> (vector<16xi1>, vector<16xf32>, vector<16xi32>)
      %rev3A_1658 = arith.constant 15 : i32
      %rev3A_1659 = vector.broadcast %rev3A_1658 : i32 to vector<16xi32>
      %rev3A_1660 = tpu.iota {dimensions = array<i32: 0>} : vector<16xi32>
      %rev3A_1661 = arith.subi %rev3A_1659, %rev3A_1660 : vector<16xi32>
      %rev3A_1662 = tpu.dynamic_gather %masked_sort3A_1576[%rev3A_1661] in [0] : vector<16xf32>, vector<16xi32> -> vector<16xf32>
      %select_n3A_1663 = arith.select %lt3A_4, %masked_sort3A_1560, %rev3A_1662 : vector<16xi1>, vector<16xf32>
      %rev3A_1664 = arith.constant 15 : i32
      %rev3A_1665 = vector.broadcast %rev3A_1664 : i32 to vector<16xi32>
      %rev3A_1666 = tpu.iota {dimensions = array<i32: 0>} : vector<16xi32>
      %rev3A_1667 = arith.subi %rev3A_1665, %rev3A_1666 : vector<16xi32>
      %rev3A_1668 = tpu.dynamic_gather %masked_sort3A_1577[%rev3A_1667] in [0] : vector<16xi32>, vector<16xi32> -> vector<16xi32>
      %select_n3A_1669 = arith.select %lt3A_4, %masked_sort3A_1561, %rev3A_1668 : vector<16xi1>, vector<16xi32>
      %masked_sort3A_1670 = arith.constant dense<true> : vector<16xi1>
      %masked_sort3A_1671, %masked_sort3A_1672, %masked_sort3A_1673 = tpu.sort %select_n3A_1663, %select_n3A_1669 masked %masked_sort3A_1670 {descending = true} : (vector<16xf32>, vector<16xi32>, vector<16xi1>) -> (vector<16xi1>, vector<16xf32>, vector<16xi32>)
      %rev3A_1674 = arith.constant 15 : i32
      %rev3A_1675 = vector.broadcast %rev3A_1674 : i32 to vector<16xi32>
      %rev3A_1676 = tpu.iota {dimensions = array<i32: 0>} : vector<16xi32>
      %rev3A_1677 = arith.subi %rev3A_1675, %rev3A_1676 : vector<16xi32>
      %rev3A_1678 = tpu.dynamic_gather %masked_sort3A_1608[%rev3A_1677] in [0] : vector<16xf32>, vector<16xi32> -> vector<16xf32>
      %select_n3A_1679 = arith.select %lt3A_4, %masked_sort3A_1592, %rev3A_1678 : vector<16xi1>, vector<16xf32>
      %rev3A_1680 = arith.constant 15 : i32
      %rev3A_1681 = vector.broadcast %rev3A_1680 : i32 to vector<16xi32>
      %rev3A_1682 = tpu.iota {dimensions = array<i32: 0>} : vector<16xi32>
      %rev3A_1683 = arith.subi %rev3A_1681, %rev3A_1682 : vector<16xi32>
      %rev3A_1684 = tpu.dynamic_gather %masked_sort3A_1609[%rev3A_1683] in [0] : vector<16xi32>, vector<16xi32> -> vector<16xi32>
      %select_n3A_1685 = arith.select %lt3A_4, %masked_sort3A_1593, %rev3A_1684 : vector<16xi1>, vector<16xi32>
      %masked_sort3A_1686 = arith.constant dense<true> : vector<16xi1>
      %masked_sort3A_1687, %masked_sort3A_1688, %masked_sort3A_1689 = tpu.sort %select_n3A_1679, %select_n3A_1685 masked %masked_sort3A_1686 {descending = true} : (vector<16xf32>, vector<16xi32>, vector<16xi1>) -> (vector<16xi1>, vector<16xf32>, vector<16xi32>)
      %rev3A_1690 = arith.constant 15 : i32
      %rev3A_1691 = vector.broadcast %rev3A_1690 : i32 to vector<16xi32>
      %rev3A_1692 = tpu.iota {dimensions = array<i32: 0>} : vector<16xi32>
      %rev3A_1693 = arith.subi %rev3A_1691, %rev3A_1692 : vector<16xi32>
      %rev3A_1694 = tpu.dynamic_gather %masked_sort3A_1640[%rev3A_1693] in [0] : vector<16xf32>, vector<16xi32> -> vector<16xf32>
      %select_n3A_1695 = arith.select %lt3A_4, %masked_sort3A_1624, %rev3A_1694 : vector<16xi1>, vector<16xf32>
      %rev3A_1696 = arith.constant 15 : i32
      %rev3A_1697 = vector.broadcast %rev3A_1696 : i32 to vector<16xi32>
      %rev3A_1698 = tpu.iota {dimensions = array<i32: 0>} : vector<16xi32>
      %rev3A_1699 = arith.subi %rev3A_1697, %rev3A_1698 : vector<16xi32>
      %rev3A_1700 = tpu.dynamic_gather %masked_sort3A_1641[%rev3A_1699] in [0] : vector<16xi32>, vector<16xi32> -> vector<16xi32>
      %select_n3A_1701 = arith.select %lt3A_4, %masked_sort3A_1625, %rev3A_1700 : vector<16xi1>, vector<16xi32>
      %masked_sort3A_1702 = arith.constant dense<true> : vector<16xi1>
      %masked_sort3A_1703, %masked_sort3A_1704, %masked_sort3A_1705 = tpu.sort %select_n3A_1695, %select_n3A_1701 masked %masked_sort3A_1702 {descending = true} : (vector<16xf32>, vector<16xi32>, vector<16xi1>) -> (vector<16xi1>, vector<16xf32>, vector<16xi32>)
      %rev3A_1706 = arith.constant 15 : i32
      %rev3A_1707 = vector.broadcast %rev3A_1706 : i32 to vector<16xi32>
      %rev3A_1708 = tpu.iota {dimensions = array<i32: 0>} : vector<16xi32>
      %rev3A_1709 = arith.subi %rev3A_1707, %rev3A_1708 : vector<16xi32>
      %rev3A_1710 = tpu.dynamic_gather %masked_sort3A_1672[%rev3A_1709] in [0] : vector<16xf32>, vector<16xi32> -> vector<16xf32>
      %select_n3A_1711 = arith.select %lt3A_4, %masked_sort3A_1656, %rev3A_1710 : vector<16xi1>, vector<16xf32>
      %rev3A_1712 = arith.constant 15 : i32
      %rev3A_1713 = vector.broadcast %rev3A_1712 : i32 to vector<16xi32>
      %rev3A_1714 = tpu.iota {dimensions = array<i32: 0>} : vector<16xi32>
      %rev3A_1715 = arith.subi %rev3A_1713, %rev3A_1714 : vector<16xi32>
      %rev3A_1716 = tpu.dynamic_gather %masked_sort3A_1673[%rev3A_1715] in [0] : vector<16xi32>, vector<16xi32> -> vector<16xi32>
      %select_n3A_1717 = arith.select %lt3A_4, %masked_sort3A_1657, %rev3A_1716 : vector<16xi1>, vector<16xi32>
      %masked_sort3A_1718 = arith.constant dense<true> : vector<16xi1>
      %masked_sort3A_1719, %masked_sort3A_1720, %masked_sort3A_1721 = tpu.sort %select_n3A_1711, %select_n3A_1717 masked %masked_sort3A_1718 {descending = true} : (vector<16xf32>, vector<16xi32>, vector<16xi1>) -> (vector<16xi1>, vector<16xf32>, vector<16xi32>)
      %rev3A_1722 = arith.constant 15 : i32
      %rev3A_1723 = vector.broadcast %rev3A_1722 : i32 to vector<16xi32>
      %rev3A_1724 = tpu.iota {dimensions = array<i32: 0>} : vector<16xi32>
      %rev3A_1725 = arith.subi %rev3A_1723, %rev3A_1724 : vector<16xi32>
      %rev3A_1726 = tpu.dynamic_gather %masked_sort3A_1704[%rev3A_1725] in [0] : vector<16xf32>, vector<16xi32> -> vector<16xf32>
      %select_n3A_1727 = arith.select %lt3A_4, %masked_sort3A_1688, %rev3A_1726 : vector<16xi1>, vector<16xf32>
      %rev3A_1728 = arith.constant 15 : i32
      %rev3A_1729 = vector.broadcast %rev3A_1728 : i32 to vector<16xi32>
      %rev3A_1730 = tpu.iota {dimensions = array<i32: 0>} : vector<16xi32>
      %rev3A_1731 = arith.subi %rev3A_1729, %rev3A_1730 : vector<16xi32>
      %rev3A_1732 = tpu.dynamic_gather %masked_sort3A_1705[%rev3A_1731] in [0] : vector<16xi32>, vector<16xi32> -> vector<16xi32>
      %select_n3A_1733 = arith.select %lt3A_4, %masked_sort3A_1689, %rev3A_1732 : vector<16xi1>, vector<16xi32>
      %masked_sort3A_1734 = arith.constant dense<true> : vector<16xi1>
      %masked_sort3A_1735, %masked_sort3A_1736, %masked_sort3A_1737 = tpu.sort %select_n3A_1727, %select_n3A_1733 masked %masked_sort3A_1734 {descending = true} : (vector<16xf32>, vector<16xi32>, vector<16xi1>) -> (vector<16xi1>, vector<16xf32>, vector<16xi32>)
      %rev3A_1738 = arith.constant 15 : i32
      %rev3A_1739 = vector.broadcast %rev3A_1738 : i32 to vector<16xi32>
      %rev3A_1740 = tpu.iota {dimensions = array<i32: 0>} : vector<16xi32>
      %rev3A_1741 = arith.subi %rev3A_1739, %rev3A_1740 : vector<16xi32>
      %rev3A_1742 = tpu.dynamic_gather %masked_sort3A_1736[%rev3A_1741] in [0] : vector<16xf32>, vector<16xi32> -> vector<16xf32>
      %select_n3A_1743 = arith.select %lt3A_4, %masked_sort3A_1720, %rev3A_1742 : vector<16xi1>, vector<16xf32>
      %rev3A_1744 = arith.constant 15 : i32
      %rev3A_1745 = vector.broadcast %rev3A_1744 : i32 to vector<16xi32>
      %rev3A_1746 = tpu.iota {dimensions = array<i32: 0>} : vector<16xi32>
      %rev3A_1747 = arith.subi %rev3A_1745, %rev3A_1746 : vector<16xi32>
      %rev3A_1748 = tpu.dynamic_gather %masked_sort3A_1737[%rev3A_1747] in [0] : vector<16xi32>, vector<16xi32> -> vector<16xi32>
      %select_n3A_1749 = arith.select %lt3A_4, %masked_sort3A_1721, %rev3A_1748 : vector<16xi1>, vector<16xi32>
      %masked_sort3A_1750 = arith.constant dense<true> : vector<16xi1>
      %masked_sort3A_1751, %masked_sort3A_1752, %masked_sort3A_1753 = tpu.sort %select_n3A_1743, %select_n3A_1749 masked %masked_sort3A_1750 {descending = true} : (vector<16xf32>, vector<16xi32>, vector<16xi1>) -> (vector<16xi1>, vector<16xf32>, vector<16xi32>)
      %reduce_max3A_1754 = arith.constant true
      %reduce_max3A_1755 = vector.broadcast %reduce_max3A_1754 : i1 to vector<16xi1>
      %reduce_max3A_1756 = tpu.scan <max>, %masked_sort3A_1752 masked %reduce_max3A_1755 : vector<16xf32>, vector<16xi1> -> vector<16xf32>
      %reduce_max3A_1757 = vector.extract %reduce_max3A_1756[15] : f32 from vector<16xf32>
      %sub3A_1758 = vector.broadcast %reduce_max3A_1757 : f32 to vector<16xf32>
      %sub3A_1759 = arith.subf %masked_sort3A_1752, %sub3A_1758 : vector<16xf32>
      %mul3A_1760 = arith.constant 1.000000e+00 : f32
      %mul3A_1761 = vector.broadcast %mul3A_1760 : f32 to vector<16xf32>
      %mul3A_1762 = arith.mulf %sub3A_1759, %mul3A_1761 : vector<16xf32>
      %exp3A_1763 = math.exp %mul3A_1762 : vector<16xf32>
      %jit3A_1764 = arith.constant 0.000000e+00 : f32
      %broadcast_in_dim3A_1765 = vector.broadcast %jit3A_1764 : f32 to vector<16xf32>
      %select_n3A_1766 = arith.select %lt3A_4, %exp3A_1763, %broadcast_in_dim3A_1765 : vector<16xi1>, vector<16xf32>
      %reduce_sum3A_1767 = arith.constant true
      %reduce_sum3A_1768 = vector.broadcast %reduce_sum3A_1767 : i1 to vector<16xi1>
      %reduce_sum3A_1769 = tpu.scan <sum>, %select_n3A_1766 masked %reduce_sum3A_1768 : vector<16xf32>, vector<16xi1> -> vector<16xf32>
      %reduce_sum3A_1770 = vector.extract %reduce_sum3A_1769[15] : f32 from vector<16xf32>
      %broadcast_in_dim3A_1771 = vector.broadcast %reduce_sum3A_1770 : f32 to vector<16xf32>
      %div3A_1772 = arith.divf %select_n3A_1766, %broadcast_in_dim3A_1771 : vector<16xf32>
      %broadcast_in_dim3A_1773 = arith.constant 0.000000e+00 : f32
      %broadcast_in_dim3A_1774 = vector.broadcast %broadcast_in_dim3A_1773 : f32 to vector<16xf32>
      %swap3A_1775 = arith.index_cast %add3A_937 : i32 to index
      %swap3A_1776 = arith.constant 0 : index
      %swap3A_1777 = tpu.vector_load %arg5[%swap3A_1775, %swap3A_1776] {strides = array<i32>} : memref<16x512xf32, #tpu.memory_space<vmem>>, vector<16xf32>,
      tpu.vector_store %arg5[%swap3A_1775, %swap3A_1776], %broadcast_in_dim3A_1774 {strides = array<i32>} : memref<16x512xf32, #tpu.memory_space<vmem>>, vector<16xf32>,
      %swap3A_1778 = arith.index_cast %add3A_937 : i32 to index
      %swap3A_1779 = arith.constant 16 : index
      %swap3A_1780 = tpu.vector_load %arg5[%swap3A_1778, %swap3A_1779] {strides = array<i32>} : memref<16x512xf32, #tpu.memory_space<vmem>>, vector<16xf32>,
      tpu.vector_store %arg5[%swap3A_1778, %swap3A_1779], %broadcast_in_dim3A_1774 {strides = array<i32>} : memref<16x512xf32, #tpu.memory_space<vmem>>, vector<16xf32>,
      %swap3A_1781 = arith.index_cast %add3A_937 : i32 to index
      %swap3A_1782 = arith.constant 32 : index
      %swap3A_1783 = tpu.vector_load %arg5[%swap3A_1781, %swap3A_1782] {strides = array<i32>} : memref<16x512xf32, #tpu.memory_space<vmem>>, vector<16xf32>,
      tpu.vector_store %arg5[%swap3A_1781, %swap3A_1782], %broadcast_in_dim3A_1774 {strides = array<i32>} : memref<16x512xf32, #tpu.memory_space<vmem>>, vector<16xf32>,
      %swap3A_1784 = arith.index_cast %add3A_937 : i32 to index
      %swap3A_1785 = arith.constant 48 : index
      %swap3A_1786 = tpu.vector_load %arg5[%swap3A_1784, %swap3A_1785] {strides = array<i32>} : memref<16x512xf32, #tpu.memory_space<vmem>>, vector<16xf32>,
      tpu.vector_store %arg5[%swap3A_1784, %swap3A_1785], %broadcast_in_dim3A_1774 {strides = array<i32>} : memref<16x512xf32, #tpu.memory_space<vmem>>, vector<16xf32>,
      %swap3A_1787 = arith.index_cast %add3A_937 : i32 to index
      %swap3A_1788 = arith.constant 64 : index
      %swap3A_1789 = tpu.vector_load %arg5[%swap3A_1787, %swap3A_1788] {strides = array<i32>} : memref<16x512xf32, #tpu.memory_space<vmem>>, vector<16xf32>,
      tpu.vector_store %arg5[%swap3A_1787, %swap3A_1788], %broadcast_in_dim3A_1774 {strides = array<i32>} : memref<16x512xf32, #tpu.memory_space<vmem>>, vector<16xf32>,
      %swap3A_1790 = arith.index_cast %add3A_937 : i32 to index
      %swap3A_1791 = arith.constant 80 : index
      %swap3A_1792 = tpu.vector_load %arg5[%swap3A_1790, %swap3A_1791] {strides = array<i32>} : memref<16x512xf32, #tpu.memory_space<vmem>>, vector<16xf32>,
      tpu.vector_store %arg5[%swap3A_1790, %swap3A_1791], %broadcast_in_dim3A_1774 {strides = array<i32>} : memref<16x512xf32, #tpu.memory_space<vmem>>, vector<16xf32>,
      %swap3A_1793 = arith.index_cast %add3A_937 : i32 to index
      %swap3A_1794 = arith.constant 96 : index
      %swap3A_1795 = tpu.vector_load %arg5[%swap3A_1793, %swap3A_1794] {strides = array<i32>} : memref<16x512xf32, #tpu.memory_space<vmem>>, vector<16xf32>,
      tpu.vector_store %arg5[%swap3A_1793, %swap3A_1794], %broadcast_in_dim3A_1774 {strides = array<i32>} : memref<16x512xf32, #tpu.memory_space<vmem>>, vector<16xf32>,
      %swap3A_1796 = arith.index_cast %add3A_937 : i32 to index
      %swap3A_1797 = arith.constant 112 : index
      %swap3A_1798 = tpu.vector_load %arg5[%swap3A_1796, %swap3A_1797] {strides = array<i32>} : memref<16x512xf32, #tpu.memory_space<vmem>>, vector<16xf32>,
      tpu.vector_store %arg5[%swap3A_1796, %swap3A_1797], %broadcast_in_dim3A_1774 {strides = array<i32>} : memref<16x512xf32, #tpu.memory_space<vmem>>, vector<16xf32>,
      %swap3A_1799 = arith.index_cast %add3A_937 : i32 to index
      %swap3A_1800 = arith.constant 128 : index
      %swap3A_1801 = tpu.vector_load %arg5[%swap3A_1799, %swap3A_1800] {strides = array<i32>} : memref<16x512xf32, #tpu.memory_space<vmem>>, vector<16xf32>,
      tpu.vector_store %arg5[%swap3A_1799, %swap3A_1800], %broadcast_in_dim3A_1774 {strides = array<i32>} : memref<16x512xf32, #tpu.memory_space<vmem>>, vector<16xf32>,
      %swap3A_1802 = arith.index_cast %add3A_937 : i32 to index
      %swap3A_1803 = arith.constant 144 : index
      %swap3A_1804 = tpu.vector_load %arg5[%swap3A_1802, %swap3A_1803] {strides = array<i32>} : memref<16x512xf32, #tpu.memory_space<vmem>>, vector<16xf32>,
      tpu.vector_store %arg5[%swap3A_1802, %swap3A_1803], %broadcast_in_dim3A_1774 {strides = array<i32>} : memref<16x512xf32, #tpu.memory_space<vmem>>, vector<16xf32>,
      %swap3A_1805 = arith.index_cast %add3A_937 : i32 to index
      %swap3A_1806 = arith.constant 160 : index
      %swap3A_1807 = tpu.vector_load %arg5[%swap3A_1805, %swap3A_1806] {strides = array<i32>} : memref<16x512xf32, #tpu.memory_space<vmem>>, vector<16xf32>,
      tpu.vector_store %arg5[%swap3A_1805, %swap3A_1806], %broadcast_in_dim3A_1774 {strides = array<i32>} : memref<16x512xf32, #tpu.memory_space<vmem>>, vector<16xf32>,
      %swap3A_1808 = arith.index_cast %add3A_937 : i32 to index
      %swap3A_1809 = arith.constant 176 : index
      %swap3A_1810 = tpu.vector_load %arg5[%swap3A_1808, %swap3A_1809] {strides = array<i32>} : memref<16x512xf32, #tpu.memory_space<vmem>>, vector<16xf32>,
      tpu.vector_store %arg5[%swap3A_1808, %swap3A_1809], %broadcast_in_dim3A_1774 {strides = array<i32>} : memref<16x512xf32, #tpu.memory_space<vmem>>, vector<16xf32>,
      %swap3A_1811 = arith.index_cast %add3A_937 : i32 to index
      %swap3A_1812 = arith.constant 192 : index
      %swap3A_1813 = tpu.vector_load %arg5[%swap3A_1811, %swap3A_1812] {strides = array<i32>} : memref<16x512xf32, #tpu.memory_space<vmem>>, vector<16xf32>,
      tpu.vector_store %arg5[%swap3A_1811, %swap3A_1812], %broadcast_in_dim3A_1774 {strides = array<i32>} : memref<16x512xf32, #tpu.memory_space<vmem>>, vector<16xf32>,
      %swap3A_1814 = arith.index_cast %add3A_937 : i32 to index
      %swap3A_1815 = arith.constant 208 : index
      %swap3A_1816 = tpu.vector_load %arg5[%swap3A_1814, %swap3A_1815] {strides = array<i32>} : memref<16x512xf32, #tpu.memory_space<vmem>>, vector<16xf32>,
      tpu.vector_store %arg5[%swap3A_1814, %swap3A_1815], %broadcast_in_dim3A_1774 {strides = array<i32>} : memref<16x512xf32, #tpu.memory_space<vmem>>, vector<16xf32>,
      %swap3A_1817 = arith.index_cast %add3A_937 : i32 to index
      %swap3A_1818 = arith.constant 224 : index
      %swap3A_1819 = tpu.vector_load %arg5[%swap3A_1817, %swap3A_1818] {strides = array<i32>} : memref<16x512xf32, #tpu.memory_space<vmem>>, vector<16xf32>,
      tpu.vector_store %arg5[%swap3A_1817, %swap3A_1818], %broadcast_in_dim3A_1774 {strides = array<i32>} : memref<16x512xf32, #tpu.memory_space<vmem>>, vector<16xf32>,
      %swap3A_1820 = arith.index_cast %add3A_937 : i32 to index
      %swap3A_1821 = arith.constant 240 : index
      %swap3A_1822 = tpu.vector_load %arg5[%swap3A_1820, %swap3A_1821] {strides = array<i32>} : memref<16x512xf32, #tpu.memory_space<vmem>>, vector<16xf32>,
      tpu.vector_store %arg5[%swap3A_1820, %swap3A_1821], %broadcast_in_dim3A_1774 {strides = array<i32>} : memref<16x512xf32, #tpu.memory_space<vmem>>, vector<16xf32>,
      %swap3A_1823 = arith.index_cast %add3A_937 : i32 to index
      %swap3A_1824 = arith.constant 256 : index
      %swap3A_1825 = tpu.vector_load %arg5[%swap3A_1823, %swap3A_1824] {strides = array<i32>} : memref<16x512xf32, #tpu.memory_space<vmem>>, vector<16xf32>,
      tpu.vector_store %arg5[%swap3A_1823, %swap3A_1824], %broadcast_in_dim3A_1774 {strides = array<i32>} : memref<16x512xf32, #tpu.memory_space<vmem>>, vector<16xf32>,
      %swap3A_1826 = arith.index_cast %add3A_937 : i32 to index
      %swap3A_1827 = arith.constant 272 : index
      %swap3A_1828 = tpu.vector_load %arg5[%swap3A_1826, %swap3A_1827] {strides = array<i32>} : memref<16x512xf32, #tpu.memory_space<vmem>>, vector<16xf32>,
      tpu.vector_store %arg5[%swap3A_1826, %swap3A_1827], %broadcast_in_dim3A_1774 {strides = array<i32>} : memref<16x512xf32, #tpu.memory_space<vmem>>, vector<16xf32>,
      %swap3A_1829 = arith.index_cast %add3A_937 : i32 to index
      %swap3A_1830 = arith.constant 288 : index
      %swap3A_1831 = tpu.vector_load %arg5[%swap3A_1829, %swap3A_1830] {strides = array<i32>} : memref<16x512xf32, #tpu.memory_space<vmem>>, vector<16xf32>,
      tpu.vector_store %arg5[%swap3A_1829, %swap3A_1830], %broadcast_in_dim3A_1774 {strides = array<i32>} : memref<16x512xf32, #tpu.memory_space<vmem>>, vector<16xf32>,
      %swap3A_1832 = arith.index_cast %add3A_937 : i32 to index
      %swap3A_1833 = arith.constant 304 : index
      %swap3A_1834 = tpu.vector_load %arg5[%swap3A_1832, %swap3A_1833] {strides = array<i32>} : memref<16x512xf32, #tpu.memory_space<vmem>>, vector<16xf32>,
      tpu.vector_store %arg5[%swap3A_1832, %swap3A_1833], %broadcast_in_dim3A_1774 {strides = array<i32>} : memref<16x512xf32, #tpu.memory_space<vmem>>, vector<16xf32>,
      %swap3A_1835 = arith.index_cast %add3A_937 : i32 to index
      %swap3A_1836 = arith.constant 320 : index
      %swap3A_1837 = tpu.vector_load %arg5[%swap3A_1835, %swap3A_1836] {strides = array<i32>} : memref<16x512xf32, #tpu.memory_space<vmem>>, vector<16xf32>,
      tpu.vector_store %arg5[%swap3A_1835, %swap3A_1836], %broadcast_in_dim3A_1774 {strides = array<i32>} : memref<16x512xf32, #tpu.memory_space<vmem>>, vector<16xf32>,
      %swap3A_1838 = arith.index_cast %add3A_937 : i32 to index
      %swap3A_1839 = arith.constant 336 : index
      %swap3A_1840 = tpu.vector_load %arg5[%swap3A_1838, %swap3A_1839] {strides = array<i32>} : memref<16x512xf32, #tpu.memory_space<vmem>>, vector<16xf32>,
      tpu.vector_store %arg5[%swap3A_1838, %swap3A_1839], %broadcast_in_dim3A_1774 {strides = array<i32>} : memref<16x512xf32, #tpu.memory_space<vmem>>, vector<16xf32>,
      %swap3A_1841 = arith.index_cast %add3A_937 : i32 to index
      %swap3A_1842 = arith.constant 352 : index
      %swap3A_1843 = tpu.vector_load %arg5[%swap3A_1841, %swap3A_1842] {strides = array<i32>} : memref<16x512xf32, #tpu.memory_space<vmem>>, vector<16xf32>,
      tpu.vector_store %arg5[%swap3A_1841, %swap3A_1842], %broadcast_in_dim3A_1774 {strides = array<i32>} : memref<16x512xf32, #tpu.memory_space<vmem>>, vector<16xf32>,
      %swap3A_1844 = arith.index_cast %add3A_937 : i32 to index
      %swap3A_1845 = arith.constant 368 : index
      %swap3A_1846 = tpu.vector_load %arg5[%swap3A_1844, %swap3A_1845] {strides = array<i32>} : memref<16x512xf32, #tpu.memory_space<vmem>>, vector<16xf32>,
      tpu.vector_store %arg5[%swap3A_1844, %swap3A_1845], %broadcast_in_dim3A_1774 {strides = array<i32>} : memref<16x512xf32, #tpu.memory_space<vmem>>, vector<16xf32>,
      %swap3A_1847 = arith.index_cast %add3A_937 : i32 to index
      %swap3A_1848 = arith.constant 384 : index
      %swap3A_1849 = tpu.vector_load %arg5[%swap3A_1847, %swap3A_1848] {strides = array<i32>} : memref<16x512xf32, #tpu.memory_space<vmem>>, vector<16xf32>,
      tpu.vector_store %arg5[%swap3A_1847, %swap3A_1848], %broadcast_in_dim3A_1774 {strides = array<i32>} : memref<16x512xf32, #tpu.memory_space<vmem>>, vector<16xf32>,
      %swap3A_1850 = arith.index_cast %add3A_937 : i32 to index
      %swap3A_1851 = arith.constant 400 : index
      %swap3A_1852 = tpu.vector_load %arg5[%swap3A_1850, %swap3A_1851] {strides = array<i32>} : memref<16x512xf32, #tpu.memory_space<vmem>>, vector<16xf32>,
      tpu.vector_store %arg5[%swap3A_1850, %swap3A_1851], %broadcast_in_dim3A_1774 {strides = array<i32>} : memref<16x512xf32, #tpu.memory_space<vmem>>, vector<16xf32>,
      %swap3A_1853 = arith.index_cast %add3A_937 : i32 to index
      %swap3A_1854 = arith.constant 416 : index
      %swap3A_1855 = tpu.vector_load %arg5[%swap3A_1853, %swap3A_1854] {strides = array<i32>} : memref<16x512xf32, #tpu.memory_space<vmem>>, vector<16xf32>,
      tpu.vector_store %arg5[%swap3A_1853, %swap3A_1854], %broadcast_in_dim3A_1774 {strides = array<i32>} : memref<16x512xf32, #tpu.memory_space<vmem>>, vector<16xf32>,
      %swap3A_1856 = arith.index_cast %add3A_937 : i32 to index
      %swap3A_1857 = arith.constant 432 : index
      %swap3A_1858 = tpu.vector_load %arg5[%swap3A_1856, %swap3A_1857] {strides = array<i32>} : memref<16x512xf32, #tpu.memory_space<vmem>>, vector<16xf32>,
      tpu.vector_store %arg5[%swap3A_1856, %swap3A_1857], %broadcast_in_dim3A_1774 {strides = array<i32>} : memref<16x512xf32, #tpu.memory_space<vmem>>, vector<16xf32>,
      %swap3A_1859 = arith.index_cast %add3A_937 : i32 to index
      %swap3A_1860 = arith.constant 448 : index
      %swap3A_1861 = tpu.vector_load %arg5[%swap3A_1859, %swap3A_1860] {strides = array<i32>} : memref<16x512xf32, #tpu.memory_space<vmem>>, vector<16xf32>,
      tpu.vector_store %arg5[%swap3A_1859, %swap3A_1860], %broadcast_in_dim3A_1774 {strides = array<i32>} : memref<16x512xf32, #tpu.memory_space<vmem>>, vector<16xf32>,
      %swap3A_1862 = arith.index_cast %add3A_937 : i32 to index
      %swap3A_1863 = arith.constant 464 : index
      %swap3A_1864 = tpu.vector_load %arg5[%swap3A_1862, %swap3A_1863] {strides = array<i32>} : memref<16x512xf32, #tpu.memory_space<vmem>>, vector<16xf32>,
      tpu.vector_store %arg5[%swap3A_1862, %swap3A_1863], %broadcast_in_dim3A_1774 {strides = array<i32>} : memref<16x512xf32, #tpu.memory_space<vmem>>, vector<16xf32>,
      %swap3A_1865 = arith.index_cast %add3A_937 : i32 to index
      %swap3A_1866 = arith.constant 480 : index
      %swap3A_1867 = tpu.vector_load %arg5[%swap3A_1865, %swap3A_1866] {strides = array<i32>} : memref<16x512xf32, #tpu.memory_space<vmem>>, vector<16xf32>,
      tpu.vector_store %arg5[%swap3A_1865, %swap3A_1866], %broadcast_in_dim3A_1774 {strides = array<i32>} : memref<16x512xf32, #tpu.memory_space<vmem>>, vector<16xf32>,
      %swap3A_1868 = arith.index_cast %add3A_937 : i32 to index
      %swap3A_1869 = arith.constant 496 : index
      %swap3A_1870 = tpu.vector_load %arg5[%swap3A_1868, %swap3A_1869] {strides = array<i32>} : memref<16x512xf32, #tpu.memory_space<vmem>>, vector<16xf32>,
      tpu.vector_store %arg5[%swap3A_1868, %swap3A_1869], %broadcast_in_dim3A_1774 {strides = array<i32>} : memref<16x512xf32, #tpu.memory_space<vmem>>, vector<16xf32>,
      %broadcast_in_dim3A_1871 = vector.broadcast %add3A_937 : i32 to vector<16xi32>
      tpu.vector_store_idx %arg5[%broadcast_in_dim3A_1871, %masked_sort3A_1753], %div3A_1772 masked %lt3A_4 : memref<16x512xf32, #tpu.memory_space<vmem>>[vector<16xi32>, vector<16xi32>], vector<16xf32>, vector<16xi1>
    }
    %scan3A_8 = arith.constant 8 : i32
    "tpu.region"() ({
      %run_scoped3A = tpu.sem_alloc : memref<!tpu.dma_semaphore, #tpu.memory_space<semaphore_mem>>
      %dma_start3A = arith.constant 0 : i32
      %dma_start3A_9 = tpu.memref_slice %arg3[%mul3A_2, %dma_start3A] : memref<512x512xf32, #tpu.memory_space<hbm>> -> memref<16x512xf32, #tpu.memory_space<hbm>>
      %dma_start3A_10 = arith.constant 0 : i32
      %dma_start3A_11 = tpu.memref_slice %arg3[%mul3A_2, %dma_start3A_10] : memref<512x512xf32, #tpu.memory_space<hbm>> -> memref<16x512xf32, #tpu.memory_space<hbm>>
      tpu.enqueue_dma source(%arg5 : memref<16x512xf32, #tpu.memory_space<vmem>>) target(%dma_start3A_11 : memref<16x512xf32, #tpu.memory_space<hbm>>) target_semaphore(%run_scoped3A : memref<!tpu.dma_semaphore, #tpu.memory_space<semaphore_mem>>)
      %dma_wait3A = arith.constant 0 : i32
      %dma_wait3A_12 = tpu.memref_slice %arg3[%mul3A_2, %dma_wait3A] : memref<512x512xf32, #tpu.memory_space<hbm>> -> memref<16x512xf32, #tpu.memory_space<hbm>>
      %dma_wait3A_13 = arith.constant 0 : i32
      %dma_wait3A_14 = tpu.memref_slice %arg3[%mul3A_2, %dma_wait3A_13] : memref<512x512xf32, #tpu.memory_space<hbm>> -> memref<16x512xf32, #tpu.memory_space<hbm>>
      tpu.wait_dma2 semaphore(%run_scoped3A : memref<!tpu.dma_semaphore, #tpu.memory_space<semaphore_mem>>) src(%arg5 : memref<16x512xf32, #tpu.memory_space<vmem>>) dst(%dma_wait3A_14 : memref<16x512xf32, #tpu.memory_space<hbm>>)
      tpu.yield
    }) : () -> ()
    return
  }
}

module attributes {stable_mosaic.version = 14 : i64} {
  func.func @_combine_kernel(%arg0: i32, %arg1: memref<4096x512xf32, #tpu.memory_space<vmem>>, %arg2: memref<512x512xf32, #tpu.memory_space<vmem>>, %arg3: memref<4096x512xf32, #tpu.memory_space<vmem>>) attributes {dimension_semantics = [#tpu.dimension_semantics<arbitrary>], iteration_bounds = array<i64: 2>, scalar_prefetch = 0 : i64, scratch_operands = 0 : i64, tpu.core_type = #tpu.core_type<tc>, window_params = [{transform_indices = @transform_0, window_bounds = array<i64: 4096, 512>}, {pipeline_mode = #tpu.pipeline_mode<synchronous>, transform_indices = @transform_1, window_bounds = array<i64: 512, 512>}, {transform_indices = @transform_2, window_bounds = array<i64: 4096, 512>}]} {
    %get3A = arith.constant 0 : index
    %get3A_0 = arith.constant 0 : index
    %get3A_1 = vector.load %arg1[%get3A, %get3A_0] : memref<4096x512xf32, #tpu.memory_space<vmem>>, vector<4096x512xf32>
    %get3A_2 = arith.constant 0 : index
    %get3A_3 = arith.constant 0 : index
    %get3A_4 = vector.load %arg2[%get3A_2, %get3A_3] : memref<512x512xf32, #tpu.memory_space<vmem>>, vector<512x512xf32>
    %dot_general3A = arith.constant dense<0.000000e+00> : vector<4096x512xf32>
    %dot_general3A_5 = tpu.matmul %get3A_1, %get3A_4, %dot_general3A {dimension_numbers = #tpu.dot_dimension_numbers<[1], [1], [0], [0], [0, 0, 1, 0], [], []>, transpose_lhs_hint = false} : vector<4096x512xf32>, vector<512x512xf32>, vector<4096x512xf32> -> vector<4096x512xf32>
    %swap3A = arith.constant 0 : index
    %swap3A_6 = arith.constant 0 : index
    %swap3A_7 = vector.load %arg3[%swap3A, %swap3A_6] : memref<4096x512xf32, #tpu.memory_space<vmem>>, vector<4096x512xf32>
    tpu.vector_store %arg3[%swap3A, %swap3A_6], %dot_general3A_5 {strides = array<i32>} : memref<4096x512xf32, #tpu.memory_space<vmem>>, vector<4096x512xf32>,
    return
  }
  func.func @transform_0(%arg0: i32) -> (i32, i32) {
    %c0_i32 = arith.constant 0 : i32
    %c0_i32_0 = arith.constant 0 : i32
    return %arg0, %c0_i32 : i32, i32
  }
  func.func @transform_1(%arg0: i32) -> (i32, i32) {
    %c0_i32 = arith.constant 0 : i32
    %c0_i32_0 = arith.constant 0 : i32
    %c0_i32_1 = arith.constant 0 : i32
    return %c0_i32, %c0_i32_0 : i32, i32
  }
  func.func @transform_2(%arg0: i32) -> (i32, i32) {
    %c0_i32 = arith.constant 0 : i32
    %c0_i32_0 = arith.constant 0 : i32
    return %arg0, %c0_i32 : i32, i32
  }
}

module attributes {stable_mosaic.version = 14 : i64} {
  func.func @_sim_kernel(%arg0: memref<512x16xf32, #tpu.memory_space<vmem>>, %arg1: memref<16x16xf32, #tpu.memory_space<vmem>>, %arg2: memref<1x16xf32, #tpu.memory_space<vmem>>, %arg3: memref<16x16xf32, #tpu.memory_space<vmem>>, %arg4: memref<1x16xf32, #tpu.memory_space<vmem>>, %arg5: memref<512x512xf32, #tpu.memory_space<vmem>>) attributes {dimension_semantics = [], scalar_prefetch = 0 : i64, scratch_operands = 0 : i64, tpu.core_type = #tpu.core_type<tc>} {
    %get3A = arith.constant 0 : index
    %get3A_0 = arith.constant 0 : index
    %get3A_1 = vector.load %arg0[%get3A, %get3A_0] : memref<512x16xf32, #tpu.memory_space<vmem>>, vector<512x16xf32>
    %get3A_2 = arith.constant 0 : index
    %get3A_3 = arith.constant 0 : index
    %get3A_4 = vector.load %arg1[%get3A_2, %get3A_3] : memref<16x16xf32, #tpu.memory_space<vmem>>, vector<16x16xf32>
    %dot_general3A = arith.constant dense<0.000000e+00> : vector<512x16xf32>
    %dot_general3A_5 = tpu.matmul %get3A_1, %get3A_4, %dot_general3A {dimension_numbers = #tpu.dot_dimension_numbers<[1], [1], [0], [0], [0, 0, 1, 0], [], []>, transpose_lhs_hint = false} : vector<512x16xf32>, vector<16x16xf32>, vector<512x16xf32> -> vector<512x16xf32>
    %get3A_6 = arith.constant 0 : index
    %get3A_7 = arith.constant 0 : index
    %get3A_8 = vector.load %arg2[%get3A_6, %get3A_7] : memref<1x16xf32, #tpu.memory_space<vmem>>, vector<1x16xf32>
    %add3A = vector.broadcast %get3A_8 : vector<1x16xf32> to vector<512x16xf32>
    %add3A_9 = arith.addf %dot_general3A_5, %add3A : vector<512x16xf32>
    %get3A_10 = arith.constant 0 : index
    %get3A_11 = arith.constant 0 : index
    %get3A_12 = vector.load %arg3[%get3A_10, %get3A_11] : memref<16x16xf32, #tpu.memory_space<vmem>>, vector<16x16xf32>
    %dot_general3A_13 = arith.constant dense<0.000000e+00> : vector<512x16xf32>
    %dot_general3A_14 = tpu.matmul %get3A_1, %get3A_12, %dot_general3A_13 {dimension_numbers = #tpu.dot_dimension_numbers<[1], [1], [0], [0], [0, 0, 1, 0], [], []>, transpose_lhs_hint = false} : vector<512x16xf32>, vector<16x16xf32>, vector<512x16xf32> -> vector<512x16xf32>
    %get3A_15 = arith.constant 0 : index
    %get3A_16 = arith.constant 0 : index
    %get3A_17 = vector.load %arg4[%get3A_15, %get3A_16] : memref<1x16xf32, #tpu.memory_space<vmem>>, vector<1x16xf32>
    %add3A_18 = vector.broadcast %get3A_17 : vector<1x16xf32> to vector<512x16xf32>
    %add3A_19 = arith.addf %dot_general3A_14, %add3A_18 : vector<512x16xf32>
    %dot_general3A_20 = arith.constant dense<0.000000e+00> : vector<512x512xf32>
    %dot_general3A_21 = tpu.matmul %add3A_9, %add3A_19, %dot_general3A_20 {dimension_numbers = #tpu.dot_dimension_numbers<[1], [1], [0], [0], [0, 0, 1, 0], [], []>, transpose_lhs_hint = false} : vector<512x16xf32>, vector<512x16xf32>, vector<512x512xf32> -> vector<512x512xf32>
    %iota3A = tpu.iota {dimensions = array<i32: 0>} : vector<512x512xi32>
    %iota3A_22 = tpu.iota {dimensions = array<i32: 1>} : vector<512x512xi32>
    %eq3A = arith.cmpi eq, %iota3A, %iota3A_22 : vector<512x512xi32>
    %jit3A = arith.constant -1.000000e+09 : f32
    %broadcast_in_dim3A = vector.broadcast %jit3A : f32 to vector<512x512xf32>
    %select_n3A = arith.select %eq3A, %broadcast_in_dim3A, %dot_general3A_21 : vector<512x512xi1>, vector<512x512xf32>
    %swap3A = arith.constant 0 : index
    %swap3A_23 = arith.constant 0 : index
    %swap3A_24 = vector.load %arg5[%swap3A, %swap3A_23] : memref<512x512xf32, #tpu.memory_space<vmem>>, vector<512x512xf32>
    tpu.vector_store %arg5[%swap3A, %swap3A_23], %select_n3A {strides = array<i32>} : memref<512x512xf32, #tpu.memory_space<vmem>>, vector<512x512xf32>,
    return
  }
}

</mosaic_0001>

<sc_bundles>
// kernel: kernel.5.cloned.1.call-start
scs
__scs_entry_jumppad:
0x0: {  	(pc) =	sbr.rel $0x88, $3  }
0x1: {  	(tag) =	ssettag $0x0;
	lr =	simm.s32 $0x1  }
0x2: {  	[smem:$0x3F9B] =	sst lr;
	_ =	strace $0xD0000000  }
0x3: {  	_ = 	snop  }
0x4: {  	_ = 	snop  }
0x5: {  	_ = 	snop  }
0x6: {  	_ = 	snop  }
0x7: {  	_ = 	snop  }
__scs_overlays_trampoline_lowered:
0x8: {  	[smem:$0x3FAA] =	sst s0  }
0x9: {  	[smem:$0x3FAB] =	sst s1  }
0xa: {  	[smem:$0x3FAC] =	sst s2  }
0xb: {  	[smem:$0x3FAD] =	sst s3  }
0xc: {  	[smem:$0x3FAE] =	sst s4  }
0xd: {  	[smem:$0x3FAF] =	sst s5  }
0xe: {  	[smem:$0x3FB0] =	sst s6  }
0xf: {  	[smem:$0x3FB1] =	sst s7  }
0x10: {  	[smem:$0x3FB2] =	sst s8  }
0x11: {  	[smem:$0x3FB3] =	sst s9;
	s0 =	simm.s32 @!p0 $0x0  }
0x12: {  	s1 =	sld [smem:$0x3F99];
	s0 =	simm.s32 @p0 $0x1  }
0x13: {  	[smem:$0x3FB4] =	sst s0;
	s0 =	simm.s32 @!p1 $0x0  }
0x14: {  	s2 =	sld [smem:$0x3F98];
	s0 =	simm.s32 @p1 $0x1  }
0x15: {  	[smem:$0x3FB5] =	sst s0;
	s0 =	simm.s32 @!p2 $0x0  }
0x16: {  	s3 =	sld [smem:$0x3FDB];
	s0 =	simm.s32 @p2 $0x1  }
0x17: {  	s4 =	simm.s32 $0x1BF5;
	[smem:$0x3FB7] =	sst s0  }
0x18: {  	s0 =	sld [smem:$0x3F9A];
	_ =	swait.ge [sflag:s4], $0x0  }
0x19: {  	s7 =	sld [smem:$0x3F9B]  }
0x1a: {  	s8 =	sadd.s32 $0xFFFFE003, lr  }
0x1b: {  	s9 =	sadd.s32 $0xFFFFFEF7, lr;
	s5 =	simm.s32 $0xFFFFFFFF;
	p2 =	slt.u32 s8, $0xFFFFF086  }
0x1c: {  	p1 =	slt.u32 s9, $0xF7A;
	s5 =	simm.s32 @!p2 $0x0  }
0x1d: {  	s5 =	simm.s32 @p1 $0x1;
	p0 =	seq.s32 s7, s2  }
0x1e: {  	s7 =	smul.u32 @!p0 $0xF7A, s2;
	p2 =	seq.s32 @!p0 s5, $0x0  }
0x1f: {  	s9 =	smul.u32 $0xF7A, s1;
	s8 =	simm.s32 @!p0 $0x1BF5;
	p2 =	por !p2, p0  }
0x20: {  	[sflag:s8] =	ssyncset.s32 @!p0 $0xFFFFF086;
	s6 =	sadd.s32 @!p0 s3, s7;
	s7 =	simm.s32 @!p0 $0x108  }
0x21: {  	s3 =	sadd.s32 s3, s9;
	s6 =	sadd.s32 @!p0 $0x88, s6;
	s7 =	simm.s32 @p2 $0x1082  }
0x22: {  	[simem:s7], [sflag:s8] =	dma.local @!p0 [hbm:s6], $0xF7A  }
0x23: {  	s9 =	sor.u32 $0xD0000000, s2;
	s6 =	simm.s32 $0x108;
	_ =	swait.ge @!p0 [sflag:s8], $0x0  }
0x24: {  	s3 =	sadd.s32 $0x88, s3;
	s6 =	simm.s32 @!p1 $0x1082;
	[sflag:s4] =	ssyncset.s32 $0xFFFFF086  }
0x25: {  	[simem:s6], [sflag:s4] =	dma.local [hbm:s3], $0xF7A  }
0x26: {  	[smem:$0x3F9B] =	sst s1;
	(tag) =	ssettag s2;
	_ =	strace s9  }
0x27: {  	s1 =	sld [smem:$0x3FAB]  }
0x28: {  	s2 =	sld [smem:$0x3FAC]  }
0x29: {  	s4 =	sld [smem:$0x3FAE]  }
0x2a: {  	p0 =	seq.s32 s5, $0x0;
	s5 =	sld [smem:$0x3FAF]  }
0x2b: {  	s6 =	sld [smem:$0x3FB0]  }
0x2c: {  	s7 =	sld [smem:$0x3FB1]  }
0x2d: {  	s3 =	simm.s32 $0x108;
	s8 =	sld [smem:$0x3FB2]  }
0x2e: {  	s3 =	simm.s32 @!p0 $0x1082;
	s9 =	sld [smem:$0x3FB3]  }
0x2f: {  	lr =	sadd.s32 s0, s3;
	s0 =	sld [smem:$0x3FAA]  }
0x30: {  	s3 =	sld [smem:$0x3FAD]  }
0x31: {  	[smem:$0x3FB6] =	sst s10  }
0x32: {  	s10 =	sld [smem:$0x3FB4];
	_ =	sdelay $0x3  }
0x33: {  	p0 =	seq.s32 s10, $0x1;
	s10 =	sld [smem:$0x3FB6];
	_ =	sdelay $0x3  }
0x34: {  	[smem:$0x3FB6] =	sst s10  }
0x35: {  	s10 =	sld [smem:$0x3FB5];
	_ =	sdelay $0x3  }
0x36: {  	p1 =	seq.s32 s10, $0x1;
	s10 =	sld [smem:$0x3FB6];
	_ =	sdelay $0x3  }
0x37: {  	[smem:$0x3FB6] =	sst s10  }
0x38: {  	s10 =	sld [smem:$0x3FB7]  }
0x39: {  	_ = 	snop;
	(pc) =	sbr.ind lr, $3  }
0x3a: {  	_ = 	snop  }
0x3b: {  	_ = 	snop  }
0x3c: {  	p2 =	seq.s32 s10, $0x1;
	s10 =	sld [smem:$0x3FB6]  }
0x3d: {  	_ =	shalt  }
0x3e: {  	_ =	shalt  }
0x3f: {  	_ =	shalt  }
0x40: {  	_ =	shalt  }
0x41: {  	_ =	shalt  }
0x42: {  	_ =	shalt  }
0x43: {  	_ =	shalt  }
0x44: {  	_ =	shalt  }
0x45: {  	_ =	shalt  }
0x46: {  	_ =	shalt  }
0x47: {  	_ =	shalt  }
0x48: {  	_ =	shalt  }
0x49: {  	_ =	shalt  }
0x4a: {  	_ =	shalt  }
0x4b: {  	_ =	shalt  }
0x4c: {  	_ =	shalt  }
0x4d: {  	_ =	shalt  }
0x4e: {  	_ =	shalt  }
0x4f: {  	_ =	shalt  }
0x50: {  	_ =	shalt  }
0x51: {  	_ =	shalt  }
0x52: {  	_ =	shalt  }
0x53: {  	_ =	shalt  }
0x54: {  	_ =	shalt  }
0x55: {  	_ =	shalt  }
0x56: {  	_ =	shalt  }
0x57: {  	_ =	shalt  }
0x58: {  	_ =	shalt  }
0x59: {  	_ =	shalt  }
0x5a: {  	_ =	shalt  }
0x5b: {  	_ =	shalt  }
0x5c: {  	_ =	shalt  }
0x5d: {  	_ =	shalt  }
0x5e: {  	_ =	shalt  }
0x5f: {  	_ =	shalt  }
0x60: {  	_ =	shalt  }
0x61: {  	_ =	shalt  }
0x62: {  	_ =	shalt  }
0x63: {  	_ =	shalt  }
0x64: {  	_ =	shalt  }
0x65: {  	_ =	shalt  }
0x66: {  	_ =	shalt  }
0x67: {  	_ =	shalt  }
0x68: {  	_ =	shalt  }
0x69: {  	_ =	shalt  }
0x6a: {  	_ =	shalt  }
0x6b: {  	_ =	shalt  }
0x6c: {  	_ =	shalt  }
0x6d: {  	_ =	shalt  }
0x6e: {  	_ =	shalt  }
0x6f: {  	_ =	shalt  }
0x70: {  	_ =	shalt  }
0x71: {  	_ =	shalt  }
0x72: {  	_ =	shalt  }
0x73: {  	_ =	shalt  }
0x74: {  	_ =	shalt  }
0x75: {  	_ =	shalt  }
0x76: {  	_ =	shalt  }
0x77: {  	_ =	shalt  }
0x78: {  	_ =	shalt  }
0x79: {  	_ =	shalt  }
0x7a: {  	_ =	shalt  }
0x7b: {  	_ =	shalt  }
0x7c: {  	_ =	shalt  }
0x7d: {  	_ =	shalt  }
0x7e: {  	_ =	shalt  }
0x7f: {  	_ =	shalt  }
0x80: {  	_ =	shalt  }
0x81: {  	_ =	shalt  }
0x82: {  	_ =	shalt  }
0x83: {  	_ =	shalt  }
0x84: {  	_ =	shalt  }
0x85: {  	_ =	shalt  }
0x86: {  	_ =	shalt  }
0x87: {  	_ =	shalt  }
.Lfunc_end0:
.L_simem_size_0:
called_computation_lowered:
.L_overlay_start_0:
0x88: {  	s2 =	sld [smem:$0x3FD9]  }
0x89: {  	s3 =	sld [smem:$0x3FFE];
	_ =	sdelay $0x1  }
0x8a: {  	s1 =	srdreg.scid  }
0x8b: {  	s0 =	sand.u32 $0x1, s1  }
0x8c: {  	s17 =	sshll.u32 s0, $0xA;
	s2 =	sadd.s32 s3, s2  }
0x8d: {  	s2 =	sadd.s32 s2, s17  }
0x8e: {  	[smem:$0x3FC2] =	sst s2  }
0x8f: {  	_ = 	snop  }
0x90: {  	s2 =	sld [smem:$0x3FD0];
	(tm) =	ssettm $0x1  }
0x91: {  	s18 =	sld [smem:$0x3FFB];
	_ =	sdelay $0x3  }
0x92: {  	_ =	strace s18  }
0x93: {  	s3 =	sld [smem:$0x3FFC];
	_ =	sdelay $0x3  }
0x94: {  	_ =	strace s3  }
0x95: {  	s3 =	sld [smem:$0x3FFD];
	_ =	sdelay $0x3  }
0x96: {  	_ =	strace s3  }
0x97: {  	_ =	strace $0x8FFFFFFF  }
0x98: {  	s19 =	sld [smem:$0x3FDB];
	_ =	sdelay $0x1  }
0x99: {  	s4 =	simm.s32 $_scs_section_size  }
0x9a: {  	s5 =	simm.s32 $_size__tile_overlayer_lowered;
	s6 =	simm.s32 $_tile_overlayer_lowered  }
0x9b: {  	s22 =	simm.s32 $0x1BFF;
	s21 =	sshll.u32 s6, $0x1;
	s3 =	sadd.s32 s4, s19  }
0x9c: {  	s7 =	simm.s32 $0x0;
	s20 =	sshll.u32 s5, $0x1;
	s5 =	sadd.s32 s21, s3  }
0x9d: {  	[timem:s7], [sflag:s22] =	dma.local [hbm:s5], s20  }
0x9e: {  	_ =	swait.ge [sflag:s22], s20  }
0x9f: {  	s4 =	ssub.s32 $0x0, s20;
	[sflag:s22] =	ssyncset.done $0x0  }
0xa0: {  	[sflag:s22] =	ssyncadd.s32 s4;
	_ =	sdelay $0x1  }
0xa1: {  	s23 =	simm.s32 $0x1B8B  }
0xa2: {  	_ =	swait.ge [sflag:s23], $0x1  }
0xa3: {  	[sflag:s23] =	ssyncset.done $0x0  }
0xa4: {  	s25 =	simm.s32 $0x1B8E;
	s24 =	sld [smem:$0x3FFE];
	[sflag:s23] =	ssyncadd.s32 $0xFFFFFFFF  }
0xa5: {  	s26 =	simm.s32 $execute0_lowered;
	[smem:$0x3FD2] =	sst s25  }
0xa6: {  	s5 =	sshll.u32 s26, $0x1;
	_ =	strace $0x80000046;
	[dreg:$0x1] =	wrdreg $0xFFFFFFFF  }
0xa7: {  	s28 =	simm.s32 $_size_execute0_lowered;
	s3 =	sadd.s32 s3, s5;
	[dreg:$0x0] =	wrdreg $0x0  }
0xa8: {  	s5 =	sshll.u32 s28, $0x1;
	[dreg:$0x2] =	wrdreg s3  }
0xa9: {  	[dreg:$0x3] =	wrdreg s5  }
0xaa: {  	[dreg:$0x4] =	wrdreg $0xC0  }
0xab: {  	_ =	task [dreg:s7], $0x5FFFF  }
0xac: {  	[dreg:$0x1] =	wrdreg $0xFFFFFFFF  }
0xad: {  	[dreg:$0x0] =	wrdreg $0x60  }
0xae: {  	[dreg:$0x2] =	wrdreg s2  }
0xaf: {  	[dreg:$0x3] =	wrdreg s24  }
0xb0: {  	[dreg:$0x4] =	wrdreg $0x9  }
0xb1: {  	_ =	task.clear_ibuf [dreg:s7], $0x5FFFF;
	_ =	strace $0x90000046  }
0xb2: {  	s29 =	simm.s32 $0x9;
	_ =	strace $0x80000048  }
0xb3: {  	_ =	swait.ge [sflag:s29], $0x1  }
0xb4: {  	[sflag:s29] =	ssyncadd.s32 $0xFFFFFFFF  }
0xb5: {  	_ =	strace $0x90000048  }
0xb6: {  	_ =	sfence  }
0xb7: {  	s30 =	sld [smem:$0x0];
	_ =	sdelay $0x2  }
0xb8: {  	s31 =	sshll.u32 s1, $0xD;
	s1 =	sshrl.u32 s1, $0x2  }
0xb9: {  	s3 =	sand.u32 $0x4000, s31;
	s1 =	sadd.s32 s1, s30  }
0xba: {  	s0 =	sor.u32 s3, s0;
	s1 =	sshll.u32 s1, $0x11  }
0xbb: {  	s0 =	sor.u32 s1, s0  }
0xbc: {  	s0 =	sadd.s32 $0x8F2B, s0  }
0xbd: {  	[sflag:s0] =	ssyncadd.remote.s32 $0x1  }
0xbe: {  	_ =	sfence.sel $0xFFFF  }
0xbf: {  	[dreg:$0x0] =	wrdreg $0xFFFFFFFF;
	(pc) =	sbr.abs _section_cstart, $3  }
0xc0: {  	[dreg:$0x1] =	wrdreg $0xFFFFFFFF  }
0xc1: {  	_ =	task.clear_ibuf [dreg:s7], $0x2FFFF;
	_ =	strace $0x9FFFFFFF  }
0xc2: {  	(tm) =	ssettm $0x7FFFFFFF  }
0xc3: {  	_ =	shalt  }
tec
execute0_lowered:
.L_overlay_start_1:
0x0: {  	(tag) =	ssettag $0x1  }
0x1: {  	v0 =	vlaneseq.u32  }
0x2: {  	vm0 =	vmmov $0xff;
	v3 =	vor.u32 $0x10, v0  }
0x3: {  	v4 =	vor.u32 $0x20, v0;
	v5 =	vor.u32 $0x30, v0;
	v6 =	vor.u32 $0x40, v0  }
0x4: {  	v7 =	vor.u32 $0x50, v0;
	v8 =	vor.u32 $0x60, v0;
	v9 =	vor.u32 $0x70, v0  }
0x5: {  	s3 =	rddreg [dreg:$0x0];
	v10 =	vor.u32 $0x80, v0;
	v11 =	vor.u32 $0x90, v0;
	v12 =	vor.u32 $0xA0, v0  }
0x6: {  	s4 =	rddreg [dreg:$0x1];
	v13 =	vor.u32 $0xB0, v0;
	v14 =	vor.u32 $0xC0, v0;
	v15 =	vor.u32 $0xD0, v0  }
0x7: {  	s0 =	rddreg [dreg:$0x2];
	s5 =	srdreg.scid;
	v16 =	vor.u32 $0xE0, v0;
	v17 =	vor.u32 $0xF0, v0;
	v18 =	vor.u32 $0x100, v0  }
0x8: {  	s2 =	simm.s32 $0x0;
	s1 =	stileid.u32;
	s8 =	simm.s32 $0x0;
	v19 =	vor.u32 $0x110, v0;
	v20 =	vor.u32 $0x120, v0;
	v21 =	vor.u32 $0x130, v0  }
0x9: {  	s5 =	sand.u32 $0x1, s5;
	v22 =	vor.u32 $0x140, v0;
	s6 =	sshll.u32 s1, $0xB;
	v23 =	vor.u32 $0x150, v0;
	[smem:$0x7FF] =	sst s2;
	v1 =	vor.u32 $0x1E0, v0  }
0xa: {  	v33 =	vimm.f32 $0.0e+00;
	v24 =	vor.u32 $0x160, v0;
	v2 =	vor.u32 $0x1B0, v0;
	s7 =	sshll.u32 s5, $0xA;
	s5 =	ssub.s32 $0x2, s5;
	_ =	strace $0x80000047;
	[tilespmem:$0x1FFC0] =	vst v1  }
0xb: {  	v25 =	vor.u32 $0x170, v0;
	v30 =	vor.u32 $0x1C0, v0;
	v32 =	vmul.u32 $0xFFFFFFFF, v0;
	[tilespmem:$0x1FFE0] =	vst v2;
	s6 =	sor.u32 s7, s6;
	s31 =	sshrl.u32 s5, $0x1;
	s7 =	simm.s32 $0x2000  }
0xc: {  	v26 =	vor.u32 $0x180, v0;
	v27 =	vor.u32 $0x190, v0;
	v1 =	vor.u32 $0x1F0, v0;
	[tilespmem:$0x1FFF0] =	vst v30;
	s4 =	sadd.s32 s6, s4;
	s5 =	ssub.s32 s5, s31;
	s3 =	sadd.s32 s3, s6  }
0xd: {  	v28 =	vor.u32 $0x1A0, v0;
	v29 =	vor.u32 $0x1D0, v0;
	[tilespmem:$0x1FFD0] =	vst v1;
	v32 =	vadd.s32 $0xF, v32;
	s6 =	simm.s32 $0x1;
	s4 =	sadd.s32 $0x1200, s4;
	s5 =	smax.u32 s5, $0x1  }
.LBB2_1:
0xe: {  	[tilespmem:s2], [sflag:$0x1] =	stream.linear.gather [hbm4b:s3+s2], $0x2000, $0x38;
	[tilespmem:$0x4000] =	vst v63  }
0xf: {  	s9 =	simm.s32 $0x80;
	s10 =	simm.s32 $0x0;
	_ =	swait.ge [sflag:s6], $0x2000  }
0x10: {  	s11 =	simm.s32 $0x0;
	s12 =	simm.s32 $0x0;
	[sflag:s6] =	ssyncset.done $0x0  }
0x11: {  	s13 =	simm.s32 $0x0;
	s14 =	simm.s32 $0x0;
	[sflag:s6] =	ssyncadd.s32 $0xFFFFE000  }
.LBB2_2:
0x12: {  	s15 =	sand.u32 $0x1000, s11;
	s16 =	sand.u32 $0x300, s13  }
0x13: {  	s16 =	sor.u32 s16, s15  }
0x14: {  	v34 =	vld [tilespmem:s16+$0x0]  }
0x15: {  	v35 =	vld [tilespmem:s16+$0x10]  }
0x16: {  	v36 =	vld [tilespmem:s16+$0x20]  }
0x17: {  	v37 =	vld [tilespmem:s16+$0x30]  }
0x18: {  	v38 =	vld [tilespmem:s16+$0x40]  }
0x19: {  	v44 =	vld [tilespmem:s16+$0x50];
	(xrf1) =	vsort.dscd.msk.f32 $0xffff, v34, v0  }
0x1a: {  	v45 =	vld [tilespmem:s16+$0x60];
	(xrf1) =	vsort.dscd.msk.f32 $0xffff, v35, v3  }
0x1b: {  	v46 =	vld [tilespmem:s16+$0x70];
	(xrf1) =	vsort.dscd.msk.f32 $0xffff, v36, v4  }
0x1c: {  	v47 =	vld [tilespmem:s16+$0x400];
	(xrf1) =	vsort.dscd.msk.f32 $0xffff, v37, v5  }
0x1d: {  	v48 =	vld [tilespmem:s16+$0x410];
	(xrf1) =	vsort.dscd.msk.f32 $0xffff, v38, v6  }
0x1e: {  	v49 =	vld [tilespmem:s16+$0x420];
	(xrf1) =	vsort.dscd.msk.f32 $0xffff, v44, v7  }
0x1f: {  	v50 =	vld [tilespmem:s16+$0x430];
	(xrf1) =	vsort.dscd.msk.f32 $0xffff, v45, v8  }
0x20: {  	v51 =	vld [tilespmem:s16+$0x440];
	(xrf1) =	vsort.dscd.msk.f32 $0xffff, v46, v9  }
0x21: {  	v52 =	vld [tilespmem:s16+$0x450];
	(xrf1) =	vsort.dscd.msk.f32 $0xffff, v47, v10  }
0x22: {  	v53 =	vld [tilespmem:s16+$0x460];
	(xrf1) =	vsort.dscd.msk.f32 $0xffff, v48, v11  }
0x23: {  	v54 =	vld [tilespmem:s16+$0x470];
	(xrf1) =	vsort.dscd.msk.f32 $0xffff, v49, v12  }
0x24: {  	v55 =	vld [tilespmem:s16+$0x800];
	(xrf1) =	vsort.dscd.msk.f32 $0xffff, v50, v13  }
0x25: {  	v56 =	vld [tilespmem:s16+$0x810];
	(xrf1) =	vsort.dscd.msk.f32 $0xffff, v51, v14  }
0x26: {  	v57 =	vld [tilespmem:s16+$0x820];
	(xrf1) =	vsort.dscd.msk.f32 $0xffff, v52, v15  }
0x27: {  	v58 =	vld [tilespmem:s16+$0x830];
	(xrf1) =	vsort.dscd.msk.f32 $0xffff, v53, v16  }
0x28: {  	s17 =	sand.u32 $0x3, s10;
	v59 =	vld [tilespmem:s16+$0x840];
	v39, v40, _ =	vpop (xrf1);
	(xrf1) =	vsort.dscd.msk.f32 $0xffff, v54, v17  }
0x29: {  	s17 =	sshll.u32 s17, $0x8;
	v60 =	vld [tilespmem:s16+$0x850];
	v41, v42, _ =	vpop (xrf1);
	(xrf1) =	vsort.dscd.msk.f32 $0xffff, v55, v18  }
0x2a: {  	s24 =	sadd.s32 s17, s11;
	v61 =	vld [tilespmem:s16+$0x860];
	v43, v44, _ =	vpop (xrf1);
	(xrf1) =	vsort.dscd.msk.f32 $0xffff, v56, v19  }
0x2b: {  	v62 =	vld [tilespmem:s16+$0x870];
	s17 =	sor.u32 $0xC00, s24;
	v45, v46, _ =	vpop (xrf1);
	(xrf1) =	vsort.dscd.msk.f32 $0xffff, v57, v20  }
0x2c: {  	s18 =	sor.u32 $0xC10, s24;
	v63 =	vld [tilespmem:s17+$0x0];
	v47, v48, _ =	vpop (xrf1);
	(xrf1) =	vsort.dscd.msk.f32 $0xffff, v58, v21  }
0x2d: {  	s19 =	sor.u32 $0xC20, s24;
	v34 =	vld [tilespmem:s18+$0x0];
	v49, v50, _ =	vpop (xrf1);
	(xrf1) =	vsort.dscd.msk.f32 $0xffff, v59, v22  }
0x2e: {  	s20 =	sor.u32 $0xC30, s24;
	v35 =	vld [tilespmem:s19+$0x0];
	v51, v52, _ =	vpop (xrf1);
	(xrf1) =	vsort.dscd.msk.f32 $0xffff, v60, v23  }
0x2f: {  	s21 =	sor.u32 $0xC40, s24;
	v36 =	vld [tilespmem:s20+$0x0];
	v53, v54, _ =	vpop (xrf1);
	(xrf1) =	vsort.dscd.msk.f32 $0xffff, v61, v24  }
0x30: {  	v37 =	vld [tilespmem:s21+$0x0];
	v55, v56, _ =	vpop (xrf1);
	(xrf1) =	vsort.dscd.msk.f32 $0xffff, v62, v25  }
0x31: {  	v57, v58, _ =	vpop (xrf1);
	(xrf1) =	vsort.dscd.msk.f32 $0xffff, v63, v26  }
0x32: {  	v31 =	vld [tilespmem:$0x1FFD0];
	s22 =	sor.u32 $0xC50, s24;
	v59, v60, _ =	vpop (xrf1);
	(xrf1) =	vsort.dscd.msk.f32 $0xffff, v34, v27  }
0x33: {  	s23 =	sor.u32 $0xC60, s24;
	v38 =	vld [tilespmem:s22+$0x0];
	(xrf1) =	vsort.dscd.msk.f32 $0xffff, v35, v28  }
0x34: {  	v34 =	vld [tilespmem:s23+$0x0];
	v61, v62, _ =	vpop (xrf1);
	(xrf1) =	vsort.dscd.msk.f32 $0xffff, v36, v2  }
0x35: {  	s24 =	sor.u32 $0xC70, s24;
	v63, v0, _ =	vpop (xrf1);
	(xrf1) =	vsort.dscd.msk.f32 $0xffff, v37, v30;
	v30 =	vld [tilespmem:$0x1FFC0]  }
0x36: {  	v41 =	vperm.xlane v41, v32;
	v42 =	vperm.xlane v42, v32;
	v35 =	vld [tilespmem:s24+$0x0]  }
0x37: {  	v46 =	vperm.xlane v46, v32;
	v50 =	vperm.xlane v50, v32  }
0x38: {  	v39 =	vsel vm0, v39, v41;
	v40 =	vsel vm0, v40, v42  }
0x39: {  	v42 =	vsel vm0, v44, v46;
	v44 =	vsel vm0, v48, v50;
	v36, v1, _ =	vpop (xrf1);
	(xrf1) =	vsort.dscd.msk.f32 $0xffff, v38, v29  }
0x3a: {  	v50 =	vperm.xlane v54, v32;
	v37, v2, _ =	vpop (xrf1);
	v1 =	vperm.xlane v1, v32;
	(xrf1) =	vsort.dscd.msk.f32 $0xffff, v34, v30  }
0x3b: {  	v54 =	vperm.xlane v61, v32;
	v34, v38, _ =	vpop (xrf1);
	(xrf1) =	vsort.dscd.msk.f32 $0xffff, v35, v31;
	v35 =	vperm.xlane v45, v32  }
0x3c: {  	v36 =	vperm.xlane v36, v32;
	v0 =	vsel vm0, v0, v1;
	v1 =	vperm.xlane v38, v32  }
0x3d: {  	v35 =	vsel vm0, v43, v35;
	v43 =	vperm.xlane v49, v32;
	v49 =	vperm.xlane v53, v32  }
0x3e: {  	v41, v45, _ =	vpop (xrf1);
	(xrf1) =	vsort.dscd.msk.f32 $0xffff, v39, v40;
	v53 =	vperm.xlane v58, v32;
	v58 =	vperm.xlane v62, v32  }
0x3f: {  	v43 =	vsel vm0, v47, v43;
	v47 =	vsel vm0, v52, v50;
	v52 =	vperm.xlane v57, v32  }
0x40: {  	v39, v40, _ =	vpop (xrf1);
	(xrf1) =	vsort.dscd.msk.f32 $0xffff, v35, v42;
	v35 =	vsel vm0, v51, v49;
	v49 =	vsel vm0, v56, v53  }
0x41: {  	v42, v46, _ =	vpop (xrf1);
	v51 =	vsel vm0, v60, v58;
	(xrf1) =	vsort.dscd.msk.f32 $0xffff, v43, v44;
	v48 =	vsel vm0, v55, v52  }
0x42: {  	v36 =	vsel vm0, v63, v36;
	v43, v44, _ =	vpop (xrf1);
	(xrf1) =	vsort.dscd.msk.f32 $0xffff, v35, v47;
	v35 =	vsel vm0, v59, v54  }
0x43: {  	v1 =	vsel vm0, v2, v1;
	v2 =	vperm.xlane v39, v32;
	v57, v50, _ =	vpop (xrf1);
	(xrf1) =	vsort.dscd.msk.f32 $0xffff, v48, v49  }
0x44: {  	v34 =	vperm.xlane v34, v32;
	v62 =	vperm.xlane v40, v32;
	v48, v49, _ =	vpop (xrf1);
	(xrf1) =	vsort.dscd.msk.f32 $0xffff, v35, v51  }
0x45: {  	v2 =	vsel vm0, v41, v2;
	v35, v51, _ =	vpop (xrf1);
	(xrf1) =	vsort.dscd.msk.f32 $0xffff, v36, v0  }
0x46: {  	v0 =	vsel vm0, v37, v34;
	v37 =	vsel vm0, v45, v62;
	v45 =	vperm.xlane v44, v32  }
0x47: {  	v48 =	vperm.xlane v48, v32;
	v61, v60, _ =	vpop (xrf1);
	(xrf1) =	vsort.dscd.msk.f32 $0xffff, v0, v1;
	v0 =	vperm.xlane v43, v32  }
0x48: {  	v52 =	vperm.xlane v49, v32;
	v1, v63, _ =	vpop (xrf1);
	(xrf1) =	vsort.dscd.msk.f32 $0xffff, v2, v37;
	v39 =	vsel vm0, v46, v45  }
0x49: {  	v40 =	vsel vm0, v57, v48;
	v36 =	vperm.xlane v60, v32;
	v0 =	vsel vm0, v42, v0  }
0x4a: {  	v41 =	vsel vm0, v50, v52;
	v2, v37, _ =	vpop (xrf1);
	(xrf1) =	vsort.dscd.msk.f32 $0xffff, v0, v39;
	v0 =	vperm.xlane v61, v32  }
0x4b: {  	v36 =	vsel vm0, v51, v36;
	v54, v53, _ =	vpop (xrf1);
	(xrf1) =	vsort.dscd.msk.f32 $0xffff, v40, v41  }
0x4c: {  	v2 =	vperm.xlane v2, v32;
	v37 =	vperm.xlane v37, v32;
	v0 =	vsel vm0, v35, v0  }
0x4d: {  	v56, v55, _ =	vpop (xrf1);
	(xrf1) =	vsort.dscd.msk.f32 $0xffff, v0, v36  }
0x4e: {  	v58, v57, _ =	vpop (xrf1);
	v1 =	vsel vm0, v1, v2;
	v2 =	vsel vm0, v63, v37;
	v35 =	vperm.xlane v56, v32  }
0x4f: {  	(xrf1) =	vsort.dscd.msk.f32 $0xffff, v1, v2;
	v1 =	vperm.xlane v55, v32;
	v0, v36, _ =	vpop (xrf1)  }
0x50: {  	v34 =	vsel vm0, v54, v35;
	v37, v38, _ =	vpop (xrf1)  }
0x51: {  	v0 =	vperm.xlane v0, v32;
	v60 =	vperm.xlane v36, v32;
	v1 =	vsel vm0, v53, v1;
	v2, v59, _ =	vpop (xrf1)  }
0x52: {  	(xrf1) =	vsort.dscd.msk.f32 $0xffff, v34, v1;
	v61 =	vperm.xlane v59, v32  }
0x53: {  	v2 =	vperm.xlane v2, v32;
	v0 =	vsel vm0, v58, v0;
	v1 =	vsel vm0, v57, v60  }
0x54: {  	(xrf1) =	vsort.dscd.msk.f32 $0xffff, v0, v1;
	v1 =	vsel vm0, v38, v61  }
0x55: {  	v0 =	vsel vm0, v37, v2  }
0x56: {  	v62, v63, _ =	vpop (xrf1)  }
0x57: {  	v2, v45, _ =	vpop (xrf1)  }
0x58: {  	(xrf1) =	vsort.dscd.msk.f32 $0xffff, v0, v1;
	v2 =	vperm.xlane v2, v32;
	v0, v1, _ =	vpop (xrf1)  }
0x59: {  	v46, v47, _ =	vpop (xrf1)  }
0x5a: {  	v36 =	vperm.xlane v45, v32;
	v2 =	vsel vm0, v62, v2;
	v48, v49, _ =	vpop (xrf1)  }
0x5b: {  	v53 =	vperm.xlane v47, v32;
	v50, v51, _ =	vpop (xrf1)  }
0x5c: {  	v52 =	vsel vm0, v63, v36;
	v37 =	vperm.xlane v46, v32;
	v54, v55, _ =	vpop (xrf1)  }
0x5d: {  	(xrf1) =	vsort.dscd.msk.f32 $0xffff, v2, v52;
	v1 =	vsel vm0, v1, v53;
	v2, v34, _ =	vpop (xrf1)  }
0x5e: {  	v0 =	vsel vm0, v0, v37;
	v34 =	vperm.xlane v34, v32  }
0x5f: {  	(xrf1) =	vsort.dscd.msk.f32 $0xffff, v0, v1;
	v58, v59, _ =	vpop (xrf1);
	v0 =	vperm.xlane v2, v32  }
0x60: {  	v56 =	vperm.xlane v50, v32;
	v57 =	vperm.xlane v51, v32;
	v1, v2, _ =	vpop (xrf1);
	v34 =	vsel vm0, v55, v34  }
0x61: {  	v60, v61, _ =	vpop (xrf1);
	v0 =	vsel vm0, v54, v0;
	v2 =	vperm.xlane v2, v32  }
0x62: {  	v35 =	vsel vm0, v48, v56;
	v37 =	vsel vm0, v49, v57;
	v1 =	vperm.xlane v1, v32;
	v62, v63, _ =	vpop (xrf1)  }
0x63: {  	(xrf1) =	vsort.dscd.msk.f32 $0xffff, v35, v37;
	v45, v46, _ =	vpop (xrf1);
	v2 =	vsel vm0, v59, v2  }
0x64: {  	(xrf1) =	vsort.dscd.msk.f32 $0xffff, v0, v34;
	v1 =	vsel vm0, v58, v1;
	v35 =	vperm.xlane v62, v32;
	v0, v34, _ =	vpop (xrf1)  }
0x65: {  	(xrf1) =	vsort.dscd.msk.f32 $0xffff, v1, v2;
	v1 =	vperm.xlane v63, v32;
	v47, v48, _ =	vpop (xrf1)  }
0x66: {  	v35 =	vsel vm0, v60, v35;
	v0 =	vperm.xlane v0, v32;
	v34 =	vperm.xlane v34, v32;
	v2, v49, _ =	vpop (xrf1)  }
0x67: {  	v1 =	vsel vm0, v61, v1;
	v2 =	vperm.xlane v2, v32;
	v36 =	vperm.xlane v49, v32  }
0x68: {  	(xrf1) =	vsort.dscd.msk.f32 $0xffff, v35, v1;
	v0 =	vsel vm0, v45, v0;
	v1 =	vsel vm0, v46, v34  }
0x69: {  	(xrf1) =	vsort.dscd.msk.f32 $0xffff, v0, v1;
	v0 =	vsel vm0, v47, v2;
	v1 =	vsel vm0, v48, v36  }
0x6a: {  	(xrf1) =	vsort.dscd.msk.f32 $0xffff, v0, v1;
	_ =	sdelay $0x6  }
0x6b: {  	v0, v1, _ =	vpop (xrf1)  }
0x6c: {  	v2, v50, _ =	vpop (xrf1)  }
0x6d: {  	v51, v52, _ =	vpop (xrf1);
	v34 =	vperm.xlane v50, v32  }
0x6e: {  	v2 =	vperm.xlane v2, v32;
	v53, v54, _ =	vpop (xrf1)  }
0x6f: {  	v55, v56, _ =	vpop (xrf1);
	v1 =	vsel vm0, v1, v34  }
0x70: {  	v0 =	vsel vm0, v0, v2;
	v2 =	vperm.xlane v53, v32;
	v57, v58, _ =	vpop (xrf1)  }
0x71: {  	(xrf1) =	vsort.dscd.msk.f32 $0xffff, v0, v1;
	v0 =	vperm.xlane v54, v32;
	v59, v60, _ =	vpop (xrf1)  }
0x72: {  	v2 =	vsel vm0, v51, v2;
	v62 =	vperm.xlane v57, v32;
	v63 =	vperm.xlane v58, v32;
	v1, v61, _ =	vpop (xrf1)  }
0x73: {  	v0 =	vsel vm0, v52, v0;
	v1 =	vperm.xlane v1, v32;
	v44 =	vperm.xlane v61, v32  }
0x74: {  	(xrf1) =	vsort.dscd.msk.f32 $0xffff, v2, v0;
	v0 =	vsel vm0, v55, v62;
	v2 =	vsel vm0, v56, v63  }
0x75: {  	(xrf1) =	vsort.dscd.msk.f32 $0xffff, v0, v2;
	v0 =	vsel vm0, v59, v1;
	v1 =	vsel vm0, v60, v44  }
0x76: {  	(xrf1) =	vsort.dscd.msk.f32 $0xffff, v0, v1;
	_ =	sdelay $0xa  }
0x77: {  	v0, v1, _ =	vpop (xrf1)  }
0x78: {  	v2, v45, _ =	vpop (xrf1)  }
0x79: {  	v46, v47, _ =	vpop (xrf1)  }
0x7a: {  	v2 =	vperm.xlane v2, v32;
	v34 =	vperm.xlane v45, v32;
	v49, v48, _ =	vpop (xrf1)  }
0x7b: {  	v37 =	vperm.xlane v49, v32;
	v38 =	vperm.xlane v48, v32  }
0x7c: {  	v0 =	vsel vm0, v0, v2;
	v1 =	vsel vm0, v1, v34  }
0x7d: {  	(xrf1) =	vsort.dscd.msk.f32 $0xffff, v0, v1;
	v0 =	vsel vm0, v46, v37;
	v1 =	vsel vm0, v47, v38  }
0x7e: {  	(xrf1) =	vsort.dscd.msk.f32 $0xffff, v0, v1;
	_ =	sdelay $0xc  }
0x7f: {  	v0, v1, _ =	vpop (xrf1)  }
0x80: {  	v2, v50, _ =	vpop (xrf1)  }
0x81: {  	v2 =	vperm.xlane v2, v32;
	v34 =	vperm.xlane v50, v32;
	_ =	sdelay $0x1  }
0x82: {  	v0 =	vsel vm0, v0, v2;
	v1 =	vsel vm0, v1, v34  }
0x83: {  	(xrf1) =	vsort.dscd.msk.f32 $0xffff, v0, v1;
	_ =	sdelay $0xd  }
0x84: {  	v0, v1, _ =	vpop (xrf1)  }
0x85: {  	(xrf0) =	vmax.scan.msk.f32 $0xffff, v0;
	_ =	sdelay $0x5  }
0x86: {  	v2, _, _ =	vpop (xrf0)  }
0x87: {  	v2 =	vbroadcast v2, $0xF;
	_ =	sdelay $0x1  }
0x88: {  	v0 =	vsub.f32 v0, v2;
	_ =	sdelay $0x1  }
0x89: {  	v0 =	vmul.f32 $1.442695020e+00, v0;
	_ =	sdelay $0x1  }
0x8a: {  	(erf) = vpow2.f32 v0;
	_ =	sdelay $0x3  }
0x8b: {  	[tilespmem:s16+$0x2000] =	vst v33  }
0x8c: {  	[tilespmem:s16+$0x2010] =	vst v33  }
0x8d: {  	[tilespmem:s16+$0x2020] =	vst v33  }
0x8e: {  	[tilespmem:s16+$0x2030] =	vst v33  }
0x8f: {  	[tilespmem:s16+$0x2040] =	vst v33  }
0x90: {  	[tilespmem:s16+$0x2050] =	vst v33;
	v0 =	vpop (erf)  }
0x91: {  	[tilespmem:s16+$0x2060] =	vst v33;
	v0 =	vnsel vm0, $0x0, v0  }
0x92: {  	[tilespmem:s16+$0x2070] =	vst v33;
	(xrf2) =	vadd.scan.msk.f32 $0xffff, v0  }
0x93: {  	[tilespmem:s16+$0x2400] =	vst v33  }
0x94: {  	[tilespmem:s16+$0x2410] =	vst v33  }
0x95: {  	[tilespmem:s16+$0x2420] =	vst v33  }
0x96: {  	[tilespmem:s16+$0x2430] =	vst v33  }
0x97: {  	[tilespmem:s16+$0x2440] =	vst v33  }
0x98: {  	[tilespmem:s16+$0x2450] =	vst v33  }
0x99: {  	[tilespmem:s16+$0x2460] =	vst v33  }
0x9a: {  	[tilespmem:s16+$0x2470] =	vst v33  }
0x9b: {  	[tilespmem:s16+$0x2800] =	vst v33  }
0x9c: {  	[tilespmem:s16+$0x2810] =	vst v33;
	v2, _, _ =	vpop (xrf2)  }
0x9d: {  	[tilespmem:s16+$0x2820] =	vst v33;
	v2 =	vbroadcast v2, $0xF  }
0x9e: {  	[tilespmem:s16+$0x2830] =	vst v33  }
0x9f: {  	[tilespmem:s16+$0x2840] =	vst v33;
	(erf) = vrcp.f32 v2  }
0xa0: {  	[tilespmem:s16+$0x2850] =	vst v33  }
0xa1: {  	[tilespmem:s16+$0x2860] =	vst v33;
	v2 =	vmov s14  }
0xa2: {  	[tilespmem:s16+$0x2870] =	vst v33;
	v52 =	vshll.u32 v1, $0x3;
	v51 =	vshll.u32 v2, $0x9  }
0xa3: {  	[tilespmem:s17+$0x2000] =	vst v33;
	v35 =	vand.u32 $0xFFFFFC00, v52;
	v2 =	vshll.u32 v2, $0x7;
	v34 =	vand.u32 $0x1000, v51  }
0xa4: {  	[tilespmem:s18+$0x2000] =	vst v33;
	v2 =	vand.u32 $0x300, v2;
	v34 =	vadd.s32 v34, v35  }
0xa5: {  	[tilespmem:s19+$0x2000] =	vst v33;
	v1 =	vand.u32 $0x7F, v1;
	v2 =	vor.u32 v2, v34  }
0xa6: {  	[tilespmem:s20+$0x2000] =	vst v33;
	v1 =	vor.u32 v1, v2  }
0xa7: {  	[tilespmem:s21+$0x2000] =	vst v33  }
0xa8: {  	[tilespmem:s22+$0x2000] =	vst v33;
	v2 =	vpop (erf)  }
0xa9: {  	s19 =	sadd.s32 $0x80, s13;
	[tilespmem:s23+$0x2000] =	vst v33;
	v0 =	vmul.f32 v2, v0  }
0xaa: {  	s16 =	sand.u32 $0x380, s19;
	[tilespmem:s24+$0x2000] =	vst v33  }
0xab: {  	s15 =	sor.u32 s15, s16;
	[tilespmem:v1+s7+$0x0] =	vst.idx.msk $0xff, v0  }
0xac: {  	v0 =	vld [tilespmem:s15+$0x0]  }
0xad: {  	v1 =	vld [tilespmem:s15+$0x10]  }
0xae: {  	v2 =	vld [tilespmem:s15+$0x20]  }
0xaf: {  	v53 =	vld [tilespmem:s15+$0x30]  }
0xb0: {  	v54 =	vld [tilespmem:s15+$0x40]  }
0xb1: {  	v55 =	vlaneseq.u32;
	v56 =	vld [tilespmem:s15+$0x400]  }
0xb2: {  	(xrf1) =	vsort.dscd.msk.f32 $0xffff, v0, v55;
	v0 =	vld [tilespmem:s15+$0x50]  }
0xb3: {  	(xrf1) =	vsort.dscd.msk.f32 $0xffff, v1, v3;
	v1 =	vld [tilespmem:s15+$0x60]  }
0xb4: {  	(xrf1) =	vsort.dscd.msk.f32 $0xffff, v2, v4;
	v2 =	vld [tilespmem:s15+$0x70]  }
0xb5: {  	v57 =	vld [tilespmem:s15+$0x410];
	(xrf1) =	vsort.dscd.msk.f32 $0xffff, v53, v5  }
0xb6: {  	v58 =	vld [tilespmem:s15+$0x450];
	(xrf1) =	vsort.dscd.msk.f32 $0xffff, v54, v6  }
0xb7: {  	(xrf1) =	vsort.dscd.msk.f32 $0xffff, v0, v7;
	v0 =	vld [tilespmem:s15+$0x420]  }
0xb8: {  	(xrf1) =	vsort.dscd.msk.f32 $0xffff, v1, v8;
	v1 =	vld [tilespmem:s15+$0x430]  }
0xb9: {  	(xrf1) =	vsort.dscd.msk.f32 $0xffff, v2, v9;
	v2 =	vld [tilespmem:s15+$0x440]  }
0xba: {  	v59 =	vld [tilespmem:s15+$0x460];
	(xrf1) =	vsort.dscd.msk.f32 $0xffff, v56, v10  }
0xbb: {  	v60 =	vld [tilespmem:s15+$0x820];
	(xrf1) =	vsort.dscd.msk.f32 $0xffff, v57, v11  }
0xbc: {  	(xrf1) =	vsort.dscd.msk.f32 $0xffff, v0, v12;
	v0 =	vld [tilespmem:s15+$0x470]  }
0xbd: {  	(xrf1) =	vsort.dscd.msk.f32 $0xffff, v1, v13;
	v1 =	vld [tilespmem:s15+$0x800]  }
0xbe: {  	(xrf1) =	vsort.dscd.msk.f32 $0xffff, v2, v14;
	v2 =	vld [tilespmem:s15+$0x810]  }
0xbf: {  	v61 =	vld [tilespmem:s15+$0x830];
	(xrf1) =	vsort.dscd.msk.f32 $0xffff, v58, v15  }
0xc0: {  	s20 =	sand.u32 $0x7, s12;
	v62 =	vld [tilespmem:s15+$0x870];
	(xrf1) =	vsort.dscd.msk.f32 $0xffff, v59, v16  }
0xc1: {  	s16 =	sshll.u32 s20, $0x7;
	v36, v37, _ =	vpop (xrf1);
	(xrf1) =	vsort.dscd.msk.f32 $0xffff, v0, v17;
	v0 =	vld [tilespmem:s15+$0x840]  }
0xc2: {  	s21 =	sadd.s32 s16, s9;
	v38, v39, _ =	vpop (xrf1);
	(xrf1) =	vsort.dscd.msk.f32 $0xffff, v1, v18;
	v1 =	vld [tilespmem:s15+$0x850]  }
0xc3: {  	s22 =	sor.u32 $0xC00, s21;
	v40, v41, _ =	vpop (xrf1);
	(xrf1) =	vsort.dscd.msk.f32 $0xffff, v2, v19;
	v2 =	vld [tilespmem:s15+$0x860]  }
0xc4: {  	s28 =	sor.u32 $0xC40, s21;
	v63 =	vld [tilespmem:s22+$0x0];
	v42, v43, _ =	vpop (xrf1);
	(xrf1) =	vsort.dscd.msk.f32 $0xffff, v60, v20  }
0xc5: {  	s16 =	sor.u32 $0xC10, s21;
	v34 =	vld [tilespmem:s28+$0x0];
	v44, v45, _ =	vpop (xrf1);
	(xrf1) =	vsort.dscd.msk.f32 $0xffff, v61, v21  }
0xc6: {  	s25 =	sor.u32 $0xC20, s21;
	v46, v47, _ =	vpop (xrf1);
	(xrf1) =	vsort.dscd.msk.f32 $0xffff, v0, v22;
	v0 =	vld [tilespmem:s16+$0x0]  }
0xc7: {  	s26 =	sor.u32 $0xC30, s21;
	v48, v49, _ =	vpop (xrf1);
	(xrf1) =	vsort.dscd.msk.f32 $0xffff, v1, v23;
	v1 =	vld [tilespmem:s25+$0x0]  }
0xc8: {  	v50, v51, _ =	vpop (xrf1);
	(xrf1) =	vsort.dscd.msk.f32 $0xffff, v2, v24;
	v2 =	vld [tilespmem:s26+$0x0]  }
0xc9: {  	v52, v53, _ =	vpop (xrf1);
	(xrf1) =	vsort.dscd.msk.f32 $0xffff, v62, v25;
	v62 =	vld [tilespmem:$0x1FFE0]  }
0xca: {  	s29 =	sor.u32 $0xC50, s21;
	v54, v55, _ =	vpop (xrf1);
	(xrf1) =	vsort.dscd.msk.f32 $0xffff, v63, v26;
	v63 =	vld [tilespmem:$0x1FFF0]  }
0xcb: {  	s30 =	sor.u32 $0xC60, s21;
	v35 =	vld [tilespmem:s29+$0x0]  }
0xcc: {  	s23 =	sor.u32 $0xC70, s21;
	v56, v57, _ =	vpop (xrf1);
	(xrf1) =	vsort.dscd.msk.f32 $0xffff, v0, v27;
	v0 =	vld [tilespmem:s30+$0x0]  }
0xcd: {  	(xrf1) =	vsort.dscd.msk.f32 $0xffff, v1, v28;
	v1 =	vld [tilespmem:s23+$0x0]  }
0xce: {  	v38 =	vperm.xlane v38, v32;
	v39 =	vperm.xlane v39, v32;
	v58, v59, _ =	vpop (xrf1);
	(xrf1) =	vsort.dscd.msk.f32 $0xffff, v2, v62  }
0xcf: {  	v60, v61, _ =	vpop (xrf1);
	(xrf1) =	vsort.dscd.msk.f32 $0xffff, v34, v63  }
0xd0: {  	v36 =	vsel vm0, v36, v38;
	v2, v62, _ =	vpop (xrf1);
	(xrf1) =	vsort.dscd.msk.f32 $0xffff, v35, v29  }
0xd1: {  	v37 =	vsel vm0, v37, v39;
	v47 =	vperm.xlane v47, v32;
	v34, v63, _ =	vpop (xrf1);
	(xrf1) =	vsort.dscd.msk.f32 $0xffff, v0, v30  }
0xd2: {  	v0, v35, _ =	vpop (xrf1);
	(xrf1) =	vsort.dscd.msk.f32 $0xffff, v1, v31;
	v1 =	vperm.xlane v42, v32;
	v42 =	vperm.xlane v43, v32  }
0xd3: {  	v46 =	vperm.xlane v46, v32;
	v38, v39, _ =	vpop (xrf1);
	(xrf1) =	vsort.dscd.msk.f32 $0xffff, v36, v37  }
0xd4: {  	v1 =	vsel vm0, v40, v1;
	v36 =	vsel vm0, v41, v42;
	v41 =	vsel vm0, v45, v47  }
0xd5: {  	v37, v40, _ =	vpop (xrf1);
	(xrf1) =	vsort.dscd.msk.f32 $0xffff, v1, v36;
	v1 =	vperm.xlane v50, v32;
	v50 =	vperm.xlane v51, v32  }
0xd6: {  	v54 =	vperm.xlane v54, v32;
	v55 =	vperm.xlane v55, v32;
	v36 =	vsel vm0, v44, v46  }
0xd7: {  	v42, v43, _ =	vpop (xrf1);
	(xrf1) =	vsort.dscd.msk.f32 $0xffff, v36, v41;
	v1 =	vsel vm0, v48, v1;
	v51 =	vsel vm0, v49, v50  }
0xd8: {  	v41, v44, _ =	vpop (xrf1);
	(xrf1) =	vsort.dscd.msk.f32 $0xffff, v1, v51;
	v1 =	vperm.xlane v58, v32  }
0xd9: {  	v58 =	vsel vm0, v52, v54;
	v52 =	vsel vm0, v53, v55;
	v53 =	vperm.xlane v59, v32  }
0xda: {  	v2 =	vperm.xlane v2, v32;
	v46, v47, _ =	vpop (xrf1);
	(xrf1) =	vsort.dscd.msk.f32 $0xffff, v58, v52  }
0xdb: {  	v1 =	vsel vm0, v56, v1;
	v54 =	vsel vm0, v57, v53;
	v57 =	vperm.xlane v62, v32  }
0xdc: {  	v0 =	vperm.xlane v0, v32;
	v35 =	vperm.xlane v35, v32;
	v55, v56, _ =	vpop (xrf1);
	(xrf1) =	vsort.dscd.msk.f32 $0xffff, v1, v54  }
0xdd: {  	v1 =	vsel vm0, v60, v2;
	v2 =	vsel vm0, v61, v57;
	v61 =	vperm.xlane v40, v32  }
0xde: {  	v0 =	vsel vm0, v34, v0;
	v51 =	vperm.xlane v44, v32;
	v60 =	vperm.xlane v37, v32  }
0xdf: {  	v36, v58, _ =	vpop (xrf1);
	(xrf1) =	vsort.dscd.msk.f32 $0xffff, v1, v2;
	v1 =	vsel vm0, v63, v35;
	v62 =	vsel vm0, v39, v61  }
0xe0: {  	v2, v59, _ =	vpop (xrf1);
	(xrf1) =	vsort.dscd.msk.f32 $0xffff, v0, v1;
	v0 =	vperm.xlane v41, v32;
	v1 =	vsel vm0, v38, v60  }
0xe1: {  	v54 =	vperm.xlane v55, v32;
	v55 =	vperm.xlane v56, v32;
	v50, v63, _ =	vpop (xrf1);
	(xrf1) =	vsort.dscd.msk.f32 $0xffff, v1, v62  }
0xe2: {  	v1 =	vsel vm0, v43, v51;
	v34 =	vperm.xlane v59, v32;
	v0 =	vsel vm0, v42, v0  }
0xe3: {  	v52, v53, _ =	vpop (xrf1);
	(xrf1) =	vsort.dscd.msk.f32 $0xffff, v0, v1;
	v0 =	vperm.xlane v2, v32;
	v2 =	vsel vm0, v47, v55  }
0xe4: {  	v1 =	vsel vm0, v46, v54;
	v34 =	vsel vm0, v58, v34;
	v58 =	vperm.xlane v53, v32  }
0xe5: {  	v35 =	vperm.xlane v52, v32;
	v0 =	vsel vm0, v36, v0  }
0xe6: {  	v56, v57, _ =	vpop (xrf1);
	v36 =	vsel vm0, v63, v58  }
0xe7: {  	(xrf1) =	vsort.dscd.msk.f32 $0xffff, v1, v2;
	v35 =	vsel vm0, v50, v35;
	v1, v2, _ =	vpop (xrf1)  }
0xe8: {  	(xrf1) =	vsort.dscd.msk.f32 $0xffff, v0, v34;
	v0, v34, _ =	vpop (xrf1);
	v1 =	vperm.xlane v1, v32  }
0xe9: {  	v2 =	vperm.xlane v2, v32;
	v60, v59, _ =	vpop (xrf1)  }
0xea: {  	(xrf1) =	vsort.dscd.msk.f32 $0xffff, v35, v36;
	v35, v36, _ =	vpop (xrf1);
	v1 =	vsel vm0, v56, v1  }
0xeb: {  	v37 =	vperm.xlane v60, v32;
	v39 =	vperm.xlane v59, v32;
	v2 =	vsel vm0, v57, v2;
	v61, v62, _ =	vpop (xrf1)  }
0xec: {  	(xrf1) =	vsort.dscd.msk.f32 $0xffff, v1, v2;
	v40 =	vperm.xlane v62, v32  }
0xed: {  	v38 =	vperm.xlane v61, v32;
	v0 =	vsel vm0, v0, v37;
	v1 =	vsel vm0, v34, v39  }
0xee: {  	v2, v63, _ =	vpop (xrf1);
	(xrf1) =	vsort.dscd.msk.f32 $0xffff, v0, v1;
	v1 =	vsel vm0, v36, v40  }
0xef: {  	v0 =	vsel vm0, v35, v38;
	_ =	sdelay $0x1  }
0xf0: {  	v44, v45, _ =	vpop (xrf1)  }
0xf1: {  	(xrf1) =	vsort.dscd.msk.f32 $0xffff, v0, v1;
	v36 =	vperm.xlane v45, v32;
	v0, v1, _ =	vpop (xrf1)  }
0xf2: {  	v35 =	vperm.xlane v44, v32;
	v46, v47, _ =	vpop (xrf1)  }
0xf3: {  	v34 =	vsel vm0, v63, v36;
	v52 =	vperm.xlane v47, v32  }
0xf4: {  	v2 =	vsel vm0, v2, v35;
	v37 =	vperm.xlane v46, v32  }
0xf5: {  	v48, v49, _ =	vpop (xrf1);
	v1 =	vsel vm0, v1, v52  }
0xf6: {  	v51, v50, _ =	vpop (xrf1);
	v0 =	vsel vm0, v0, v37  }
0xf7: {  	(xrf1) =	vsort.dscd.msk.f32 $0xffff, v2, v34;
	v2, v34, _ =	vpop (xrf1);
	v55 =	vperm.xlane v50, v32  }
0xf8: {  	v35 =	vperm.xlane v51, v32;
	v54, v53, _ =	vpop (xrf1)  }
0xf9: {  	(xrf1) =	vsort.dscd.msk.f32 $0xffff, v0, v1;
	v36 =	vsel vm0, v49, v55;
	v38 =	vperm.xlane v53, v32;
	v0, v1, _ =	vpop (xrf1)  }
0xfa: {  	v37 =	vperm.xlane v54, v32;
	v35 =	vsel vm0, v48, v35;
	v57, v56, _ =	vpop (xrf1)  }
0xfb: {  	v34 =	vsel vm0, v34, v38;
	v61 =	vperm.xlane v56, v32  }
0xfc: {  	v2 =	vsel vm0, v2, v37;
	v60 =	vperm.xlane v57, v32  }
0xfd: {  	(xrf1) =	vsort.dscd.msk.f32 $0xffff, v35, v36;
	v35, v36, _ =	vpop (xrf1);
	v1 =	vsel vm0, v1, v61  }
0xfe: {  	v59, v58, _ =	vpop (xrf1);
	v0 =	vsel vm0, v0, v60  }
0xff: {  	(xrf1) =	vsort.dscd.msk.f32 $0xffff, v2, v34;
	v2, v34, _ =	vpop (xrf1)  }
0x100: {  	v37 =	vperm.xlane v59, v32;
	v63, v62, _ =	vpop (xrf1)  }
0x101: {  	v44 =	vperm.xlane v58, v32;
	(xrf1) =	vsort.dscd.msk.f32 $0xffff, v0, v1;
	v0, v1, _ =	vpop (xrf1)  }
0x102: {  	v35 =	vsel vm0, v35, v37;
	v38 =	vperm.xlane v63, v32;
	v41 =	vperm.xlane v62, v32;
	v46, v45, _ =	vpop (xrf1)  }
0x103: {  	v36 =	vsel vm0, v36, v44;
	v37 =	vperm.xlane v46, v32;
	v47 =	vperm.xlane v45, v32  }
0x104: {  	(xrf1) =	vsort.dscd.msk.f32 $0xffff, v35, v36;
	v2 =	vsel vm0, v2, v38;
	v34 =	vsel vm0, v34, v41  }
0x105: {  	(xrf1) =	vsort.dscd.msk.f32 $0xffff, v2, v34;
	v0 =	vsel vm0, v0, v37;
	v1 =	vsel vm0, v1, v47  }
0x106: {  	(xrf1) =	vsort.dscd.msk.f32 $0xffff, v0, v1;
	_ =	sdelay $0x4  }
0x107: {  	v0, v1, _ =	vpop (xrf1)  }
0x108: {  	v2, v34, _ =	vpop (xrf1)  }
0x109: {  	v34 =	vperm.xlane v34, v32  }
0x10a: {  	v2 =	vperm.xlane v2, v32  }
0x10b: {  	v35, v36, _ =	vpop (xrf1);
	v1 =	vsel vm0, v1, v34  }
0x10c: {  	v49, v48, _ =	vpop (xrf1);
	v0 =	vsel vm0, v0, v2  }
0x10d: {  	v50, v40, _ =	vpop (xrf1)  }
0x10e: {  	v52 =	vperm.xlane v49, v32;
	v2, v51, _ =	vpop (xrf1)  }
0x10f: {  	v53 =	vperm.xlane v48, v32;
	(xrf1) =	vsort.dscd.msk.f32 $0xffff, v0, v1;
	v0, v1, _ =	vpop (xrf1)  }
0x110: {  	v34 =	vsel vm0, v35, v52;
	v2 =	vperm.xlane v2, v32;
	v41 =	vperm.xlane v51, v32;
	v55, v54, _ =	vpop (xrf1)  }
0x111: {  	v36 =	vsel vm0, v36, v53;
	v35 =	vperm.xlane v55, v32;
	v56 =	vperm.xlane v54, v32  }
0x112: {  	(xrf1) =	vsort.dscd.msk.f32 $0xffff, v34, v36;
	v2 =	vsel vm0, v50, v2;
	v57 =	vsel vm0, v40, v41  }
0x113: {  	(xrf1) =	vsort.dscd.msk.f32 $0xffff, v2, v57;
	v0 =	vsel vm0, v0, v35;
	v1 =	vsel vm0, v1, v56  }
0x114: {  	(xrf1) =	vsort.dscd.msk.f32 $0xffff, v0, v1;
	_ =	sdelay $0xa  }
0x115: {  	v0, v1, _ =	vpop (xrf1)  }
0x116: {  	v2, v34, _ =	vpop (xrf1)  }
0x117: {  	v59, v58, _ =	vpop (xrf1)  }
0x118: {  	v2 =	vperm.xlane v2, v32;
	v34 =	vperm.xlane v34, v32;
	v60, v38, _ =	vpop (xrf1)  }
0x119: {  	v37 =	vperm.xlane v60, v32;
	v38 =	vperm.xlane v38, v32  }
0x11a: {  	v0 =	vsel vm0, v0, v2;
	v1 =	vsel vm0, v1, v34  }
0x11b: {  	(xrf1) =	vsort.dscd.msk.f32 $0xffff, v0, v1;
	v0 =	vsel vm0, v59, v37;
	v1 =	vsel vm0, v58, v38  }
0x11c: {  	(xrf1) =	vsort.dscd.msk.f32 $0xffff, v0, v1;
	_ =	sdelay $0xc  }
0x11d: {  	v0, v1, _ =	vpop (xrf1)  }
0x11e: {  	v2, v61, _ =	vpop (xrf1)  }
0x11f: {  	v2 =	vperm.xlane v2, v32;
	v34 =	vperm.xlane v61, v32;
	_ =	sdelay $0x1  }
0x120: {  	v0 =	vsel vm0, v0, v2;
	v1 =	vsel vm0, v1, v34  }
0x121: {  	(xrf1) =	vsort.dscd.msk.f32 $0xffff, v0, v1;
	_ =	sdelay $0xd  }
0x122: {  	v0, v1, _ =	vpop (xrf1)  }
0x123: {  	(xrf0) =	vmax.scan.msk.f32 $0xffff, v0;
	_ =	sdelay $0x5  }
0x124: {  	v2, _, _ =	vpop (xrf0)  }
0x125: {  	v2 =	vbroadcast v2, $0xF;
	_ =	sdelay $0x1  }
0x126: {  	v0 =	vsub.f32 v0, v2;
	_ =	sdelay $0x1  }
0x127: {  	v0 =	vmul.f32 $1.442695020e+00, v0;
	_ =	sdelay $0x1  }
0x128: {  	(erf) = vpow2.f32 v0;
	_ =	sdelay $0x3  }
0x129: {  	[tilespmem:s15+$0x2000] =	vst v33  }
0x12a: {  	[tilespmem:s15+$0x2010] =	vst v33  }
0x12b: {  	[tilespmem:s15+$0x2020] =	vst v33  }
0x12c: {  	[tilespmem:s15+$0x2030] =	vst v33  }
0x12d: {  	[tilespmem:s15+$0x2040] =	vst v33  }
0x12e: {  	[tilespmem:s15+$0x2050] =	vst v33;
	v0 =	vpop (erf)  }
0x12f: {  	[tilespmem:s15+$0x2060] =	vst v33;
	v0 =	vnsel vm0, $0x0, v0  }
0x130: {  	[tilespmem:s15+$0x2070] =	vst v33;
	(xrf2) =	vadd.scan.msk.f32 $0xffff, v0  }
0x131: {  	[tilespmem:s15+$0x2400] =	vst v33  }
0x132: {  	[tilespmem:s15+$0x2410] =	vst v33  }
0x133: {  	[tilespmem:s15+$0x2420] =	vst v33  }
0x134: {  	[tilespmem:s15+$0x2430] =	vst v33  }
0x135: {  	[tilespmem:s15+$0x2440] =	vst v33  }
0x136: {  	[tilespmem:s15+$0x2450] =	vst v33  }
0x137: {  	[tilespmem:s15+$0x2460] =	vst v33  }
0x138: {  	[tilespmem:s15+$0x2470] =	vst v33  }
0x139: {  	[tilespmem:s15+$0x2800] =	vst v33  }
0x13a: {  	[tilespmem:s15+$0x2810] =	vst v33;
	v2, _, _ =	vpop (xrf2)  }
0x13b: {  	[tilespmem:s15+$0x2820] =	vst v33;
	v2 =	vbroadcast v2, $0xF  }
0x13c: {  	[tilespmem:s15+$0x2830] =	vst v33  }
0x13d: {  	[tilespmem:s15+$0x2840] =	vst v33;
	(erf) = vrcp.f32 v2  }
0x13e: {  	s31 =	sadd.s32 $0x1, s14;
	[tilespmem:s15+$0x2850] =	vst v33  }
0x13f: {  	[tilespmem:s15+$0x2860] =	vst v33;
	v2 =	vmov s31  }
0x140: {  	[tilespmem:s15+$0x2870] =	vst v33;
	v63 =	vshll.u32 v1, $0x3;
	v62 =	vshll.u32 v2, $0x9  }
0x141: {  	[tilespmem:s22+$0x2000] =	vst v33;
	v35 =	vand.u32 $0xFFFFFC00, v63;
	v2 =	vshll.u32 v2, $0x7;
	v34 =	vand.u32 $0x1000, v62  }
0x142: {  	[tilespmem:s16+$0x2000] =	vst v33;
	v2 =	vand.u32 $0x380, v2;
	v34 =	vadd.s32 v34, v35  }
0x143: {  	[tilespmem:s25+$0x2000] =	vst v33;
	v1 =	vand.u32 $0x7F, v1;
	v2 =	vor.u32 v2, v34  }
0x144: {  	p0 =	sne.s32 s14, $0xE;
	[tilespmem:s26+$0x2000] =	vst v33;
	v1 =	vor.u32 v1, v2  }
.Ltmp0:
0x145: {  	[tilespmem:s28+$0x2000] =	vst v33;
	(pc) =	sbr.rel @p0 .LBB2_2-.Ltmp0, $4  }
0x146: {  	[tilespmem:s29+$0x2000] =	vst v33;
	v2 =	vpop (erf)  }
0x147: {  	[tilespmem:s30+$0x2000] =	vst v33;
	v0 =	vmul.f32 v2, v0  }
0x148: {  	s10 =	sadd.s32 $0x1, s10;
	s11 =	sadd.s32 $0x400, s11;
	s13 =	sadd.s32 $0x100, s13;
	v30 =	vld [tilespmem:$0x1FFF0];
	[tilespmem:s23+$0x2000] =	vst v33  }
0x149: {  	s12 =	sadd.s32 $0x2, s12;
	s9 =	sadd.s32 $0x400, s9;
	s14 =	sadd.s32 $0x2, s14;
	v2 =	vld [tilespmem:$0x1FFE0];
	[tilespmem:v1+s7+$0x0] =	vst.idx.msk $0xff, v0;
	v0 =	vlaneseq.u32  }
0x14a: {  	s8 =	sadd.s32 $0x1, s8  }
0x14b: {  	p0 =	sne.s32 s8, s5  }
.Ltmp1:
0x14c: {  	_ = 	snop;
	(pc) =	sbr.rel @p0 .LBB2_1-.Ltmp1, $4  }
0x14d: {  	[hbm4b:s4+s2] =	stream.linear.scatter [tilespmem:s7], [sflag:$0x1], $0x2000, $0x38;
	[tilespmem:$0x4000] =	vst v63  }
0x14e: {  	_ =	swait.ge [sflag:s6], $0x2000  }
0x14f: {  	[sflag:s6] =	ssyncset.done $0x0  }
0x150: {  	[sflag:s6] =	ssyncadd.s32 $0xFFFFE000  }
0x151: {  	_ =	sfence.sel $0x180000  }
0x152: {  	[bflag:$0x0] =	sbarrier.arrive $0xFFFF  }
0x153: {  	p0 =	sne.s32 s1, $0x0;
	_ =	strace $0x90000047  }
0x154: {  	s0 =	sadd.s32 @!p0 $0x100000, s0;
	[bflag:$0x2] =	sbarrier.arrive $0xFFFF  }
0x155: {  	[sflag:s0] =	ssyncadd.tile.s32 @!p0 $0x1;
	_ =	shalt  }
.Lfunc_end2:
_tile_overlayer_lowered:
.L_overlay_start_2:
0x156: {  	(tag) =	ssettag $0x2  }
0x157: {  	s0 =	rddreg [dreg:$0x0];
	s2 =	stileid.u32  }
0x158: {  	s1 =	rddreg [dreg:$0x1];
	p0 =	sne.s32 s2, $0x0  }
0x159: {  	s3 =	rddreg [dreg:$0x2];
	[bflag:$0x3] =	sbarrier.arrive $0xFFFF;
	s2 =	simm.s32 @!p0 $0x1C01  }
0x15a: {  	[timem:s3], [sflag:s2] =	dma.local @!p0 [hbm:s0], s1  }
0x15b: {  	s0 =	simm.s32 @!p0 $0x1  }
0x15c: {  	_ =	swait.ge @!p0 [sflag:s0], s1  }
0x15d: {  	s1 =	ssub.s32 @!p0 $0x0, s1;
	[sflag:s0] =	ssyncset.done @!p0 $0x0  }
0x15e: {  	[sflag:s0] =	ssyncadd.s32 @!p0 s1  }
0x15f: {  	[bflag:$0x3] =	sbarrier.arrive $0xFFFF  }
0x160: {  	_ =	shalt  }

</sc_bundles>
